<compile_context>
chip_gen: v7x
topology: tpu7x:2x2x1
jax: 0.10.2.dev20260603
libtpu: 0.0.44.dev20260713+nightly
codegen_flags: <defaults>
</compile_context>

<pallas_src>
import functools

import jax
import jax.numpy as jnp
from jax import lax
from jax.experimental import pallas as pl
from jax.experimental.pallas import tpu as pltpu
from jax.experimental.pallas import tpu_sc as plsc

_NC = 2
_NS = 16
_NW = _NC * _NS
_L = 16

_CUT = 5.0


def _mlp_body(sf_ref, w1_ref, b1_ref, w2_ref, b2_ref, out_ref):
    h = jnp.dot(sf_ref[...], w1_ref[...], preferred_element_type=jnp.float32)
    h = h + b1_ref[...]
    h = (h * jax.nn.sigmoid(h)) * (1.0 / 0.6)
    out = jnp.dot(h, w2_ref[...], preferred_element_type=jnp.float32) + b2_ref[...]
    half = out.shape[1] // 2
    rnd = jnp.int32(0x8000)
    lo = jax.lax.bitcast_convert_type(out[:, :half], jnp.int32) + rnd
    hi = jax.lax.bitcast_convert_type(out[:, half:], jnp.int32) + rnd
    out_ref[...] = jax.lax.bitwise_or(
        jax.lax.shift_right_logical(lo, 16),
        jax.lax.bitwise_and(hi, jnp.int32(-65536)),
    )


def _node_mlp(sf, w1, b1, w2, b2):
    n, d = sf.shape
    d3 = w2.shape[1]
    blk = 1000
    grid = n // blk
    return pl.pallas_call(
        _mlp_body,
        grid=(grid,),
        in_specs=[
            pl.BlockSpec((blk, d), lambda i: (i, 0)),
            pl.BlockSpec((d, d), lambda i: (0, 0)),
            pl.BlockSpec((1, d), lambda i: (0, 0)),
            pl.BlockSpec((d, d3), lambda i: (0, 0)),
            pl.BlockSpec((1, d3), lambda i: (0, 0)),
        ],
        out_specs=pl.BlockSpec((blk, d3 // 2), lambda i: (i, 0)),
        out_shape=jax.ShapeDtypeStruct((n, d3 // 2), jnp.int32),
    )(sf, w1, b1, w2, b2)


_GA_BLK = 80


def _gather_body(s_h, vf_h, px_h, py_h, pz_h, src_h, tgt_h,
                 s_out, vf_out, ex_h, ey_h, ez_h, ed2_h, *scratch):
    set0 = scratch[0:12]
    set1 = scratch[12:24]
    bx, by, bz, bd = scratch[24:28]
    n_edges = src_h.shape[0]
    per_tile = n_edges // _NW
    nblk = per_tile // _GA_BLK
    c = lax.axis_index("c")
    s = lax.axis_index("s")
    wid = s * _NC + c
    base0 = wid * per_tile

    def fire_idx(b, st):
        src_v, tgt_v = st[0], st[1]
        sem_i = st[10]
        sl_e = pl.ds(base0 + b * _GA_BLK, _GA_BLK)
        pltpu.async_copy(src_h.at[sl_e], src_v, sem_i)
        pltpu.async_copy(tgt_h.at[sl_e], tgt_v, sem_i)

    def wait_idx(b, st):
        src_v, tgt_v = st[0], st[1]
        sem_i = st[10]
        sl_e = pl.ds(base0 + b * _GA_BLK, _GA_BLK)
        pltpu.make_async_copy(src_h.at[sl_e], src_v, sem_i).wait()
        pltpu.make_async_copy(tgt_h.at[sl_e], tgt_v, sem_i).wait()

    def _gather_list(st):
        src_v, tgt_v, rows_s, rows_v, gxs, gys, gzs, gxt, gyt, gzt = st[:10]
        sem_g = st[11]
        return [
            (s_h.at[src_v], rows_s, sem_g),
            (vf_h.at[src_v], rows_v, sem_g),
            (px_h.at[src_v], gxs, sem_g),
            (py_h.at[src_v], gys, sem_g),
            (pz_h.at[src_v], gzs, sem_g),
            (px_h.at[tgt_v], gxt, sem_g),
            (py_h.at[tgt_v], gyt, sem_g),
            (pz_h.at[tgt_v], gzt, sem_g),
        ]

    def fire_gathers(st):
        for args in _gather_list(st):
            pltpu.async_copy(*args)

    def wait_gathers(st):
        for args in _gather_list(st):
            pltpu.make_async_copy(*args).wait()

    def consume(b, st):
        rows_s, rows_v = st[2], st[3]
        gxs, gys, gzs, gxt, gyt, gzt = st[4:10]
        sl_e = pl.ds(base0 + b * _GA_BLK, _GA_BLK)

        def geom(i, carry2):
            sl = pl.ds(i * _L, _L)
            dx = gxt[sl] - gxs[sl]
            dy = gyt[sl] - gys[sl]
            dz = gzt[sl] - gzs[sl]
            bx[sl] = dx
            by[sl] = dy
            bz[sl] = dz
            bd[sl] = dx * dx + dy * dy + dz * dz
            return carry2

        lax.fori_loop(0, _GA_BLK // _L, geom, 0)
        pltpu.sync_copy(rows_s, s_out.at[sl_e, :])
        pltpu.sync_copy(rows_v, vf_out.at[sl_e, :])
        pltpu.sync_copy(bx, ex_h.at[sl_e])
        pltpu.sync_copy(by, ey_h.at[sl_e])
        pltpu.sync_copy(bz, ez_h.at[sl_e])
        pltpu.sync_copy(bd, ed2_h.at[sl_e])

    fire_idx(0, set0)
    wait_idx(0, set0)
    fire_gathers(set0)
    fire_idx(1, set1)

    def body(g, carry):
        b0 = g * 2
        b1 = b0 + 1
        wait_idx(b1, set1)
        fire_gathers(set1)
        wait_gathers(set0)

        @pl.when(b0 + 2 < nblk)
        def _i0():
            fire_idx(b0 + 2, set0)

        consume(b0, set0)

        @pl.when(b0 + 2 < nblk)
        def _g0():
            wait_idx(b0 + 2, set0)
            fire_gathers(set0)

        wait_gathers(set1)

        @pl.when(b1 + 2 < nblk)
        def _i1():
            fire_idx(b1 + 2, set1)

        consume(b1, set1)
        return carry

    lax.fori_loop(0, nblk // 2, body, 0)
    if nblk % 2:
        wait_gathers(set0)
        consume(nblk - 1, set0)


def _edge_gathers(s_packed, vf_packed, px, py, pz, src, tgt):
    n, dp = s_packed.shape
    e = src.shape[0]
    mesh = plsc.VectorSubcoreMesh(core_axis_name="c", subcore_axis_name="s")
    f32 = jnp.float32
    i32 = jnp.int32
    kfn = pl.kernel(
        _gather_body,
        mesh=mesh,
        out_type=(
            jax.ShapeDtypeStruct((e, dp), i32),
            jax.ShapeDtypeStruct((e, dp), i32),
            jax.ShapeDtypeStruct((e,), f32),
            jax.ShapeDtypeStruct((e,), f32),
            jax.ShapeDtypeStruct((e,), f32),
            jax.ShapeDtypeStruct((e,), f32),
        ),
        scratch_types=(
            [
                pltpu.VMEM((_GA_BLK,), jnp.int32),
                pltpu.VMEM((_GA_BLK,), jnp.int32),
                pltpu.VMEM((_GA_BLK, dp), i32),
                pltpu.VMEM((_GA_BLK, dp), i32),
            ]
            + [pltpu.VMEM((_GA_BLK,), f32) for _ in range(6)]
            + [pltpu.SemaphoreType.DMA, pltpu.SemaphoreType.DMA]
        ) * 2
        + [pltpu.VMEM((_GA_BLK,), f32) for _ in range(4)],
    )
    return kfn(s_packed, vf_packed, px, py, pz, src, tgt)


_TWO_PI = 6.2831853071795865
_COS_C = (
    0.9999994436787928,
    -0.49999558165605595,
    0.04166103279014615,
    -0.0013862747315839738,
    2.4253192495694853e-05,
    -2.2193949944515623e-07,
)


def _fast_cos(y):
    k = jnp.floor(y * (1.0 / _TWO_PI) + 0.5)
    t = y - k * _TWO_PI
    u = t * t
    r = jnp.float32(_COS_C[5])
    for c in _COS_C[4::-1]:
        r = r * u + jnp.float32(c)
    return r


def _unpack_halves(w):
    lo = jax.lax.bitcast_convert_type(jax.lax.shift_left(w, 16), jnp.float32)
    hi = jax.lax.bitcast_convert_type(
        jax.lax.bitwise_and(w, jnp.int32(-65536)), jnp.float32
    )
    return lo, hi


def _msg_body(ed_ref, ssrc_ref, vfsrc_ref, e32_ref, rw_ref, rb_ref, out_ref):
    d2 = ed_ref[:, 3:4]
    dist = jnp.sqrt(d2)
    inv_dist = 1.0 / dist
    ds_scaled = dist * (1.0 / _CUT)
    rbf = _fast_cos(ds_scaled * e32_ref[...] - (0.5 * jnp.pi)) * inv_dist
    filt = jnp.dot(rbf, rw_ref[...], preferred_element_type=jnp.float32)
    filt = filt + rb_ref[...]
    filt = jnp.where(
        filt < _CUT, 0.5 * (1.0 + _fast_cos(filt * (jnp.pi / _CUT))), 0.0
    )
    d = ssrc_ref.shape[1] // 2
    s_lo, s_hi = _unpack_halves(ssrc_ref[...])
    v_lo, v_hi = _unpack_halves(vfsrc_ref[...])
    scalar = s_lo[:, :d] * filt[:, :d]
    equiv = s_lo[:, d:] * filt[:, d:2 * d]
    invar = s_hi[:, :d] * filt[:, 2 * d:]
    out_ref[0] = scalar
    vparts = (v_lo[:, :d], v_lo[:, d:], v_hi[:, :d])
    for k in range(3):
        ru_k = ed_ref[:, k:k + 1] * inv_dist
        out_ref[k + 1] = invar * ru_k + equiv * vparts[k]


def _edge_messages(ed_t, s_src, vf_src, e32, rw, rb):
    e, dp = s_src.shape
    d = dp // 2
    d3 = 3 * d
    blk = 2560
    grid = e // blk
    return pl.pallas_call(
        _msg_body,
        grid=(grid,),
        in_specs=[
            pl.BlockSpec((blk, 4), lambda i: (i, 0)),
            pl.BlockSpec((blk, dp), lambda i: (i, 0)),
            pl.BlockSpec((blk, dp), lambda i: (i, 0)),
            pl.BlockSpec((1, e32.shape[1]), lambda i: (0, 0)),
            pl.BlockSpec((e32.shape[1], d3), lambda i: (0, 0)),
            pl.BlockSpec((1, d3), lambda i: (0, 0)),
        ],
        out_specs=pl.BlockSpec((4, blk, d), lambda i: (0, i, 0)),
        out_shape=jax.ShapeDtypeStruct((4, e, d), jnp.float32),
    )(ed_t, s_src, vf_src, e32, rw, rb)


_SC_BLK = 80


def _scatter_body(msg_h, tgt_h, zeros_h, out_h, acc,
                  idx0, buf0, sem0, idx1, buf1, sem1):
    n_edges = tgt_h.shape[0]
    n_nodes = zeros_h.shape[0]
    per_tile_e = n_edges // _NS
    rows_per_tile = (n_nodes // _NS) // 8 * 8
    rem = n_nodes - rows_per_tile * _NS
    nblk = per_tile_e // _SC_BLK
    c = lax.axis_index("c")
    s = lax.axis_index("s")
    r0 = s * rows_per_tile
    rrem = rows_per_tile * _NS
    ebase = s * per_tile_e

    for j in range(2):
        chunk = c * 2 + j
        pltpu.sync_copy(
            zeros_h.at[pl.ds(r0, rows_per_tile), :],
            acc.at[pl.ds(r0, rows_per_tile), :],
        )
        if rem:
            @pl.when(s == _NS - 1)
            def _zero_rem():
                pltpu.sync_copy(
                    zeros_h.at[pl.ds(rrem, rem), :],
                    acc.at[pl.ds(rrem, rem), :],
                )
        plsc.subcore_barrier()

        def start(b, idx_v, buf, sem):
            base = ebase + b * _SC_BLK
            pltpu.async_copy(tgt_h.at[pl.ds(base, _SC_BLK)], idx_v, sem)
            pltpu.async_copy(msg_h.at[chunk, pl.ds(base, _SC_BLK), :], buf, sem)

        def finish(b, idx_v, buf, sem):
            base = ebase + b * _SC_BLK
            pltpu.make_async_copy(
                tgt_h.at[pl.ds(base, _SC_BLK)], idx_v, sem
            ).wait()
            pltpu.make_async_copy(
                msg_h.at[chunk, pl.ds(base, _SC_BLK), :], buf, sem
            ).wait()
            pltpu.sync_copy(buf, acc.at[idx_v], add=True)

        start(0, idx0, buf0, sem0)

        def body(g, carry):
            b0 = g * 2
            start(b0 + 1, idx1, buf1, sem1)
            finish(b0, idx0, buf0, sem0)

            @pl.when(b0 + 2 < nblk)
            def _next():
                start(b0 + 2, idx0, buf0, sem0)

            finish(b0 + 1, idx1, buf1, sem1)
            return carry

        lax.fori_loop(0, nblk // 2, body, 0)
        plsc.subcore_barrier()
        pltpu.sync_copy(
            acc.at[pl.ds(r0, rows_per_tile), :],
            out_h.at[chunk, pl.ds(r0, rows_per_tile), :],
        )
        if rem:
            @pl.when(s == _NS - 1)
            def _drain_rem():
                pltpu.sync_copy(
                    acc.at[pl.ds(rrem, rem), :],
                    out_h.at[chunk, pl.ds(rrem, rem), :],
                )


def _scatter_add(msg4, tgt, zeros):
    e = tgt.shape[0]
    n, d = zeros.shape
    mesh = plsc.VectorSubcoreMesh(core_axis_name="c", subcore_axis_name="s")
    kfn = pl.kernel(
        _scatter_body,
        mesh=mesh,
        out_type=jax.ShapeDtypeStruct((4, n, d), jnp.float32),
        scratch_types=[
            pltpu.VMEM_SHARED((n, d), jnp.float32),
            pltpu.VMEM((_SC_BLK,), jnp.int32),
            pltpu.VMEM((_SC_BLK, d), jnp.float32),
            pltpu.SemaphoreType.DMA,
            pltpu.VMEM((_SC_BLK,), jnp.int32),
            pltpu.VMEM((_SC_BLK, d), jnp.float32),
            pltpu.SemaphoreType.DMA,
        ],
    )
    return kfn(msg4, tgt, zeros)


def kernel(vectorial_feat, scalar_feat, node_pos, edge_index, W1, b1, W2, b2,
           rbf_W, rbf_b, expanded_distance):
    n, d = scalar_feat.shape
    e = edge_index.shape[1]
    r = rbf_W.shape[0]
    d3 = 3 * d

    perm = (jnp.arange(d3) % d) * 3 + (jnp.arange(d3) // d)
    rwp = rbf_W[:, perm]
    rbp = rbf_b[perm].reshape(1, d3)
    d3e = 4 * d
    dp = d3e // 2
    w2p = jnp.concatenate([W2[:, perm], jnp.zeros((d, d), jnp.float32)], axis=1)
    b2p = jnp.concatenate([b2[perm], jnp.zeros((d,), jnp.float32)]).reshape(1, d3e)

    rp = 32
    rwp = jnp.concatenate([rwp, jnp.zeros((rp - r, d3), jnp.float32)], axis=0)
    e32 = jnp.concatenate(
        [expanded_distance, jnp.zeros((rp - r,), jnp.float32)]
    ).reshape(1, rp)

    vf_t = vectorial_feat.transpose(0, 2, 1).reshape(n, d3)
    rnd = jnp.int32(0x8000)
    vf_lo = jax.lax.bitcast_convert_type(vf_t[:, :dp], jnp.int32) + rnd
    vf_hi_f = jnp.concatenate(
        [vf_t[:, dp:], jnp.zeros((n, d), jnp.float32)], axis=1
    )
    vf_hi = jax.lax.bitcast_convert_type(vf_hi_f, jnp.int32) + rnd
    vf_packed = jax.lax.bitwise_or(
        jax.lax.shift_right_logical(vf_lo, 16),
        jax.lax.bitwise_and(vf_hi, jnp.int32(-65536)),
    )
    src = edge_index[0]
    tgt = edge_index[1]
    px = node_pos[:, 0]
    py = node_pos[:, 1]
    pz = node_pos[:, 2]

    s_packed = _node_mlp(scalar_feat, W1, b1.reshape(1, d), w2p, b2p)
    s_src, vf_src, ex, ey, ez, ed2 = _edge_gathers(
        s_packed, vf_packed, px, py, pz, src, tgt
    )
    ed_t = jnp.stack([ex, ey, ez, ed2], axis=1)
    msg4 = _edge_messages(ed_t, s_src, vf_src, e32, rwp, rbp)
    out4 = _scatter_add(msg4, tgt, jnp.zeros((n, d), jnp.float32))

    scalar_out = out4[0]
    vec_out = jnp.transpose(out4[1:], (1, 2, 0))
    return (vec_out, scalar_out)

# --- scband reference (transcript-rebuilt; emitter-appended) ---
"""Pipeline reference for scband-message-block-27994596835757 (READ-ONLY COPY).

The authoritative reference and input builder live on the scoring server;
editing this copy changes nothing except your own understanding.
"""

import jax, jax.numpy as jnp
import numpy as np

N = 10000
E = 320000
D = 128
R = 20
CUT = 5.0


def _xavier_uniform(key, fan_in, fan_out):
    b = np.sqrt(6.0 / (fan_in + fan_out))
    return jax.random.uniform(key, (fan_in, fan_out), jnp.float32, -b, b)


def setup_inputs(seed: int = 0) -> dict:
    key = jax.random.key(seed)
    ks = jax.random.split(key, 8)
    vectorial_feat = jax.random.normal(ks[0], (N, D, 3), jnp.float32)
    scalar_feat = jax.random.normal(ks[1], (N, D), jnp.float32)
    node_pos = jax.random.uniform(ks[2], (N, 3), jnp.float32)
    src = jax.random.randint(ks[3], (E,), 0, N, dtype=jnp.int32)
    tgt = jax.random.randint(ks[4], (E,), 0, N, dtype=jnp.int32)
    tgt = jnp.where(tgt == src, (tgt + 1) % N, tgt)  # avoid self-loops (zero distance)
    edge_index = jnp.stack([src, tgt], axis=0)
    # learned params (PyTorch Linear stored here as [in, out]; biases zero-initialized)
    W1 = _xavier_uniform(ks[5], D, D)
    b1 = jnp.zeros((D,), jnp.float32)
    W2 = _xavier_uniform(ks[6], D, 3 * D)
    b2 = jnp.zeros((3 * D,), jnp.float32)
    rbf_W = _xavier_uniform(ks[7], R, 3 * D)
    rbf_b = jnp.zeros((3 * D,), jnp.float32)
    expanded_distance = jnp.arange(1, R + 1, dtype=jnp.float32) * jnp.pi  # non-trainable buffer
    return {
        'vectorial_feat': vectorial_feat,
        'scalar_feat': scalar_feat,
        'node_pos': node_pos,
        'edge_index': edge_index,
        'W1': W1, 'b1': b1, 'W2': W2, 'b2': b2,
        'rbf_W': rbf_W, 'rbf_b': rbf_b,
        'expanded_distance': expanded_distance,
    }


def _scaled_silu(x):
    return jax.nn.silu(x) * (1.0 / 0.6)


def reference(vectorial_feat, scalar_feat, node_pos, edge_index, W1, b1, W2, b2, rbf_W, rbf_b, expanded_distance):
    num_nodes = node_pos.shape[0]
    num_edges = edge_index.shape[-1]
    d = W1.shape[0]
    # scalar_feat_proj: Linear -> ScaledSiLU -> Linear
    s = _scaled_silu(scalar_feat @ W1 + b1) @ W2 + b2  # [N, 3D]
    source = edge_index[0]
    target = edge_index[1]
    relative_distance = node_pos[target] - node_pos[source]  # [E, 3]
    distance = jnp.sum(relative_distance ** 2, axis=-1) ** 0.5  # [E]
    # radial basis
    distance_scaled = distance / CUT
    rbf = jnp.sin(expanded_distance * distance_scaled[:, None]) / distance[:, None]  # [E, R]
    # rbf projection + cosine cutoff (applied to filter values, faithful to source)
    filt = rbf @ rbf_W + rbf_b  # [E, 3D]
    filt = 0.5 * (1.0 + jnp.cos(filt * jnp.pi / CUT)) * (filt < CUT).astype(filt.dtype)
    message = s[source] * filt  # [E, 3D]
    message = message.reshape(num_edges, d, 3)
    scalar_message = message[..., 0]
    equivariant = message[..., 1]
    invariant = message[..., 2]
    scalar_out = jax.ops.segment_sum(scalar_message, target, num_segments=num_nodes)  # [N, D]
    rel_unit = (relative_distance / distance[:, None])[:, None, :]  # [E, 1, 3]
    inv_msg = invariant[..., None] * rel_unit  # [E, D, 3]
    eqv_msg = equivariant[..., None] * vectorial_feat[source]  # [E, D, 3]
    vec_msg = inv_msg + eqv_msg
    vec_out = jax.ops.segment_sum(vec_msg, target, num_segments=num_nodes)  # [N, D, 3]
    return (vec_out, scalar_out)

if __name__ == "__main__":
    import jax
    _d = setup_inputs()
    print(jax.jit(kernel)(*tuple(_d.values())))

</pallas_src>

<mosaic_0001>
#map = affine_map<(d0, d1) -> (0, 0)>
#map1 = affine_map<(d0, d1) -> (0)>
module attributes {stable_mosaic.version = 14 : i64} {
  func.func @_gather_body(%arg0: i32, %arg1: i32, %arg2: memref<10000x256xi32, #tpu.memory_space<hbm>>, %arg3: memref<10000x256xi32, #tpu.memory_space<hbm>>, %arg4: memref<10000xf32, #tpu.memory_space<hbm>>, %arg5: memref<10000xf32, #tpu.memory_space<hbm>>, %arg6: memref<10000xf32, #tpu.memory_space<hbm>>, %arg7: memref<320000xi32, #tpu.memory_space<hbm>>, %arg8: memref<320000xi32, #tpu.memory_space<hbm>>, %arg9: memref<320000x256xi32, #tpu.memory_space<hbm>>, %arg10: memref<320000x256xi32, #tpu.memory_space<hbm>>, %arg11: memref<320000xf32, #tpu.memory_space<hbm>>, %arg12: memref<320000xf32, #tpu.memory_space<hbm>>, %arg13: memref<320000xf32, #tpu.memory_space<hbm>>, %arg14: memref<320000xf32, #tpu.memory_space<hbm>>, %arg15: memref<80xi32, #tpu.memory_space<vmem>>, %arg16: memref<80xi32, #tpu.memory_space<vmem>>, %arg17: memref<80x256xi32, #tpu.memory_space<vmem>>, %arg18: memref<80x256xi32, #tpu.memory_space<vmem>>, %arg19: memref<80xf32, #tpu.memory_space<vmem>>, %arg20: memref<80xf32, #tpu.memory_space<vmem>>, %arg21: memref<80xf32, #tpu.memory_space<vmem>>, %arg22: memref<80xf32, #tpu.memory_space<vmem>>, %arg23: memref<80xf32, #tpu.memory_space<vmem>>, %arg24: memref<80xf32, #tpu.memory_space<vmem>>, %arg25: memref<!tpu.dma_semaphore, #tpu.memory_space<semaphore_mem>>, %arg26: memref<!tpu.dma_semaphore, #tpu.memory_space<semaphore_mem>>, %arg27: memref<80xi32, #tpu.memory_space<vmem>>, %arg28: memref<80xi32, #tpu.memory_space<vmem>>, %arg29: memref<80x256xi32, #tpu.memory_space<vmem>>, %arg30: memref<80x256xi32, #tpu.memory_space<vmem>>, %arg31: memref<80xf32, #tpu.memory_space<vmem>>, %arg32: memref<80xf32, #tpu.memory_space<vmem>>, %arg33: memref<80xf32, #tpu.memory_space<vmem>>, %arg34: memref<80xf32, #tpu.memory_space<vmem>>, %arg35: memref<80xf32, #tpu.memory_space<vmem>>, %arg36: memref<80xf32, #tpu.memory_space<vmem>>, %arg37: memref<!tpu.dma_semaphore, #tpu.memory_space<semaphore_mem>>, %arg38: memref<!tpu.dma_semaphore, #tpu.memory_space<semaphore_mem>>, %arg39: memref<80xf32, #tpu.memory_space<vmem>>, %arg40: memref<80xf32, #tpu.memory_space<vmem>>, %arg41: memref<80xf32, #tpu.memory_space<vmem>>, %arg42: memref<80xf32, #tpu.memory_space<vmem>>) attributes {dimension_semantics = [#tpu.dimension_semantics<core_parallel>, #tpu.dimension_semantics<subcore_parallel>], iteration_bounds = array<i64: 2, 16>, scalar_prefetch = 0 : i64, scratch_operands = 28 : i64, tpu.core_type = #tpu.core_type<sc_vector_subcore>, window_params = [{transform_indices = #map}, {transform_indices = #map}, {transform_indices = #map1}, {transform_indices = #map1}, {transform_indices = #map1}, {transform_indices = #map1}, {transform_indices = #map1}, {transform_indices = #map}, {transform_indices = #map}, {transform_indices = #map1}, {transform_indices = #map1}, {transform_indices = #map1}, {transform_indices = #map1}]} {
    %mul3A = arith.constant 2 : i32
    %mul3A_0 = arith.muli %arg1, %mul3A : i32
    %add3A = arith.addi %mul3A_0, %arg0 : i32
    %mul3A_1 = arith.constant 10000 : i32
    %mul3A_2 = arith.muli %add3A, %mul3A_1 : i32
    %add3A_3 = arith.constant 0 : i32
    %add3A_4 = arith.addi %mul3A_2, %add3A_3 : i32
    %dma_start3A = tpu.memref_slice %arg7[%add3A_4] : memref<320000xi32, #tpu.memory_space<hbm>> -> memref<80xi32, #tpu.memory_space<hbm>>
    %dma_start3A_5 = tpu.memref_slice %arg7[%add3A_4] : memref<320000xi32, #tpu.memory_space<hbm>> -> memref<80xi32, #tpu.memory_space<hbm>>
    tpu.enqueue_dma source(%dma_start3A_5 : memref<80xi32, #tpu.memory_space<hbm>>) target(%arg15 : memref<80xi32, #tpu.memory_space<vmem>>) target_semaphore(%arg25 : memref<!tpu.dma_semaphore, #tpu.memory_space<semaphore_mem>>)
    %dma_start3A_6 = tpu.memref_slice %arg8[%add3A_4] : memref<320000xi32, #tpu.memory_space<hbm>> -> memref<80xi32, #tpu.memory_space<hbm>>
    %dma_start3A_7 = tpu.memref_slice %arg8[%add3A_4] : memref<320000xi32, #tpu.memory_space<hbm>> -> memref<80xi32, #tpu.memory_space<hbm>>
    tpu.enqueue_dma source(%dma_start3A_7 : memref<80xi32, #tpu.memory_space<hbm>>) target(%arg16 : memref<80xi32, #tpu.memory_space<vmem>>) target_semaphore(%arg25 : memref<!tpu.dma_semaphore, #tpu.memory_space<semaphore_mem>>)
    %add3A_8 = arith.constant 0 : i32
    %add3A_9 = arith.addi %mul3A_2, %add3A_8 : i32
    %dma_wait3A = tpu.memref_slice %arg7[%add3A_9] : memref<320000xi32, #tpu.memory_space<hbm>> -> memref<80xi32, #tpu.memory_space<hbm>>
    %dma_wait3A_10 = tpu.memref_slice %arg7[%add3A_9] : memref<320000xi32, #tpu.memory_space<hbm>> -> memref<80xi32, #tpu.memory_space<hbm>>
    tpu.wait_dma2 semaphore(%arg25 : memref<!tpu.dma_semaphore, #tpu.memory_space<semaphore_mem>>) src(%dma_wait3A_10 : memref<80xi32, #tpu.memory_space<hbm>>) dst(%arg15 : memref<80xi32, #tpu.memory_space<vmem>>)
    %dma_wait3A_11 = tpu.memref_slice %arg8[%add3A_9] : memref<320000xi32, #tpu.memory_space<hbm>> -> memref<80xi32, #tpu.memory_space<hbm>>
    %dma_wait3A_12 = tpu.memref_slice %arg8[%add3A_9] : memref<320000xi32, #tpu.memory_space<hbm>> -> memref<80xi32, #tpu.memory_space<hbm>>
    tpu.wait_dma2 semaphore(%arg25 : memref<!tpu.dma_semaphore, #tpu.memory_space<semaphore_mem>>) src(%dma_wait3A_12 : memref<80xi32, #tpu.memory_space<hbm>>) dst(%arg16 : memref<80xi32, #tpu.memory_space<vmem>>)
    %dma_start3A_13 = arith.constant 0 : i32
    %dma_start3A_14 = arith.constant 0 : i32
    %dma_start3A_15 = tpu.memref_slice %arg2[%dma_start3A_13, %dma_start3A_14] : memref<10000x256xi32, #tpu.memory_space<hbm>> -> memref<10000x256xi32, #tpu.memory_space<hbm>>
    tpu.enqueue_indirect_dma source(%dma_start3A_15 : memref<10000x256xi32, #tpu.memory_space<hbm>>) target(%arg17 : memref<80x256xi32, #tpu.memory_space<vmem>>) offsets(%arg15 : memref<80xi32, #tpu.memory_space<vmem>>) semaphore(%arg26 : memref<!tpu.dma_semaphore, #tpu.memory_space<semaphore_mem>>)
    %dma_start3A_16 = arith.constant 0 : i32
    %dma_start3A_17 = arith.constant 0 : i32
    %dma_start3A_18 = tpu.memref_slice %arg3[%dma_start3A_16, %dma_start3A_17] : memref<10000x256xi32, #tpu.memory_space<hbm>> -> memref<10000x256xi32, #tpu.memory_space<hbm>>
    tpu.enqueue_indirect_dma source(%dma_start3A_18 : memref<10000x256xi32, #tpu.memory_space<hbm>>) target(%arg18 : memref<80x256xi32, #tpu.memory_space<vmem>>) offsets(%arg15 : memref<80xi32, #tpu.memory_space<vmem>>) semaphore(%arg26 : memref<!tpu.dma_semaphore, #tpu.memory_space<semaphore_mem>>)
    %dma_start3A_19 = arith.constant 0 : i32
    %dma_start3A_20 = tpu.memref_slice %arg4[%dma_start3A_19] : memref<10000xf32, #tpu.memory_space<hbm>> -> memref<10000xf32, #tpu.memory_space<hbm>>
    tpu.enqueue_indirect_dma source(%dma_start3A_20 : memref<10000xf32, #tpu.memory_space<hbm>>) target(%arg19 : memref<80xf32, #tpu.memory_space<vmem>>) offsets(%arg15 : memref<80xi32, #tpu.memory_space<vmem>>) semaphore(%arg26 : memref<!tpu.dma_semaphore, #tpu.memory_space<semaphore_mem>>)
    %dma_start3A_21 = arith.constant 0 : i32
    %dma_start3A_22 = tpu.memref_slice %arg5[%dma_start3A_21] : memref<10000xf32, #tpu.memory_space<hbm>> -> memref<10000xf32, #tpu.memory_space<hbm>>
    tpu.enqueue_indirect_dma source(%dma_start3A_22 : memref<10000xf32, #tpu.memory_space<hbm>>) target(%arg20 : memref<80xf32, #tpu.memory_space<vmem>>) offsets(%arg15 : memref<80xi32, #tpu.memory_space<vmem>>) semaphore(%arg26 : memref<!tpu.dma_semaphore, #tpu.memory_space<semaphore_mem>>)
    %dma_start3A_23 = arith.constant 0 : i32
    %dma_start3A_24 = tpu.memref_slice %arg6[%dma_start3A_23] : memref<10000xf32, #tpu.memory_space<hbm>> -> memref<10000xf32, #tpu.memory_space<hbm>>
    tpu.enqueue_indirect_dma source(%dma_start3A_24 : memref<10000xf32, #tpu.memory_space<hbm>>) target(%arg21 : memref<80xf32, #tpu.memory_space<vmem>>) offsets(%arg15 : memref<80xi32, #tpu.memory_space<vmem>>) semaphore(%arg26 : memref<!tpu.dma_semaphore, #tpu.memory_space<semaphore_mem>>)
    %dma_start3A_25 = arith.constant 0 : i32
    %dma_start3A_26 = tpu.memref_slice %arg4[%dma_start3A_25] : memref<10000xf32, #tpu.memory_space<hbm>> -> memref<10000xf32, #tpu.memory_space<hbm>>
    tpu.enqueue_indirect_dma source(%dma_start3A_26 : memref<10000xf32, #tpu.memory_space<hbm>>) target(%arg22 : memref<80xf32, #tpu.memory_space<vmem>>) offsets(%arg16 : memref<80xi32, #tpu.memory_space<vmem>>) semaphore(%arg26 : memref<!tpu.dma_semaphore, #tpu.memory_space<semaphore_mem>>)
    %dma_start3A_27 = arith.constant 0 : i32
    %dma_start3A_28 = tpu.memref_slice %arg5[%dma_start3A_27] : memref<10000xf32, #tpu.memory_space<hbm>> -> memref<10000xf32, #tpu.memory_space<hbm>>
    tpu.enqueue_indirect_dma source(%dma_start3A_28 : memref<10000xf32, #tpu.memory_space<hbm>>) target(%arg23 : memref<80xf32, #tpu.memory_space<vmem>>) offsets(%arg16 : memref<80xi32, #tpu.memory_space<vmem>>) semaphore(%arg26 : memref<!tpu.dma_semaphore, #tpu.memory_space<semaphore_mem>>)
    %dma_start3A_29 = arith.constant 0 : i32
    %dma_start3A_30 = tpu.memref_slice %arg6[%dma_start3A_29] : memref<10000xf32, #tpu.memory_space<hbm>> -> memref<10000xf32, #tpu.memory_space<hbm>>
    tpu.enqueue_indirect_dma source(%dma_start3A_30 : memref<10000xf32, #tpu.memory_space<hbm>>) target(%arg24 : memref<80xf32, #tpu.memory_space<vmem>>) offsets(%arg16 : memref<80xi32, #tpu.memory_space<vmem>>) semaphore(%arg26 : memref<!tpu.dma_semaphore, #tpu.memory_space<semaphore_mem>>)
    %add3A_31 = arith.constant 80 : i32
    %add3A_32 = arith.addi %mul3A_2, %add3A_31 : i32
    %dma_start3A_33 = tpu.memref_slice %arg7[%add3A_32] : memref<320000xi32, #tpu.memory_space<hbm>> -> memref<80xi32, #tpu.memory_space<hbm>>
    %dma_start3A_34 = tpu.memref_slice %arg7[%add3A_32] : memref<320000xi32, #tpu.memory_space<hbm>> -> memref<80xi32, #tpu.memory_space<hbm>>
    tpu.enqueue_dma source(%dma_start3A_34 : memref<80xi32, #tpu.memory_space<hbm>>) target(%arg27 : memref<80xi32, #tpu.memory_space<vmem>>) target_semaphore(%arg37 : memref<!tpu.dma_semaphore, #tpu.memory_space<semaphore_mem>>)
    %dma_start3A_35 = tpu.memref_slice %arg8[%add3A_32] : memref<320000xi32, #tpu.memory_space<hbm>> -> memref<80xi32, #tpu.memory_space<hbm>>
    %dma_start3A_36 = tpu.memref_slice %arg8[%add3A_32] : memref<320000xi32, #tpu.memory_space<hbm>> -> memref<80xi32, #tpu.memory_space<hbm>>
    tpu.enqueue_dma source(%dma_start3A_36 : memref<80xi32, #tpu.memory_space<hbm>>) target(%arg28 : memref<80xi32, #tpu.memory_space<vmem>>) target_semaphore(%arg37 : memref<!tpu.dma_semaphore, #tpu.memory_space<semaphore_mem>>)
    %scan3A = arith.constant 0 : i32
    %scan3A_37 = arith.constant 0 : i32
    %scan3A_38 = arith.constant 62 : i32
    %scan3A_39 = arith.addi %scan3A_37, %scan3A_38 : i32
    %scan3A_40 = arith.constant 1 : i32
    scf.for %scan3A_68 = %scan3A_37 to %scan3A_39 step %scan3A_40  : i32 {
      %mul3A_69 = arith.constant 2 : i32
      %mul3A_70 = arith.muli %scan3A_68, %mul3A_69 : i32
      %add3A_71 = arith.constant 1 : i32
      %add3A_72 = arith.addi %mul3A_70, %add3A_71 : i32
      %mul3A_73 = arith.constant 80 : i32
      %mul3A_74 = arith.muli %add3A_72, %mul3A_73 : i32
      %add3A_75 = arith.addi %mul3A_2, %mul3A_74 : i32
      %dma_wait3A_76 = tpu.memref_slice %arg7[%add3A_75] : memref<320000xi32, #tpu.memory_space<hbm>> -> memref<80xi32, #tpu.memory_space<hbm>>
      %dma_wait3A_77 = tpu.memref_slice %arg7[%add3A_75] : memref<320000xi32, #tpu.memory_space<hbm>> -> memref<80xi32, #tpu.memory_space<hbm>>
      tpu.wait_dma2 semaphore(%arg37 : memref<!tpu.dma_semaphore, #tpu.memory_space<semaphore_mem>>) src(%dma_wait3A_77 : memref<80xi32, #tpu.memory_space<hbm>>) dst(%arg27 : memref<80xi32, #tpu.memory_space<vmem>>)
      %dma_wait3A_78 = tpu.memref_slice %arg8[%add3A_75] : memref<320000xi32, #tpu.memory_space<hbm>> -> memref<80xi32, #tpu.memory_space<hbm>>
      %dma_wait3A_79 = tpu.memref_slice %arg8[%add3A_75] : memref<320000xi32, #tpu.memory_space<hbm>> -> memref<80xi32, #tpu.memory_space<hbm>>
      tpu.wait_dma2 semaphore(%arg37 : memref<!tpu.dma_semaphore, #tpu.memory_space<semaphore_mem>>) src(%dma_wait3A_79 : memref<80xi32, #tpu.memory_space<hbm>>) dst(%arg28 : memref<80xi32, #tpu.memory_space<vmem>>)
      %dma_start3A_80 = arith.constant 0 : i32
      %dma_start3A_81 = arith.constant 0 : i32
      %dma_start3A_82 = tpu.memref_slice %arg2[%dma_start3A_80, %dma_start3A_81] : memref<10000x256xi32, #tpu.memory_space<hbm>> -> memref<10000x256xi32, #tpu.memory_space<hbm>>
      tpu.enqueue_indirect_dma source(%dma_start3A_82 : memref<10000x256xi32, #tpu.memory_space<hbm>>) target(%arg29 : memref<80x256xi32, #tpu.memory_space<vmem>>) offsets(%arg27 : memref<80xi32, #tpu.memory_space<vmem>>) semaphore(%arg38 : memref<!tpu.dma_semaphore, #tpu.memory_space<semaphore_mem>>)
      %dma_start3A_83 = arith.constant 0 : i32
      %dma_start3A_84 = arith.constant 0 : i32
      %dma_start3A_85 = tpu.memref_slice %arg3[%dma_start3A_83, %dma_start3A_84] : memref<10000x256xi32, #tpu.memory_space<hbm>> -> memref<10000x256xi32, #tpu.memory_space<hbm>>
      tpu.enqueue_indirect_dma source(%dma_start3A_85 : memref<10000x256xi32, #tpu.memory_space<hbm>>) target(%arg30 : memref<80x256xi32, #tpu.memory_space<vmem>>) offsets(%arg27 : memref<80xi32, #tpu.memory_space<vmem>>) semaphore(%arg38 : memref<!tpu.dma_semaphore, #tpu.memory_space<semaphore_mem>>)
      %dma_start3A_86 = arith.constant 0 : i32
      %dma_start3A_87 = tpu.memref_slice %arg4[%dma_start3A_86] : memref<10000xf32, #tpu.memory_space<hbm>> -> memref<10000xf32, #tpu.memory_space<hbm>>
      tpu.enqueue_indirect_dma source(%dma_start3A_87 : memref<10000xf32, #tpu.memory_space<hbm>>) target(%arg31 : memref<80xf32, #tpu.memory_space<vmem>>) offsets(%arg27 : memref<80xi32, #tpu.memory_space<vmem>>) semaphore(%arg38 : memref<!tpu.dma_semaphore, #tpu.memory_space<semaphore_mem>>)
      %dma_start3A_88 = arith.constant 0 : i32
      %dma_start3A_89 = tpu.memref_slice %arg5[%dma_start3A_88] : memref<10000xf32, #tpu.memory_space<hbm>> -> memref<10000xf32, #tpu.memory_space<hbm>>
      tpu.enqueue_indirect_dma source(%dma_start3A_89 : memref<10000xf32, #tpu.memory_space<hbm>>) target(%arg32 : memref<80xf32, #tpu.memory_space<vmem>>) offsets(%arg27 : memref<80xi32, #tpu.memory_space<vmem>>) semaphore(%arg38 : memref<!tpu.dma_semaphore, #tpu.memory_space<semaphore_mem>>)
      %dma_start3A_90 = arith.constant 0 : i32
      %dma_start3A_91 = tpu.memref_slice %arg6[%dma_start3A_90] : memref<10000xf32, #tpu.memory_space<hbm>> -> memref<10000xf32, #tpu.memory_space<hbm>>
      tpu.enqueue_indirect_dma source(%dma_start3A_91 : memref<10000xf32, #tpu.memory_space<hbm>>) target(%arg33 : memref<80xf32, #tpu.memory_space<vmem>>) offsets(%arg27 : memref<80xi32, #tpu.memory_space<vmem>>) semaphore(%arg38 : memref<!tpu.dma_semaphore, #tpu.memory_space<semaphore_mem>>)
      %dma_start3A_92 = arith.constant 0 : i32
      %dma_start3A_93 = tpu.memref_slice %arg4[%dma_start3A_92] : memref<10000xf32, #tpu.memory_space<hbm>> -> memref<10000xf32, #tpu.memory_space<hbm>>
      tpu.enqueue_indirect_dma source(%dma_start3A_93 : memref<10000xf32, #tpu.memory_space<hbm>>) target(%arg34 : memref<80xf32, #tpu.memory_space<vmem>>) offsets(%arg28 : memref<80xi32, #tpu.memory_space<vmem>>) semaphore(%arg38 : memref<!tpu.dma_semaphore, #tpu.memory_space<semaphore_mem>>)
      %dma_start3A_94 = arith.constant 0 : i32
      %dma_start3A_95 = tpu.memref_slice %arg5[%dma_start3A_94] : memref<10000xf32, #tpu.memory_space<hbm>> -> memref<10000xf32, #tpu.memory_space<hbm>>
      tpu.enqueue_indirect_dma source(%dma_start3A_95 : memref<10000xf32, #tpu.memory_space<hbm>>) target(%arg35 : memref<80xf32, #tpu.memory_space<vmem>>) offsets(%arg28 : memref<80xi32, #tpu.memory_space<vmem>>) semaphore(%arg38 : memref<!tpu.dma_semaphore, #tpu.memory_space<semaphore_mem>>)
      %dma_start3A_96 = arith.constant 0 : i32
      %dma_start3A_97 = tpu.memref_slice %arg6[%dma_start3A_96] : memref<10000xf32, #tpu.memory_space<hbm>> -> memref<10000xf32, #tpu.memory_space<hbm>>
      tpu.enqueue_indirect_dma source(%dma_start3A_97 : memref<10000xf32, #tpu.memory_space<hbm>>) target(%arg36 : memref<80xf32, #tpu.memory_space<vmem>>) offsets(%arg28 : memref<80xi32, #tpu.memory_space<vmem>>) semaphore(%arg38 : memref<!tpu.dma_semaphore, #tpu.memory_space<semaphore_mem>>)
      %dma_wait3A_98 = arith.constant 0 : i32
      %dma_wait3A_99 = arith.constant 0 : i32
      %dma_wait3A_100 = tpu.memref_slice %arg2[%dma_wait3A_98, %dma_wait3A_99] : memref<10000x256xi32, #tpu.memory_space<hbm>> -> memref<10000x256xi32, #tpu.memory_space<hbm>>
      tpu.wait_indirect_dma semaphore(%arg26 : memref<!tpu.dma_semaphore, #tpu.memory_space<semaphore_mem>>) src(%dma_wait3A_100 : memref<10000x256xi32, #tpu.memory_space<hbm>>) dst(%arg17 : memref<80x256xi32, #tpu.memory_space<vmem>>)
      %dma_wait3A_101 = arith.constant 0 : i32
      %dma_wait3A_102 = arith.constant 0 : i32
      %dma_wait3A_103 = tpu.memref_slice %arg3[%dma_wait3A_101, %dma_wait3A_102] : memref<10000x256xi32, #tpu.memory_space<hbm>> -> memref<10000x256xi32, #tpu.memory_space<hbm>>
      tpu.wait_indirect_dma semaphore(%arg26 : memref<!tpu.dma_semaphore, #tpu.memory_space<semaphore_mem>>) src(%dma_wait3A_103 : memref<10000x256xi32, #tpu.memory_space<hbm>>) dst(%arg18 : memref<80x256xi32, #tpu.memory_space<vmem>>)
      %dma_wait3A_104 = arith.constant 0 : i32
      %dma_wait3A_105 = tpu.memref_slice %arg4[%dma_wait3A_104] : memref<10000xf32, #tpu.memory_space<hbm>> -> memref<10000xf32, #tpu.memory_space<hbm>>
      tpu.wait_indirect_dma semaphore(%arg26 : memref<!tpu.dma_semaphore, #tpu.memory_space<semaphore_mem>>) src(%dma_wait3A_105 : memref<10000xf32, #tpu.memory_space<hbm>>) dst(%arg19 : memref<80xf32, #tpu.memory_space<vmem>>)
      %dma_wait3A_106 = arith.constant 0 : i32
      %dma_wait3A_107 = tpu.memref_slice %arg5[%dma_wait3A_106] : memref<10000xf32, #tpu.memory_space<hbm>> -> memref<10000xf32, #tpu.memory_space<hbm>>
      tpu.wait_indirect_dma semaphore(%arg26 : memref<!tpu.dma_semaphore, #tpu.memory_space<semaphore_mem>>) src(%dma_wait3A_107 : memref<10000xf32, #tpu.memory_space<hbm>>) dst(%arg20 : memref<80xf32, #tpu.memory_space<vmem>>)
      %dma_wait3A_108 = arith.constant 0 : i32
      %dma_wait3A_109 = tpu.memref_slice %arg6[%dma_wait3A_108] : memref<10000xf32, #tpu.memory_space<hbm>> -> memref<10000xf32, #tpu.memory_space<hbm>>
      tpu.wait_indirect_dma semaphore(%arg26 : memref<!tpu.dma_semaphore, #tpu.memory_space<semaphore_mem>>) src(%dma_wait3A_109 : memref<10000xf32, #tpu.memory_space<hbm>>) dst(%arg21 : memref<80xf32, #tpu.memory_space<vmem>>)
      %dma_wait3A_110 = arith.constant 0 : i32
      %dma_wait3A_111 = tpu.memref_slice %arg4[%dma_wait3A_110] : memref<10000xf32, #tpu.memory_space<hbm>> -> memref<10000xf32, #tpu.memory_space<hbm>>
      tpu.wait_indirect_dma semaphore(%arg26 : memref<!tpu.dma_semaphore, #tpu.memory_space<semaphore_mem>>) src(%dma_wait3A_111 : memref<10000xf32, #tpu.memory_space<hbm>>) dst(%arg22 : memref<80xf32, #tpu.memory_space<vmem>>)
      %dma_wait3A_112 = arith.constant 0 : i32
      %dma_wait3A_113 = tpu.memref_slice %arg5[%dma_wait3A_112] : memref<10000xf32, #tpu.memory_space<hbm>> -> memref<10000xf32, #tpu.memory_space<hbm>>
      tpu.wait_indirect_dma semaphore(%arg26 : memref<!tpu.dma_semaphore, #tpu.memory_space<semaphore_mem>>) src(%dma_wait3A_113 : memref<10000xf32, #tpu.memory_space<hbm>>) dst(%arg23 : memref<80xf32, #tpu.memory_space<vmem>>)
      %dma_wait3A_114 = arith.constant 0 : i32
      %dma_wait3A_115 = tpu.memref_slice %arg6[%dma_wait3A_114] : memref<10000xf32, #tpu.memory_space<hbm>> -> memref<10000xf32, #tpu.memory_space<hbm>>
      tpu.wait_indirect_dma semaphore(%arg26 : memref<!tpu.dma_semaphore, #tpu.memory_space<semaphore_mem>>) src(%dma_wait3A_115 : memref<10000xf32, #tpu.memory_space<hbm>>) dst(%arg24 : memref<80xf32, #tpu.memory_space<vmem>>)
      %add3A_116 = arith.constant 2 : i32
      %add3A_117 = arith.addi %mul3A_70, %add3A_116 : i32
      %lt3A = arith.constant 125 : i32
      %lt3A_118 = arith.cmpi slt, %add3A_117, %lt3A : i32
      %convert_element_type3A = arith.extui %lt3A_118 : i1 to i32
      %cond3A = arith.constant 0 : i32
      %cond3A_119 = arith.cmpi ne, %convert_element_type3A, %cond3A : i32
      scf.if %cond3A_119 {
        %add3A_170 = arith.constant 2 : i32
        %add3A_171 = arith.addi %mul3A_70, %add3A_170 : i32
        %mul3A_172 = arith.constant 80 : i32
        %mul3A_173 = arith.muli %add3A_171, %mul3A_172 : i32
        %add3A_174 = arith.addi %mul3A_2, %mul3A_173 : i32
        %dma_start3A_175 = tpu.memref_slice %arg7[%add3A_174] : memref<320000xi32, #tpu.memory_space<hbm>> -> memref<80xi32, #tpu.memory_space<hbm>>
        %dma_start3A_176 = tpu.memref_slice %arg7[%add3A_174] : memref<320000xi32, #tpu.memory_space<hbm>> -> memref<80xi32, #tpu.memory_space<hbm>>
        tpu.enqueue_dma source(%dma_start3A_176 : memref<80xi32, #tpu.memory_space<hbm>>) target(%arg15 : memref<80xi32, #tpu.memory_space<vmem>>) target_semaphore(%arg25 : memref<!tpu.dma_semaphore, #tpu.memory_space<semaphore_mem>>)
        %dma_start3A_177 = tpu.memref_slice %arg8[%add3A_174] : memref<320000xi32, #tpu.memory_space<hbm>> -> memref<80xi32, #tpu.memory_space<hbm>>
        %dma_start3A_178 = tpu.memref_slice %arg8[%add3A_174] : memref<320000xi32, #tpu.memory_space<hbm>> -> memref<80xi32, #tpu.memory_space<hbm>>
        tpu.enqueue_dma source(%dma_start3A_178 : memref<80xi32, #tpu.memory_space<hbm>>) target(%arg16 : memref<80xi32, #tpu.memory_space<vmem>>) target_semaphore(%arg25 : memref<!tpu.dma_semaphore, #tpu.memory_space<semaphore_mem>>)
      } else {
      }
      %mul3A_120 = arith.constant 80 : i32
      %mul3A_121 = arith.muli %mul3A_70, %mul3A_120 : i32
      %add3A_122 = arith.addi %mul3A_2, %mul3A_121 : i32
      %scan3A_123 = arith.constant 0 : i32
      %scan3A_124 = arith.constant 0 : i32
      %scan3A_125 = arith.constant 5 : i32
      %scan3A_126 = arith.addi %scan3A_124, %scan3A_125 : i32
      %scan3A_127 = arith.constant 1 : i32
      scf.for %scan3A_170 = %scan3A_124 to %scan3A_126 step %scan3A_127  : i32 {
        %mul3A_171 = arith.constant 16 : i32
        %mul3A_172 = arith.muli %scan3A_170, %mul3A_171 : i32
        %get3A = arith.index_cast %mul3A_172 : i32 to index
        %get3A_173 = tpu.vector_load %arg22[%get3A] {strides = array<i32>} : memref<80xf32, #tpu.memory_space<vmem>>, vector<16xf32>,
        %get3A_174 = vector.shape_cast %get3A_173 : vector<16xf32> to vector<16xf32>
        %get3A_175 = arith.index_cast %mul3A_172 : i32 to index
        %get3A_176 = tpu.vector_load %arg19[%get3A_175] {strides = array<i32>} : memref<80xf32, #tpu.memory_space<vmem>>, vector<16xf32>,
        %get3A_177 = vector.shape_cast %get3A_176 : vector<16xf32> to vector<16xf32>
        %sub3A = arith.subf %get3A_174, %get3A_177 : vector<16xf32>
        %get3A_178 = arith.index_cast %mul3A_172 : i32 to index
        %get3A_179 = tpu.vector_load %arg23[%get3A_178] {strides = array<i32>} : memref<80xf32, #tpu.memory_space<vmem>>, vector<16xf32>,
        %get3A_180 = vector.shape_cast %get3A_179 : vector<16xf32> to vector<16xf32>
        %get3A_181 = arith.index_cast %mul3A_172 : i32 to index
        %get3A_182 = tpu.vector_load %arg20[%get3A_181] {strides = array<i32>} : memref<80xf32, #tpu.memory_space<vmem>>, vector<16xf32>,
        %get3A_183 = vector.shape_cast %get3A_182 : vector<16xf32> to vector<16xf32>
        %sub3A_184 = arith.subf %get3A_180, %get3A_183 : vector<16xf32>
        %get3A_185 = arith.index_cast %mul3A_172 : i32 to index
        %get3A_186 = tpu.vector_load %arg24[%get3A_185] {strides = array<i32>} : memref<80xf32, #tpu.memory_space<vmem>>, vector<16xf32>,
        %get3A_187 = vector.shape_cast %get3A_186 : vector<16xf32> to vector<16xf32>
        %get3A_188 = arith.index_cast %mul3A_172 : i32 to index
        %get3A_189 = tpu.vector_load %arg21[%get3A_188] {strides = array<i32>} : memref<80xf32, #tpu.memory_space<vmem>>, vector<16xf32>,
        %get3A_190 = vector.shape_cast %get3A_189 : vector<16xf32> to vector<16xf32>
        %sub3A_191 = arith.subf %get3A_187, %get3A_190 : vector<16xf32>
        %swap3A = arith.index_cast %mul3A_172 : i32 to index
        %swap3A_192 = tpu.vector_load %arg39[%swap3A] {strides = array<i32>} : memref<80xf32, #tpu.memory_space<vmem>>, vector<16xf32>,
        %swap3A_193 = vector.shape_cast %swap3A_192 : vector<16xf32> to vector<16xf32>
        %swap3A_194 = vector.shape_cast %sub3A : vector<16xf32> to vector<16xf32>
        tpu.vector_store %arg39[%swap3A], %swap3A_194 {strides = array<i32>} : memref<80xf32, #tpu.memory_space<vmem>>, vector<16xf32>,
        %swap3A_195 = arith.index_cast %mul3A_172 : i32 to index
        %swap3A_196 = tpu.vector_load %arg40[%swap3A_195] {strides = array<i32>} : memref<80xf32, #tpu.memory_space<vmem>>, vector<16xf32>,
        %swap3A_197 = vector.shape_cast %swap3A_196 : vector<16xf32> to vector<16xf32>
        %swap3A_198 = vector.shape_cast %sub3A_184 : vector<16xf32> to vector<16xf32>
        tpu.vector_store %arg40[%swap3A_195], %swap3A_198 {strides = array<i32>} : memref<80xf32, #tpu.memory_space<vmem>>, vector<16xf32>,
        %swap3A_199 = arith.index_cast %mul3A_172 : i32 to index
        %swap3A_200 = tpu.vector_load %arg41[%swap3A_199] {strides = array<i32>} : memref<80xf32, #tpu.memory_space<vmem>>, vector<16xf32>,
        %swap3A_201 = vector.shape_cast %swap3A_200 : vector<16xf32> to vector<16xf32>
        %swap3A_202 = vector.shape_cast %sub3A_191 : vector<16xf32> to vector<16xf32>
        tpu.vector_store %arg41[%swap3A_199], %swap3A_202 {strides = array<i32>} : memref<80xf32, #tpu.memory_space<vmem>>, vector<16xf32>,
        %mul3A_203 = arith.mulf %sub3A, %sub3A : vector<16xf32>
        %mul3A_204 = arith.mulf %sub3A_184, %sub3A_184 : vector<16xf32>
        %add3A_205 = arith.addf %mul3A_203, %mul3A_204 : vector<16xf32>
        %mul3A_206 = arith.mulf %sub3A_191, %sub3A_191 : vector<16xf32>
        %add3A_207 = arith.addf %add3A_205, %mul3A_206 : vector<16xf32>
        %swap3A_208 = arith.index_cast %mul3A_172 : i32 to index
        %swap3A_209 = tpu.vector_load %arg42[%swap3A_208] {strides = array<i32>} : memref<80xf32, #tpu.memory_space<vmem>>, vector<16xf32>,
        %swap3A_210 = vector.shape_cast %swap3A_209 : vector<16xf32> to vector<16xf32>
        %swap3A_211 = vector.shape_cast %add3A_207 : vector<16xf32> to vector<16xf32>
        tpu.vector_store %arg42[%swap3A_208], %swap3A_211 {strides = array<i32>} : memref<80xf32, #tpu.memory_space<vmem>>, vector<16xf32>,
      }
      %scan3A_128 = arith.constant 5 : i32
      "tpu.region"() ({
        %run_scoped3A = tpu.sem_alloc : memref<!tpu.dma_semaphore, #tpu.memory_space<semaphore_mem>>
        %dma_start3A_170 = arith.constant 0 : i32
        %dma_start3A_171 = tpu.memref_slice %arg9[%add3A_122, %dma_start3A_170] : memref<320000x256xi32, #tpu.memory_space<hbm>> -> memref<80x256xi32, #tpu.memory_space<hbm>>
        %dma_start3A_172 = arith.constant 0 : i32
        %dma_start3A_173 = tpu.memref_slice %arg9[%add3A_122, %dma_start3A_172] : memref<320000x256xi32, #tpu.memory_space<hbm>> -> memref<80x256xi32, #tpu.memory_space<hbm>>
        tpu.enqueue_dma source(%arg17 : memref<80x256xi32, #tpu.memory_space<vmem>>) target(%dma_start3A_173 : memref<80x256xi32, #tpu.memory_space<hbm>>) target_semaphore(%run_scoped3A : memref<!tpu.dma_semaphore, #tpu.memory_space<semaphore_mem>>)
        %dma_wait3A_174 = arith.constant 0 : i32
        %dma_wait3A_175 = tpu.memref_slice %arg9[%add3A_122, %dma_wait3A_174] : memref<320000x256xi32, #tpu.memory_space<hbm>> -> memref<80x256xi32, #tpu.memory_space<hbm>>
        %dma_wait3A_176 = arith.constant 0 : i32
        %dma_wait3A_177 = tpu.memref_slice %arg9[%add3A_122, %dma_wait3A_176] : memref<320000x256xi32, #tpu.memory_space<hbm>> -> memref<80x256xi32, #tpu.memory_space<hbm>>
        tpu.wait_dma2 semaphore(%run_scoped3A : memref<!tpu.dma_semaphore, #tpu.memory_space<semaphore_mem>>) src(%arg17 : memref<80x256xi32, #tpu.memory_space<vmem>>) dst(%dma_wait3A_177 : memref<80x256xi32, #tpu.memory_space<hbm>>)
        tpu.yield
      }) : () -> ()
      "tpu.region"() ({
        %run_scoped3A = tpu.sem_alloc : memref<!tpu.dma_semaphore, #tpu.memory_space<semaphore_mem>>
        %dma_start3A_170 = arith.constant 0 : i32
        %dma_start3A_171 = tpu.memref_slice %arg10[%add3A_122, %dma_start3A_170] : memref<320000x256xi32, #tpu.memory_space<hbm>> -> memref<80x256xi32, #tpu.memory_space<hbm>>
        %dma_start3A_172 = arith.constant 0 : i32
        %dma_start3A_173 = tpu.memref_slice %arg10[%add3A_122, %dma_start3A_172] : memref<320000x256xi32, #tpu.memory_space<hbm>> -> memref<80x256xi32, #tpu.memory_space<hbm>>
        tpu.enqueue_dma source(%arg18 : memref<80x256xi32, #tpu.memory_space<vmem>>) target(%dma_start3A_173 : memref<80x256xi32, #tpu.memory_space<hbm>>) target_semaphore(%run_scoped3A : memref<!tpu.dma_semaphore, #tpu.memory_space<semaphore_mem>>)
        %dma_wait3A_174 = arith.constant 0 : i32
        %dma_wait3A_175 = tpu.memref_slice %arg10[%add3A_122, %dma_wait3A_174] : memref<320000x256xi32, #tpu.memory_space<hbm>> -> memref<80x256xi32, #tpu.memory_space<hbm>>
        %dma_wait3A_176 = arith.constant 0 : i32
        %dma_wait3A_177 = tpu.memref_slice %arg10[%add3A_122, %dma_wait3A_176] : memref<320000x256xi32, #tpu.memory_space<hbm>> -> memref<80x256xi32, #tpu.memory_space<hbm>>
        tpu.wait_dma2 semaphore(%run_scoped3A : memref<!tpu.dma_semaphore, #tpu.memory_space<semaphore_mem>>) src(%arg18 : memref<80x256xi32, #tpu.memory_space<vmem>>) dst(%dma_wait3A_177 : memref<80x256xi32, #tpu.memory_space<hbm>>)
        tpu.yield
      }) : () -> ()
      "tpu.region"() ({
        %run_scoped3A = tpu.sem_alloc : memref<!tpu.dma_semaphore, #tpu.memory_space<semaphore_mem>>
        %dma_start3A_170 = tpu.memref_slice %arg11[%add3A_122] : memref<320000xf32, #tpu.memory_space<hbm>> -> memref<80xf32, #tpu.memory_space<hbm>>
        %dma_start3A_171 = tpu.memref_slice %arg11[%add3A_122] : memref<320000xf32, #tpu.memory_space<hbm>> -> memref<80xf32, #tpu.memory_space<hbm>>
        tpu.enqueue_dma source(%arg39 : memref<80xf32, #tpu.memory_space<vmem>>) target(%dma_start3A_171 : memref<80xf32, #tpu.memory_space<hbm>>) target_semaphore(%run_scoped3A : memref<!tpu.dma_semaphore, #tpu.memory_space<semaphore_mem>>)
        %dma_wait3A_172 = tpu.memref_slice %arg11[%add3A_122] : memref<320000xf32, #tpu.memory_space<hbm>> -> memref<80xf32, #tpu.memory_space<hbm>>
        %dma_wait3A_173 = tpu.memref_slice %arg11[%add3A_122] : memref<320000xf32, #tpu.memory_space<hbm>> -> memref<80xf32, #tpu.memory_space<hbm>>
        tpu.wait_dma2 semaphore(%run_scoped3A : memref<!tpu.dma_semaphore, #tpu.memory_space<semaphore_mem>>) src(%arg39 : memref<80xf32, #tpu.memory_space<vmem>>) dst(%dma_wait3A_173 : memref<80xf32, #tpu.memory_space<hbm>>)
        tpu.yield
      }) : () -> ()
      "tpu.region"() ({
        %run_scoped3A = tpu.sem_alloc : memref<!tpu.dma_semaphore, #tpu.memory_space<semaphore_mem>>
        %dma_start3A_170 = tpu.memref_slice %arg12[%add3A_122] : memref<320000xf32, #tpu.memory_space<hbm>> -> memref<80xf32, #tpu.memory_space<hbm>>
        %dma_start3A_171 = tpu.memref_slice %arg12[%add3A_122] : memref<320000xf32, #tpu.memory_space<hbm>> -> memref<80xf32, #tpu.memory_space<hbm>>
        tpu.enqueue_dma source(%arg40 : memref<80xf32, #tpu.memory_space<vmem>>) target(%dma_start3A_171 : memref<80xf32, #tpu.memory_space<hbm>>) target_semaphore(%run_scoped3A : memref<!tpu.dma_semaphore, #tpu.memory_space<semaphore_mem>>)
        %dma_wait3A_172 = tpu.memref_slice %arg12[%add3A_122] : memref<320000xf32, #tpu.memory_space<hbm>> -> memref<80xf32, #tpu.memory_space<hbm>>
        %dma_wait3A_173 = tpu.memref_slice %arg12[%add3A_122] : memref<320000xf32, #tpu.memory_space<hbm>> -> memref<80xf32, #tpu.memory_space<hbm>>
        tpu.wait_dma2 semaphore(%run_scoped3A : memref<!tpu.dma_semaphore, #tpu.memory_space<semaphore_mem>>) src(%arg40 : memref<80xf32, #tpu.memory_space<vmem>>) dst(%dma_wait3A_173 : memref<80xf32, #tpu.memory_space<hbm>>)
        tpu.yield
      }) : () -> ()
      "tpu.region"() ({
        %run_scoped3A = tpu.sem_alloc : memref<!tpu.dma_semaphore, #tpu.memory_space<semaphore_mem>>
        %dma_start3A_170 = tpu.memref_slice %arg13[%add3A_122] : memref<320000xf32, #tpu.memory_space<hbm>> -> memref<80xf32, #tpu.memory_space<hbm>>
        %dma_start3A_171 = tpu.memref_slice %arg13[%add3A_122] : memref<320000xf32, #tpu.memory_space<hbm>> -> memref<80xf32, #tpu.memory_space<hbm>>
        tpu.enqueue_dma source(%arg41 : memref<80xf32, #tpu.memory_space<vmem>>) target(%dma_start3A_171 : memref<80xf32, #tpu.memory_space<hbm>>) target_semaphore(%run_scoped3A : memref<!tpu.dma_semaphore, #tpu.memory_space<semaphore_mem>>)
        %dma_wait3A_172 = tpu.memref_slice %arg13[%add3A_122] : memref<320000xf32, #tpu.memory_space<hbm>> -> memref<80xf32, #tpu.memory_space<hbm>>
        %dma_wait3A_173 = tpu.memref_slice %arg13[%add3A_122] : memref<320000xf32, #tpu.memory_space<hbm>> -> memref<80xf32, #tpu.memory_space<hbm>>
        tpu.wait_dma2 semaphore(%run_scoped3A : memref<!tpu.dma_semaphore, #tpu.memory_space<semaphore_mem>>) src(%arg41 : memref<80xf32, #tpu.memory_space<vmem>>) dst(%dma_wait3A_173 : memref<80xf32, #tpu.memory_space<hbm>>)
        tpu.yield
      }) : () -> ()
      "tpu.region"() ({
        %run_scoped3A = tpu.sem_alloc : memref<!tpu.dma_semaphore, #tpu.memory_space<semaphore_mem>>
        %dma_start3A_170 = tpu.memref_slice %arg14[%add3A_122] : memref<320000xf32, #tpu.memory_space<hbm>> -> memref<80xf32, #tpu.memory_space<hbm>>
        %dma_start3A_171 = tpu.memref_slice %arg14[%add3A_122] : memref<320000xf32, #tpu.memory_space<hbm>> -> memref<80xf32, #tpu.memory_space<hbm>>
        tpu.enqueue_dma source(%arg42 : memref<80xf32, #tpu.memory_space<vmem>>) target(%dma_start3A_171 : memref<80xf32, #tpu.memory_space<hbm>>) target_semaphore(%run_scoped3A : memref<!tpu.dma_semaphore, #tpu.memory_space<semaphore_mem>>)
        %dma_wait3A_172 = tpu.memref_slice %arg14[%add3A_122] : memref<320000xf32, #tpu.memory_space<hbm>> -> memref<80xf32, #tpu.memory_space<hbm>>
        %dma_wait3A_173 = tpu.memref_slice %arg14[%add3A_122] : memref<320000xf32, #tpu.memory_space<hbm>> -> memref<80xf32, #tpu.memory_space<hbm>>
        tpu.wait_dma2 semaphore(%run_scoped3A : memref<!tpu.dma_semaphore, #tpu.memory_space<semaphore_mem>>) src(%arg42 : memref<80xf32, #tpu.memory_space<vmem>>) dst(%dma_wait3A_173 : memref<80xf32, #tpu.memory_space<hbm>>)
        tpu.yield
      }) : () -> ()
      %add3A_129 = arith.constant 2 : i32
      %add3A_130 = arith.addi %mul3A_70, %add3A_129 : i32
      %lt3A_131 = arith.constant 125 : i32
      %lt3A_132 = arith.cmpi slt, %add3A_130, %lt3A_131 : i32
      %convert_element_type3A_133 = arith.extui %lt3A_132 : i1 to i32
      %cond3A_134 = arith.constant 0 : i32
      %cond3A_135 = arith.cmpi ne, %convert_element_type3A_133, %cond3A_134 : i32
      scf.if %cond3A_135 {
        %add3A_170 = arith.constant 2 : i32
        %add3A_171 = arith.addi %mul3A_70, %add3A_170 : i32
        %mul3A_172 = arith.constant 80 : i32
        %mul3A_173 = arith.muli %add3A_171, %mul3A_172 : i32
        %add3A_174 = arith.addi %mul3A_2, %mul3A_173 : i32
        %dma_wait3A_175 = tpu.memref_slice %arg7[%add3A_174] : memref<320000xi32, #tpu.memory_space<hbm>> -> memref<80xi32, #tpu.memory_space<hbm>>
        %dma_wait3A_176 = tpu.memref_slice %arg7[%add3A_174] : memref<320000xi32, #tpu.memory_space<hbm>> -> memref<80xi32, #tpu.memory_space<hbm>>
        tpu.wait_dma2 semaphore(%arg25 : memref<!tpu.dma_semaphore, #tpu.memory_space<semaphore_mem>>) src(%dma_wait3A_176 : memref<80xi32, #tpu.memory_space<hbm>>) dst(%arg15 : memref<80xi32, #tpu.memory_space<vmem>>)
        %dma_wait3A_177 = tpu.memref_slice %arg8[%add3A_174] : memref<320000xi32, #tpu.memory_space<hbm>> -> memref<80xi32, #tpu.memory_space<hbm>>
        %dma_wait3A_178 = tpu.memref_slice %arg8[%add3A_174] : memref<320000xi32, #tpu.memory_space<hbm>> -> memref<80xi32, #tpu.memory_space<hbm>>
        tpu.wait_dma2 semaphore(%arg25 : memref<!tpu.dma_semaphore, #tpu.memory_space<semaphore_mem>>) src(%dma_wait3A_178 : memref<80xi32, #tpu.memory_space<hbm>>) dst(%arg16 : memref<80xi32, #tpu.memory_space<vmem>>)
        %dma_start3A_179 = arith.constant 0 : i32
        %dma_start3A_180 = arith.constant 0 : i32
        %dma_start3A_181 = tpu.memref_slice %arg2[%dma_start3A_179, %dma_start3A_180] : memref<10000x256xi32, #tpu.memory_space<hbm>> -> memref<10000x256xi32, #tpu.memory_space<hbm>>
        tpu.enqueue_indirect_dma source(%dma_start3A_181 : memref<10000x256xi32, #tpu.memory_space<hbm>>) target(%arg17 : memref<80x256xi32, #tpu.memory_space<vmem>>) offsets(%arg15 : memref<80xi32, #tpu.memory_space<vmem>>) semaphore(%arg26 : memref<!tpu.dma_semaphore, #tpu.memory_space<semaphore_mem>>)
        %dma_start3A_182 = arith.constant 0 : i32
        %dma_start3A_183 = arith.constant 0 : i32
        %dma_start3A_184 = tpu.memref_slice %arg3[%dma_start3A_182, %dma_start3A_183] : memref<10000x256xi32, #tpu.memory_space<hbm>> -> memref<10000x256xi32, #tpu.memory_space<hbm>>
        tpu.enqueue_indirect_dma source(%dma_start3A_184 : memref<10000x256xi32, #tpu.memory_space<hbm>>) target(%arg18 : memref<80x256xi32, #tpu.memory_space<vmem>>) offsets(%arg15 : memref<80xi32, #tpu.memory_space<vmem>>) semaphore(%arg26 : memref<!tpu.dma_semaphore, #tpu.memory_space<semaphore_mem>>)
        %dma_start3A_185 = arith.constant 0 : i32
        %dma_start3A_186 = tpu.memref_slice %arg4[%dma_start3A_185] : memref<10000xf32, #tpu.memory_space<hbm>> -> memref<10000xf32, #tpu.memory_space<hbm>>
        tpu.enqueue_indirect_dma source(%dma_start3A_186 : memref<10000xf32, #tpu.memory_space<hbm>>) target(%arg19 : memref<80xf32, #tpu.memory_space<vmem>>) offsets(%arg15 : memref<80xi32, #tpu.memory_space<vmem>>) semaphore(%arg26 : memref<!tpu.dma_semaphore, #tpu.memory_space<semaphore_mem>>)
        %dma_start3A_187 = arith.constant 0 : i32
        %dma_start3A_188 = tpu.memref_slice %arg5[%dma_start3A_187] : memref<10000xf32, #tpu.memory_space<hbm>> -> memref<10000xf32, #tpu.memory_space<hbm>>
        tpu.enqueue_indirect_dma source(%dma_start3A_188 : memref<10000xf32, #tpu.memory_space<hbm>>) target(%arg20 : memref<80xf32, #tpu.memory_space<vmem>>) offsets(%arg15 : memref<80xi32, #tpu.memory_space<vmem>>) semaphore(%arg26 : memref<!tpu.dma_semaphore, #tpu.memory_space<semaphore_mem>>)
        %dma_start3A_189 = arith.constant 0 : i32
        %dma_start3A_190 = tpu.memref_slice %arg6[%dma_start3A_189] : memref<10000xf32, #tpu.memory_space<hbm>> -> memref<10000xf32, #tpu.memory_space<hbm>>
        tpu.enqueue_indirect_dma source(%dma_start3A_190 : memref<10000xf32, #tpu.memory_space<hbm>>) target(%arg21 : memref<80xf32, #tpu.memory_space<vmem>>) offsets(%arg15 : memref<80xi32, #tpu.memory_space<vmem>>) semaphore(%arg26 : memref<!tpu.dma_semaphore, #tpu.memory_space<semaphore_mem>>)
        %dma_start3A_191 = arith.constant 0 : i32
        %dma_start3A_192 = tpu.memref_slice %arg4[%dma_start3A_191] : memref<10000xf32, #tpu.memory_space<hbm>> -> memref<10000xf32, #tpu.memory_space<hbm>>
        tpu.enqueue_indirect_dma source(%dma_start3A_192 : memref<10000xf32, #tpu.memory_space<hbm>>) target(%arg22 : memref<80xf32, #tpu.memory_space<vmem>>) offsets(%arg16 : memref<80xi32, #tpu.memory_space<vmem>>) semaphore(%arg26 : memref<!tpu.dma_semaphore, #tpu.memory_space<semaphore_mem>>)
        %dma_start3A_193 = arith.constant 0 : i32
        %dma_start3A_194 = tpu.memref_slice %arg5[%dma_start3A_193] : memref<10000xf32, #tpu.memory_space<hbm>> -> memref<10000xf32, #tpu.memory_space<hbm>>
        tpu.enqueue_indirect_dma source(%dma_start3A_194 : memref<10000xf32, #tpu.memory_space<hbm>>) target(%arg23 : memref<80xf32, #tpu.memory_space<vmem>>) offsets(%arg16 : memref<80xi32, #tpu.memory_space<vmem>>) semaphore(%arg26 : memref<!tpu.dma_semaphore, #tpu.memory_space<semaphore_mem>>)
        %dma_start3A_195 = arith.constant 0 : i32
        %dma_start3A_196 = tpu.memref_slice %arg6[%dma_start3A_195] : memref<10000xf32, #tpu.memory_space<hbm>> -> memref<10000xf32, #tpu.memory_space<hbm>>
        tpu.enqueue_indirect_dma source(%dma_start3A_196 : memref<10000xf32, #tpu.memory_space<hbm>>) target(%arg24 : memref<80xf32, #tpu.memory_space<vmem>>) offsets(%arg16 : memref<80xi32, #tpu.memory_space<vmem>>) semaphore(%arg26 : memref<!tpu.dma_semaphore, #tpu.memory_space<semaphore_mem>>)
      } else {
      }
      %dma_wait3A_136 = arith.constant 0 : i32
      %dma_wait3A_137 = arith.constant 0 : i32
      %dma_wait3A_138 = tpu.memref_slice %arg2[%dma_wait3A_136, %dma_wait3A_137] : memref<10000x256xi32, #tpu.memory_space<hbm>> -> memref<10000x256xi32, #tpu.memory_space<hbm>>
      tpu.wait_indirect_dma semaphore(%arg38 : memref<!tpu.dma_semaphore, #tpu.memory_space<semaphore_mem>>) src(%dma_wait3A_138 : memref<10000x256xi32, #tpu.memory_space<hbm>>) dst(%arg29 : memref<80x256xi32, #tpu.memory_space<vmem>>)
      %dma_wait3A_139 = arith.constant 0 : i32
      %dma_wait3A_140 = arith.constant 0 : i32
      %dma_wait3A_141 = tpu.memref_slice %arg3[%dma_wait3A_139, %dma_wait3A_140] : memref<10000x256xi32, #tpu.memory_space<hbm>> -> memref<10000x256xi32, #tpu.memory_space<hbm>>
      tpu.wait_indirect_dma semaphore(%arg38 : memref<!tpu.dma_semaphore, #tpu.memory_space<semaphore_mem>>) src(%dma_wait3A_141 : memref<10000x256xi32, #tpu.memory_space<hbm>>) dst(%arg30 : memref<80x256xi32, #tpu.memory_space<vmem>>)
      %dma_wait3A_142 = arith.constant 0 : i32
      %dma_wait3A_143 = tpu.memref_slice %arg4[%dma_wait3A_142] : memref<10000xf32, #tpu.memory_space<hbm>> -> memref<10000xf32, #tpu.memory_space<hbm>>
      tpu.wait_indirect_dma semaphore(%arg38 : memref<!tpu.dma_semaphore, #tpu.memory_space<semaphore_mem>>) src(%dma_wait3A_143 : memref<10000xf32, #tpu.memory_space<hbm>>) dst(%arg31 : memref<80xf32, #tpu.memory_space<vmem>>)
      %dma_wait3A_144 = arith.constant 0 : i32
      %dma_wait3A_145 = tpu.memref_slice %arg5[%dma_wait3A_144] : memref<10000xf32, #tpu.memory_space<hbm>> -> memref<10000xf32, #tpu.memory_space<hbm>>
      tpu.wait_indirect_dma semaphore(%arg38 : memref<!tpu.dma_semaphore, #tpu.memory_space<semaphore_mem>>) src(%dma_wait3A_145 : memref<10000xf32, #tpu.memory_space<hbm>>) dst(%arg32 : memref<80xf32, #tpu.memory_space<vmem>>)
      %dma_wait3A_146 = arith.constant 0 : i32
      %dma_wait3A_147 = tpu.memref_slice %arg6[%dma_wait3A_146] : memref<10000xf32, #tpu.memory_space<hbm>> -> memref<10000xf32, #tpu.memory_space<hbm>>
      tpu.wait_indirect_dma semaphore(%arg38 : memref<!tpu.dma_semaphore, #tpu.memory_space<semaphore_mem>>) src(%dma_wait3A_147 : memref<10000xf32, #tpu.memory_space<hbm>>) dst(%arg33 : memref<80xf32, #tpu.memory_space<vmem>>)
      %dma_wait3A_148 = arith.constant 0 : i32
      %dma_wait3A_149 = tpu.memref_slice %arg4[%dma_wait3A_148] : memref<10000xf32, #tpu.memory_space<hbm>> -> memref<10000xf32, #tpu.memory_space<hbm>>
      tpu.wait_indirect_dma semaphore(%arg38 : memref<!tpu.dma_semaphore, #tpu.memory_space<semaphore_mem>>) src(%dma_wait3A_149 : memref<10000xf32, #tpu.memory_space<hbm>>) dst(%arg34 : memref<80xf32, #tpu.memory_space<vmem>>)
      %dma_wait3A_150 = arith.constant 0 : i32
      %dma_wait3A_151 = tpu.memref_slice %arg5[%dma_wait3A_150] : memref<10000xf32, #tpu.memory_space<hbm>> -> memref<10000xf32, #tpu.memory_space<hbm>>
      tpu.wait_indirect_dma semaphore(%arg38 : memref<!tpu.dma_semaphore, #tpu.memory_space<semaphore_mem>>) src(%dma_wait3A_151 : memref<10000xf32, #tpu.memory_space<hbm>>) dst(%arg35 : memref<80xf32, #tpu.memory_space<vmem>>)
      %dma_wait3A_152 = arith.constant 0 : i32
      %dma_wait3A_153 = tpu.memref_slice %arg6[%dma_wait3A_152] : memref<10000xf32, #tpu.memory_space<hbm>> -> memref<10000xf32, #tpu.memory_space<hbm>>
      tpu.wait_indirect_dma semaphore(%arg38 : memref<!tpu.dma_semaphore, #tpu.memory_space<semaphore_mem>>) src(%dma_wait3A_153 : memref<10000xf32, #tpu.memory_space<hbm>>) dst(%arg36 : memref<80xf32, #tpu.memory_space<vmem>>)
      %add3A_154 = arith.constant 2 : i32
      %add3A_155 = arith.addi %add3A_72, %add3A_154 : i32
      %lt3A_156 = arith.constant 125 : i32
      %lt3A_157 = arith.cmpi slt, %add3A_155, %lt3A_156 : i32
      %convert_element_type3A_158 = arith.extui %lt3A_157 : i1 to i32
      %cond3A_159 = arith.constant 0 : i32
      %cond3A_160 = arith.cmpi ne, %convert_element_type3A_158, %cond3A_159 : i32
      scf.if %cond3A_160 {
        %add3A_170 = arith.constant 2 : i32
        %add3A_171 = arith.addi %add3A_72, %add3A_170 : i32
        %mul3A_172 = arith.constant 80 : i32
        %mul3A_173 = arith.muli %add3A_171, %mul3A_172 : i32
        %add3A_174 = arith.addi %mul3A_2, %mul3A_173 : i32
        %dma_start3A_175 = tpu.memref_slice %arg7[%add3A_174] : memref<320000xi32, #tpu.memory_space<hbm>> -> memref<80xi32, #tpu.memory_space<hbm>>
        %dma_start3A_176 = tpu.memref_slice %arg7[%add3A_174] : memref<320000xi32, #tpu.memory_space<hbm>> -> memref<80xi32, #tpu.memory_space<hbm>>
        tpu.enqueue_dma source(%dma_start3A_176 : memref<80xi32, #tpu.memory_space<hbm>>) target(%arg27 : memref<80xi32, #tpu.memory_space<vmem>>) target_semaphore(%arg37 : memref<!tpu.dma_semaphore, #tpu.memory_space<semaphore_mem>>)
        %dma_start3A_177 = tpu.memref_slice %arg8[%add3A_174] : memref<320000xi32, #tpu.memory_space<hbm>> -> memref<80xi32, #tpu.memory_space<hbm>>
        %dma_start3A_178 = tpu.memref_slice %arg8[%add3A_174] : memref<320000xi32, #tpu.memory_space<hbm>> -> memref<80xi32, #tpu.memory_space<hbm>>
        tpu.enqueue_dma source(%dma_start3A_178 : memref<80xi32, #tpu.memory_space<hbm>>) target(%arg28 : memref<80xi32, #tpu.memory_space<vmem>>) target_semaphore(%arg37 : memref<!tpu.dma_semaphore, #tpu.memory_space<semaphore_mem>>)
      } else {
      }
      %mul3A_161 = arith.constant 80 : i32
      %mul3A_162 = arith.muli %add3A_72, %mul3A_161 : i32
      %add3A_163 = arith.addi %mul3A_2, %mul3A_162 : i32
      %scan3A_164 = arith.constant 0 : i32
      %scan3A_165 = arith.constant 0 : i32
      %scan3A_166 = arith.constant 5 : i32
      %scan3A_167 = arith.addi %scan3A_165, %scan3A_166 : i32
      %scan3A_168 = arith.constant 1 : i32
      scf.for %scan3A_170 = %scan3A_165 to %scan3A_167 step %scan3A_168  : i32 {
        %mul3A_171 = arith.constant 16 : i32
        %mul3A_172 = arith.muli %scan3A_170, %mul3A_171 : i32
        %get3A = arith.index_cast %mul3A_172 : i32 to index
        %get3A_173 = tpu.vector_load %arg34[%get3A] {strides = array<i32>} : memref<80xf32, #tpu.memory_space<vmem>>, vector<16xf32>,
        %get3A_174 = vector.shape_cast %get3A_173 : vector<16xf32> to vector<16xf32>
        %get3A_175 = arith.index_cast %mul3A_172 : i32 to index
        %get3A_176 = tpu.vector_load %arg31[%get3A_175] {strides = array<i32>} : memref<80xf32, #tpu.memory_space<vmem>>, vector<16xf32>,
        %get3A_177 = vector.shape_cast %get3A_176 : vector<16xf32> to vector<16xf32>
        %sub3A = arith.subf %get3A_174, %get3A_177 : vector<16xf32>
        %get3A_178 = arith.index_cast %mul3A_172 : i32 to index
        %get3A_179 = tpu.vector_load %arg35[%get3A_178] {strides = array<i32>} : memref<80xf32, #tpu.memory_space<vmem>>, vector<16xf32>,
        %get3A_180 = vector.shape_cast %get3A_179 : vector<16xf32> to vector<16xf32>
        %get3A_181 = arith.index_cast %mul3A_172 : i32 to index
        %get3A_182 = tpu.vector_load %arg32[%get3A_181] {strides = array<i32>} : memref<80xf32, #tpu.memory_space<vmem>>, vector<16xf32>,
        %get3A_183 = vector.shape_cast %get3A_182 : vector<16xf32> to vector<16xf32>
        %sub3A_184 = arith.subf %get3A_180, %get3A_183 : vector<16xf32>
        %get3A_185 = arith.index_cast %mul3A_172 : i32 to index
        %get3A_186 = tpu.vector_load %arg36[%get3A_185] {strides = array<i32>} : memref<80xf32, #tpu.memory_space<vmem>>, vector<16xf32>,
        %get3A_187 = vector.shape_cast %get3A_186 : vector<16xf32> to vector<16xf32>
        %get3A_188 = arith.index_cast %mul3A_172 : i32 to index
        %get3A_189 = tpu.vector_load %arg33[%get3A_188] {strides = array<i32>} : memref<80xf32, #tpu.memory_space<vmem>>, vector<16xf32>,
        %get3A_190 = vector.shape_cast %get3A_189 : vector<16xf32> to vector<16xf32>
        %sub3A_191 = arith.subf %get3A_187, %get3A_190 : vector<16xf32>
        %swap3A = arith.index_cast %mul3A_172 : i32 to index
        %swap3A_192 = tpu.vector_load %arg39[%swap3A] {strides = array<i32>} : memref<80xf32, #tpu.memory_space<vmem>>, vector<16xf32>,
        %swap3A_193 = vector.shape_cast %swap3A_192 : vector<16xf32> to vector<16xf32>
        %swap3A_194 = vector.shape_cast %sub3A : vector<16xf32> to vector<16xf32>
        tpu.vector_store %arg39[%swap3A], %swap3A_194 {strides = array<i32>} : memref<80xf32, #tpu.memory_space<vmem>>, vector<16xf32>,
        %swap3A_195 = arith.index_cast %mul3A_172 : i32 to index
        %swap3A_196 = tpu.vector_load %arg40[%swap3A_195] {strides = array<i32>} : memref<80xf32, #tpu.memory_space<vmem>>, vector<16xf32>,
        %swap3A_197 = vector.shape_cast %swap3A_196 : vector<16xf32> to vector<16xf32>
        %swap3A_198 = vector.shape_cast %sub3A_184 : vector<16xf32> to vector<16xf32>
        tpu.vector_store %arg40[%swap3A_195], %swap3A_198 {strides = array<i32>} : memref<80xf32, #tpu.memory_space<vmem>>, vector<16xf32>,
        %swap3A_199 = arith.index_cast %mul3A_172 : i32 to index
        %swap3A_200 = tpu.vector_load %arg41[%swap3A_199] {strides = array<i32>} : memref<80xf32, #tpu.memory_space<vmem>>, vector<16xf32>,
        %swap3A_201 = vector.shape_cast %swap3A_200 : vector<16xf32> to vector<16xf32>
        %swap3A_202 = vector.shape_cast %sub3A_191 : vector<16xf32> to vector<16xf32>
        tpu.vector_store %arg41[%swap3A_199], %swap3A_202 {strides = array<i32>} : memref<80xf32, #tpu.memory_space<vmem>>, vector<16xf32>,
        %mul3A_203 = arith.mulf %sub3A, %sub3A : vector<16xf32>
        %mul3A_204 = arith.mulf %sub3A_184, %sub3A_184 : vector<16xf32>
        %add3A_205 = arith.addf %mul3A_203, %mul3A_204 : vector<16xf32>
        %mul3A_206 = arith.mulf %sub3A_191, %sub3A_191 : vector<16xf32>
        %add3A_207 = arith.addf %add3A_205, %mul3A_206 : vector<16xf32>
        %swap3A_208 = arith.index_cast %mul3A_172 : i32 to index
        %swap3A_209 = tpu.vector_load %arg42[%swap3A_208] {strides = array<i32>} : memref<80xf32, #tpu.memory_space<vmem>>, vector<16xf32>,
        %swap3A_210 = vector.shape_cast %swap3A_209 : vector<16xf32> to vector<16xf32>
        %swap3A_211 = vector.shape_cast %add3A_207 : vector<16xf32> to vector<16xf32>
        tpu.vector_store %arg42[%swap3A_208], %swap3A_211 {strides = array<i32>} : memref<80xf32, #tpu.memory_space<vmem>>, vector<16xf32>,
      }
      %scan3A_169 = arith.constant 5 : i32
      "tpu.region"() ({
        %run_scoped3A = tpu.sem_alloc : memref<!tpu.dma_semaphore, #tpu.memory_space<semaphore_mem>>
        %dma_start3A_170 = arith.constant 0 : i32
        %dma_start3A_171 = tpu.memref_slice %arg9[%add3A_163, %dma_start3A_170] : memref<320000x256xi32, #tpu.memory_space<hbm>> -> memref<80x256xi32, #tpu.memory_space<hbm>>
        %dma_start3A_172 = arith.constant 0 : i32
        %dma_start3A_173 = tpu.memref_slice %arg9[%add3A_163, %dma_start3A_172] : memref<320000x256xi32, #tpu.memory_space<hbm>> -> memref<80x256xi32, #tpu.memory_space<hbm>>
        tpu.enqueue_dma source(%arg29 : memref<80x256xi32, #tpu.memory_space<vmem>>) target(%dma_start3A_173 : memref<80x256xi32, #tpu.memory_space<hbm>>) target_semaphore(%run_scoped3A : memref<!tpu.dma_semaphore, #tpu.memory_space<semaphore_mem>>)
        %dma_wait3A_174 = arith.constant 0 : i32
        %dma_wait3A_175 = tpu.memref_slice %arg9[%add3A_163, %dma_wait3A_174] : memref<320000x256xi32, #tpu.memory_space<hbm>> -> memref<80x256xi32, #tpu.memory_space<hbm>>
        %dma_wait3A_176 = arith.constant 0 : i32
        %dma_wait3A_177 = tpu.memref_slice %arg9[%add3A_163, %dma_wait3A_176] : memref<320000x256xi32, #tpu.memory_space<hbm>> -> memref<80x256xi32, #tpu.memory_space<hbm>>
        tpu.wait_dma2 semaphore(%run_scoped3A : memref<!tpu.dma_semaphore, #tpu.memory_space<semaphore_mem>>) src(%arg29 : memref<80x256xi32, #tpu.memory_space<vmem>>) dst(%dma_wait3A_177 : memref<80x256xi32, #tpu.memory_space<hbm>>)
        tpu.yield
      }) : () -> ()
      "tpu.region"() ({
        %run_scoped3A = tpu.sem_alloc : memref<!tpu.dma_semaphore, #tpu.memory_space<semaphore_mem>>
        %dma_start3A_170 = arith.constant 0 : i32
        %dma_start3A_171 = tpu.memref_slice %arg10[%add3A_163, %dma_start3A_170] : memref<320000x256xi32, #tpu.memory_space<hbm>> -> memref<80x256xi32, #tpu.memory_space<hbm>>
        %dma_start3A_172 = arith.constant 0 : i32
        %dma_start3A_173 = tpu.memref_slice %arg10[%add3A_163, %dma_start3A_172] : memref<320000x256xi32, #tpu.memory_space<hbm>> -> memref<80x256xi32, #tpu.memory_space<hbm>>
        tpu.enqueue_dma source(%arg30 : memref<80x256xi32, #tpu.memory_space<vmem>>) target(%dma_start3A_173 : memref<80x256xi32, #tpu.memory_space<hbm>>) target_semaphore(%run_scoped3A : memref<!tpu.dma_semaphore, #tpu.memory_space<semaphore_mem>>)
        %dma_wait3A_174 = arith.constant 0 : i32
        %dma_wait3A_175 = tpu.memref_slice %arg10[%add3A_163, %dma_wait3A_174] : memref<320000x256xi32, #tpu.memory_space<hbm>> -> memref<80x256xi32, #tpu.memory_space<hbm>>
        %dma_wait3A_176 = arith.constant 0 : i32
        %dma_wait3A_177 = tpu.memref_slice %arg10[%add3A_163, %dma_wait3A_176] : memref<320000x256xi32, #tpu.memory_space<hbm>> -> memref<80x256xi32, #tpu.memory_space<hbm>>
        tpu.wait_dma2 semaphore(%run_scoped3A : memref<!tpu.dma_semaphore, #tpu.memory_space<semaphore_mem>>) src(%arg30 : memref<80x256xi32, #tpu.memory_space<vmem>>) dst(%dma_wait3A_177 : memref<80x256xi32, #tpu.memory_space<hbm>>)
        tpu.yield
      }) : () -> ()
      "tpu.region"() ({
        %run_scoped3A = tpu.sem_alloc : memref<!tpu.dma_semaphore, #tpu.memory_space<semaphore_mem>>
        %dma_start3A_170 = tpu.memref_slice %arg11[%add3A_163] : memref<320000xf32, #tpu.memory_space<hbm>> -> memref<80xf32, #tpu.memory_space<hbm>>
        %dma_start3A_171 = tpu.memref_slice %arg11[%add3A_163] : memref<320000xf32, #tpu.memory_space<hbm>> -> memref<80xf32, #tpu.memory_space<hbm>>
        tpu.enqueue_dma source(%arg39 : memref<80xf32, #tpu.memory_space<vmem>>) target(%dma_start3A_171 : memref<80xf32, #tpu.memory_space<hbm>>) target_semaphore(%run_scoped3A : memref<!tpu.dma_semaphore, #tpu.memory_space<semaphore_mem>>)
        %dma_wait3A_172 = tpu.memref_slice %arg11[%add3A_163] : memref<320000xf32, #tpu.memory_space<hbm>> -> memref<80xf32, #tpu.memory_space<hbm>>
        %dma_wait3A_173 = tpu.memref_slice %arg11[%add3A_163] : memref<320000xf32, #tpu.memory_space<hbm>> -> memref<80xf32, #tpu.memory_space<hbm>>
        tpu.wait_dma2 semaphore(%run_scoped3A : memref<!tpu.dma_semaphore, #tpu.memory_space<semaphore_mem>>) src(%arg39 : memref<80xf32, #tpu.memory_space<vmem>>) dst(%dma_wait3A_173 : memref<80xf32, #tpu.memory_space<hbm>>)
        tpu.yield
      }) : () -> ()
      "tpu.region"() ({
        %run_scoped3A = tpu.sem_alloc : memref<!tpu.dma_semaphore, #tpu.memory_space<semaphore_mem>>
        %dma_start3A_170 = tpu.memref_slice %arg12[%add3A_163] : memref<320000xf32, #tpu.memory_space<hbm>> -> memref<80xf32, #tpu.memory_space<hbm>>
        %dma_start3A_171 = tpu.memref_slice %arg12[%add3A_163] : memref<320000xf32, #tpu.memory_space<hbm>> -> memref<80xf32, #tpu.memory_space<hbm>>
        tpu.enqueue_dma source(%arg40 : memref<80xf32, #tpu.memory_space<vmem>>) target(%dma_start3A_171 : memref<80xf32, #tpu.memory_space<hbm>>) target_semaphore(%run_scoped3A : memref<!tpu.dma_semaphore, #tpu.memory_space<semaphore_mem>>)
        %dma_wait3A_172 = tpu.memref_slice %arg12[%add3A_163] : memref<320000xf32, #tpu.memory_space<hbm>> -> memref<80xf32, #tpu.memory_space<hbm>>
        %dma_wait3A_173 = tpu.memref_slice %arg12[%add3A_163] : memref<320000xf32, #tpu.memory_space<hbm>> -> memref<80xf32, #tpu.memory_space<hbm>>
        tpu.wait_dma2 semaphore(%run_scoped3A : memref<!tpu.dma_semaphore, #tpu.memory_space<semaphore_mem>>) src(%arg40 : memref<80xf32, #tpu.memory_space<vmem>>) dst(%dma_wait3A_173 : memref<80xf32, #tpu.memory_space<hbm>>)
        tpu.yield
      }) : () -> ()
      "tpu.region"() ({
        %run_scoped3A = tpu.sem_alloc : memref<!tpu.dma_semaphore, #tpu.memory_space<semaphore_mem>>
        %dma_start3A_170 = tpu.memref_slice %arg13[%add3A_163] : memref<320000xf32, #tpu.memory_space<hbm>> -> memref<80xf32, #tpu.memory_space<hbm>>
        %dma_start3A_171 = tpu.memref_slice %arg13[%add3A_163] : memref<320000xf32, #tpu.memory_space<hbm>> -> memref<80xf32, #tpu.memory_space<hbm>>
        tpu.enqueue_dma source(%arg41 : memref<80xf32, #tpu.memory_space<vmem>>) target(%dma_start3A_171 : memref<80xf32, #tpu.memory_space<hbm>>) target_semaphore(%run_scoped3A : memref<!tpu.dma_semaphore, #tpu.memory_space<semaphore_mem>>)
        %dma_wait3A_172 = tpu.memref_slice %arg13[%add3A_163] : memref<320000xf32, #tpu.memory_space<hbm>> -> memref<80xf32, #tpu.memory_space<hbm>>
        %dma_wait3A_173 = tpu.memref_slice %arg13[%add3A_163] : memref<320000xf32, #tpu.memory_space<hbm>> -> memref<80xf32, #tpu.memory_space<hbm>>
        tpu.wait_dma2 semaphore(%run_scoped3A : memref<!tpu.dma_semaphore, #tpu.memory_space<semaphore_mem>>) src(%arg41 : memref<80xf32, #tpu.memory_space<vmem>>) dst(%dma_wait3A_173 : memref<80xf32, #tpu.memory_space<hbm>>)
        tpu.yield
      }) : () -> ()
      "tpu.region"() ({
        %run_scoped3A = tpu.sem_alloc : memref<!tpu.dma_semaphore, #tpu.memory_space<semaphore_mem>>
        %dma_start3A_170 = tpu.memref_slice %arg14[%add3A_163] : memref<320000xf32, #tpu.memory_space<hbm>> -> memref<80xf32, #tpu.memory_space<hbm>>
        %dma_start3A_171 = tpu.memref_slice %arg14[%add3A_163] : memref<320000xf32, #tpu.memory_space<hbm>> -> memref<80xf32, #tpu.memory_space<hbm>>
        tpu.enqueue_dma source(%arg42 : memref<80xf32, #tpu.memory_space<vmem>>) target(%dma_start3A_171 : memref<80xf32, #tpu.memory_space<hbm>>) target_semaphore(%run_scoped3A : memref<!tpu.dma_semaphore, #tpu.memory_space<semaphore_mem>>)
        %dma_wait3A_172 = tpu.memref_slice %arg14[%add3A_163] : memref<320000xf32, #tpu.memory_space<hbm>> -> memref<80xf32, #tpu.memory_space<hbm>>
        %dma_wait3A_173 = tpu.memref_slice %arg14[%add3A_163] : memref<320000xf32, #tpu.memory_space<hbm>> -> memref<80xf32, #tpu.memory_space<hbm>>
        tpu.wait_dma2 semaphore(%run_scoped3A : memref<!tpu.dma_semaphore, #tpu.memory_space<semaphore_mem>>) src(%arg42 : memref<80xf32, #tpu.memory_space<vmem>>) dst(%dma_wait3A_173 : memref<80xf32, #tpu.memory_space<hbm>>)
        tpu.yield
      }) : () -> ()
    }
    %scan3A_41 = arith.constant 62 : i32
    %dma_wait3A_42 = arith.constant 0 : i32
    %dma_wait3A_43 = arith.constant 0 : i32
    %dma_wait3A_44 = tpu.memref_slice %arg2[%dma_wait3A_42, %dma_wait3A_43] : memref<10000x256xi32, #tpu.memory_space<hbm>> -> memref<10000x256xi32, #tpu.memory_space<hbm>>
    tpu.wait_indirect_dma semaphore(%arg26 : memref<!tpu.dma_semaphore, #tpu.memory_space<semaphore_mem>>) src(%dma_wait3A_44 : memref<10000x256xi32, #tpu.memory_space<hbm>>) dst(%arg17 : memref<80x256xi32, #tpu.memory_space<vmem>>)
    %dma_wait3A_45 = arith.constant 0 : i32
    %dma_wait3A_46 = arith.constant 0 : i32
    %dma_wait3A_47 = tpu.memref_slice %arg3[%dma_wait3A_45, %dma_wait3A_46] : memref<10000x256xi32, #tpu.memory_space<hbm>> -> memref<10000x256xi32, #tpu.memory_space<hbm>>
    tpu.wait_indirect_dma semaphore(%arg26 : memref<!tpu.dma_semaphore, #tpu.memory_space<semaphore_mem>>) src(%dma_wait3A_47 : memref<10000x256xi32, #tpu.memory_space<hbm>>) dst(%arg18 : memref<80x256xi32, #tpu.memory_space<vmem>>)
    %dma_wait3A_48 = arith.constant 0 : i32
    %dma_wait3A_49 = tpu.memref_slice %arg4[%dma_wait3A_48] : memref<10000xf32, #tpu.memory_space<hbm>> -> memref<10000xf32, #tpu.memory_space<hbm>>
    tpu.wait_indirect_dma semaphore(%arg26 : memref<!tpu.dma_semaphore, #tpu.memory_space<semaphore_mem>>) src(%dma_wait3A_49 : memref<10000xf32, #tpu.memory_space<hbm>>) dst(%arg19 : memref<80xf32, #tpu.memory_space<vmem>>)
    %dma_wait3A_50 = arith.constant 0 : i32
    %dma_wait3A_51 = tpu.memref_slice %arg5[%dma_wait3A_50] : memref<10000xf32, #tpu.memory_space<hbm>> -> memref<10000xf32, #tpu.memory_space<hbm>>
    tpu.wait_indirect_dma semaphore(%arg26 : memref<!tpu.dma_semaphore, #tpu.memory_space<semaphore_mem>>) src(%dma_wait3A_51 : memref<10000xf32, #tpu.memory_space<hbm>>) dst(%arg20 : memref<80xf32, #tpu.memory_space<vmem>>)
    %dma_wait3A_52 = arith.constant 0 : i32
    %dma_wait3A_53 = tpu.memref_slice %arg6[%dma_wait3A_52] : memref<10000xf32, #tpu.memory_space<hbm>> -> memref<10000xf32, #tpu.memory_space<hbm>>
    tpu.wait_indirect_dma semaphore(%arg26 : memref<!tpu.dma_semaphore, #tpu.memory_space<semaphore_mem>>) src(%dma_wait3A_53 : memref<10000xf32, #tpu.memory_space<hbm>>) dst(%arg21 : memref<80xf32, #tpu.memory_space<vmem>>)
    %dma_wait3A_54 = arith.constant 0 : i32
    %dma_wait3A_55 = tpu.memref_slice %arg4[%dma_wait3A_54] : memref<10000xf32, #tpu.memory_space<hbm>> -> memref<10000xf32, #tpu.memory_space<hbm>>
    tpu.wait_indirect_dma semaphore(%arg26 : memref<!tpu.dma_semaphore, #tpu.memory_space<semaphore_mem>>) src(%dma_wait3A_55 : memref<10000xf32, #tpu.memory_space<hbm>>) dst(%arg22 : memref<80xf32, #tpu.memory_space<vmem>>)
    %dma_wait3A_56 = arith.constant 0 : i32
    %dma_wait3A_57 = tpu.memref_slice %arg5[%dma_wait3A_56] : memref<10000xf32, #tpu.memory_space<hbm>> -> memref<10000xf32, #tpu.memory_space<hbm>>
    tpu.wait_indirect_dma semaphore(%arg26 : memref<!tpu.dma_semaphore, #tpu.memory_space<semaphore_mem>>) src(%dma_wait3A_57 : memref<10000xf32, #tpu.memory_space<hbm>>) dst(%arg23 : memref<80xf32, #tpu.memory_space<vmem>>)
    %dma_wait3A_58 = arith.constant 0 : i32
    %dma_wait3A_59 = tpu.memref_slice %arg6[%dma_wait3A_58] : memref<10000xf32, #tpu.memory_space<hbm>> -> memref<10000xf32, #tpu.memory_space<hbm>>
    tpu.wait_indirect_dma semaphore(%arg26 : memref<!tpu.dma_semaphore, #tpu.memory_space<semaphore_mem>>) src(%dma_wait3A_59 : memref<10000xf32, #tpu.memory_space<hbm>>) dst(%arg24 : memref<80xf32, #tpu.memory_space<vmem>>)
    %add3A_60 = arith.constant 9920 : i32
    %add3A_61 = arith.addi %mul3A_2, %add3A_60 : i32
    %scan3A_62 = arith.constant 0 : i32
    %scan3A_63 = arith.constant 0 : i32
    %scan3A_64 = arith.constant 5 : i32
    %scan3A_65 = arith.addi %scan3A_63, %scan3A_64 : i32
    %scan3A_66 = arith.constant 1 : i32
    scf.for %scan3A_68 = %scan3A_63 to %scan3A_65 step %scan3A_66  : i32 {
      %mul3A_69 = arith.constant 16 : i32
      %mul3A_70 = arith.muli %scan3A_68, %mul3A_69 : i32
      %get3A = arith.index_cast %mul3A_70 : i32 to index
      %get3A_71 = tpu.vector_load %arg22[%get3A] {strides = array<i32>} : memref<80xf32, #tpu.memory_space<vmem>>, vector<16xf32>,
      %get3A_72 = vector.shape_cast %get3A_71 : vector<16xf32> to vector<16xf32>
      %get3A_73 = arith.index_cast %mul3A_70 : i32 to index
      %get3A_74 = tpu.vector_load %arg19[%get3A_73] {strides = array<i32>} : memref<80xf32, #tpu.memory_space<vmem>>, vector<16xf32>,
      %get3A_75 = vector.shape_cast %get3A_74 : vector<16xf32> to vector<16xf32>
      %sub3A = arith.subf %get3A_72, %get3A_75 : vector<16xf32>
      %get3A_76 = arith.index_cast %mul3A_70 : i32 to index
      %get3A_77 = tpu.vector_load %arg23[%get3A_76] {strides = array<i32>} : memref<80xf32, #tpu.memory_space<vmem>>, vector<16xf32>,
      %get3A_78 = vector.shape_cast %get3A_77 : vector<16xf32> to vector<16xf32>
      %get3A_79 = arith.index_cast %mul3A_70 : i32 to index
      %get3A_80 = tpu.vector_load %arg20[%get3A_79] {strides = array<i32>} : memref<80xf32, #tpu.memory_space<vmem>>, vector<16xf32>,
      %get3A_81 = vector.shape_cast %get3A_80 : vector<16xf32> to vector<16xf32>
      %sub3A_82 = arith.subf %get3A_78, %get3A_81 : vector<16xf32>
      %get3A_83 = arith.index_cast %mul3A_70 : i32 to index
      %get3A_84 = tpu.vector_load %arg24[%get3A_83] {strides = array<i32>} : memref<80xf32, #tpu.memory_space<vmem>>, vector<16xf32>,
      %get3A_85 = vector.shape_cast %get3A_84 : vector<16xf32> to vector<16xf32>
      %get3A_86 = arith.index_cast %mul3A_70 : i32 to index
      %get3A_87 = tpu.vector_load %arg21[%get3A_86] {strides = array<i32>} : memref<80xf32, #tpu.memory_space<vmem>>, vector<16xf32>,
      %get3A_88 = vector.shape_cast %get3A_87 : vector<16xf32> to vector<16xf32>
      %sub3A_89 = arith.subf %get3A_85, %get3A_88 : vector<16xf32>
      %swap3A = arith.index_cast %mul3A_70 : i32 to index
      %swap3A_90 = tpu.vector_load %arg39[%swap3A] {strides = array<i32>} : memref<80xf32, #tpu.memory_space<vmem>>, vector<16xf32>,
      %swap3A_91 = vector.shape_cast %swap3A_90 : vector<16xf32> to vector<16xf32>
      %swap3A_92 = vector.shape_cast %sub3A : vector<16xf32> to vector<16xf32>
      tpu.vector_store %arg39[%swap3A], %swap3A_92 {strides = array<i32>} : memref<80xf32, #tpu.memory_space<vmem>>, vector<16xf32>,
      %swap3A_93 = arith.index_cast %mul3A_70 : i32 to index
      %swap3A_94 = tpu.vector_load %arg40[%swap3A_93] {strides = array<i32>} : memref<80xf32, #tpu.memory_space<vmem>>, vector<16xf32>,
      %swap3A_95 = vector.shape_cast %swap3A_94 : vector<16xf32> to vector<16xf32>
      %swap3A_96 = vector.shape_cast %sub3A_82 : vector<16xf32> to vector<16xf32>
      tpu.vector_store %arg40[%swap3A_93], %swap3A_96 {strides = array<i32>} : memref<80xf32, #tpu.memory_space<vmem>>, vector<16xf32>,
      %swap3A_97 = arith.index_cast %mul3A_70 : i32 to index
      %swap3A_98 = tpu.vector_load %arg41[%swap3A_97] {strides = array<i32>} : memref<80xf32, #tpu.memory_space<vmem>>, vector<16xf32>,
      %swap3A_99 = vector.shape_cast %swap3A_98 : vector<16xf32> to vector<16xf32>
      %swap3A_100 = vector.shape_cast %sub3A_89 : vector<16xf32> to vector<16xf32>
      tpu.vector_store %arg41[%swap3A_97], %swap3A_100 {strides = array<i32>} : memref<80xf32, #tpu.memory_space<vmem>>, vector<16xf32>,
      %mul3A_101 = arith.mulf %sub3A, %sub3A : vector<16xf32>
      %mul3A_102 = arith.mulf %sub3A_82, %sub3A_82 : vector<16xf32>
      %add3A_103 = arith.addf %mul3A_101, %mul3A_102 : vector<16xf32>
      %mul3A_104 = arith.mulf %sub3A_89, %sub3A_89 : vector<16xf32>
      %add3A_105 = arith.addf %add3A_103, %mul3A_104 : vector<16xf32>
      %swap3A_106 = arith.index_cast %mul3A_70 : i32 to index
      %swap3A_107 = tpu.vector_load %arg42[%swap3A_106] {strides = array<i32>} : memref<80xf32, #tpu.memory_space<vmem>>, vector<16xf32>,
      %swap3A_108 = vector.shape_cast %swap3A_107 : vector<16xf32> to vector<16xf32>
      %swap3A_109 = vector.shape_cast %add3A_105 : vector<16xf32> to vector<16xf32>
      tpu.vector_store %arg42[%swap3A_106], %swap3A_109 {strides = array<i32>} : memref<80xf32, #tpu.memory_space<vmem>>, vector<16xf32>,
    }
    %scan3A_67 = arith.constant 5 : i32
    "tpu.region"() ({
      %run_scoped3A = tpu.sem_alloc : memref<!tpu.dma_semaphore, #tpu.memory_space<semaphore_mem>>
      %dma_start3A_68 = arith.constant 0 : i32
      %dma_start3A_69 = tpu.memref_slice %arg9[%add3A_61, %dma_start3A_68] : memref<320000x256xi32, #tpu.memory_space<hbm>> -> memref<80x256xi32, #tpu.memory_space<hbm>>
      %dma_start3A_70 = arith.constant 0 : i32
      %dma_start3A_71 = tpu.memref_slice %arg9[%add3A_61, %dma_start3A_70] : memref<320000x256xi32, #tpu.memory_space<hbm>> -> memref<80x256xi32, #tpu.memory_space<hbm>>
      tpu.enqueue_dma source(%arg17 : memref<80x256xi32, #tpu.memory_space<vmem>>) target(%dma_start3A_71 : memref<80x256xi32, #tpu.memory_space<hbm>>) target_semaphore(%run_scoped3A : memref<!tpu.dma_semaphore, #tpu.memory_space<semaphore_mem>>)
      %dma_wait3A_72 = arith.constant 0 : i32
      %dma_wait3A_73 = tpu.memref_slice %arg9[%add3A_61, %dma_wait3A_72] : memref<320000x256xi32, #tpu.memory_space<hbm>> -> memref<80x256xi32, #tpu.memory_space<hbm>>
      %dma_wait3A_74 = arith.constant 0 : i32
      %dma_wait3A_75 = tpu.memref_slice %arg9[%add3A_61, %dma_wait3A_74] : memref<320000x256xi32, #tpu.memory_space<hbm>> -> memref<80x256xi32, #tpu.memory_space<hbm>>
      tpu.wait_dma2 semaphore(%run_scoped3A : memref<!tpu.dma_semaphore, #tpu.memory_space<semaphore_mem>>) src(%arg17 : memref<80x256xi32, #tpu.memory_space<vmem>>) dst(%dma_wait3A_75 : memref<80x256xi32, #tpu.memory_space<hbm>>)
      tpu.yield
    }) : () -> ()
    "tpu.region"() ({
      %run_scoped3A = tpu.sem_alloc : memref<!tpu.dma_semaphore, #tpu.memory_space<semaphore_mem>>
      %dma_start3A_68 = arith.constant 0 : i32
      %dma_start3A_69 = tpu.memref_slice %arg10[%add3A_61, %dma_start3A_68] : memref<320000x256xi32, #tpu.memory_space<hbm>> -> memref<80x256xi32, #tpu.memory_space<hbm>>
      %dma_start3A_70 = arith.constant 0 : i32
      %dma_start3A_71 = tpu.memref_slice %arg10[%add3A_61, %dma_start3A_70] : memref<320000x256xi32, #tpu.memory_space<hbm>> -> memref<80x256xi32, #tpu.memory_space<hbm>>
      tpu.enqueue_dma source(%arg18 : memref<80x256xi32, #tpu.memory_space<vmem>>) target(%dma_start3A_71 : memref<80x256xi32, #tpu.memory_space<hbm>>) target_semaphore(%run_scoped3A : memref<!tpu.dma_semaphore, #tpu.memory_space<semaphore_mem>>)
      %dma_wait3A_72 = arith.constant 0 : i32
      %dma_wait3A_73 = tpu.memref_slice %arg10[%add3A_61, %dma_wait3A_72] : memref<320000x256xi32, #tpu.memory_space<hbm>> -> memref<80x256xi32, #tpu.memory_space<hbm>>
      %dma_wait3A_74 = arith.constant 0 : i32
      %dma_wait3A_75 = tpu.memref_slice %arg10[%add3A_61, %dma_wait3A_74] : memref<320000x256xi32, #tpu.memory_space<hbm>> -> memref<80x256xi32, #tpu.memory_space<hbm>>
      tpu.wait_dma2 semaphore(%run_scoped3A : memref<!tpu.dma_semaphore, #tpu.memory_space<semaphore_mem>>) src(%arg18 : memref<80x256xi32, #tpu.memory_space<vmem>>) dst(%dma_wait3A_75 : memref<80x256xi32, #tpu.memory_space<hbm>>)
      tpu.yield
    }) : () -> ()
    "tpu.region"() ({
      %run_scoped3A = tpu.sem_alloc : memref<!tpu.dma_semaphore, #tpu.memory_space<semaphore_mem>>
      %dma_start3A_68 = tpu.memref_slice %arg11[%add3A_61] : memref<320000xf32, #tpu.memory_space<hbm>> -> memref<80xf32, #tpu.memory_space<hbm>>
      %dma_start3A_69 = tpu.memref_slice %arg11[%add3A_61] : memref<320000xf32, #tpu.memory_space<hbm>> -> memref<80xf32, #tpu.memory_space<hbm>>
      tpu.enqueue_dma source(%arg39 : memref<80xf32, #tpu.memory_space<vmem>>) target(%dma_start3A_69 : memref<80xf32, #tpu.memory_space<hbm>>) target_semaphore(%run_scoped3A : memref<!tpu.dma_semaphore, #tpu.memory_space<semaphore_mem>>)
      %dma_wait3A_70 = tpu.memref_slice %arg11[%add3A_61] : memref<320000xf32, #tpu.memory_space<hbm>> -> memref<80xf32, #tpu.memory_space<hbm>>
      %dma_wait3A_71 = tpu.memref_slice %arg11[%add3A_61] : memref<320000xf32, #tpu.memory_space<hbm>> -> memref<80xf32, #tpu.memory_space<hbm>>
      tpu.wait_dma2 semaphore(%run_scoped3A : memref<!tpu.dma_semaphore, #tpu.memory_space<semaphore_mem>>) src(%arg39 : memref<80xf32, #tpu.memory_space<vmem>>) dst(%dma_wait3A_71 : memref<80xf32, #tpu.memory_space<hbm>>)
      tpu.yield
    }) : () -> ()
    "tpu.region"() ({
      %run_scoped3A = tpu.sem_alloc : memref<!tpu.dma_semaphore, #tpu.memory_space<semaphore_mem>>
      %dma_start3A_68 = tpu.memref_slice %arg12[%add3A_61] : memref<320000xf32, #tpu.memory_space<hbm>> -> memref<80xf32, #tpu.memory_space<hbm>>
      %dma_start3A_69 = tpu.memref_slice %arg12[%add3A_61] : memref<320000xf32, #tpu.memory_space<hbm>> -> memref<80xf32, #tpu.memory_space<hbm>>
      tpu.enqueue_dma source(%arg40 : memref<80xf32, #tpu.memory_space<vmem>>) target(%dma_start3A_69 : memref<80xf32, #tpu.memory_space<hbm>>) target_semaphore(%run_scoped3A : memref<!tpu.dma_semaphore, #tpu.memory_space<semaphore_mem>>)
      %dma_wait3A_70 = tpu.memref_slice %arg12[%add3A_61] : memref<320000xf32, #tpu.memory_space<hbm>> -> memref<80xf32, #tpu.memory_space<hbm>>
      %dma_wait3A_71 = tpu.memref_slice %arg12[%add3A_61] : memref<320000xf32, #tpu.memory_space<hbm>> -> memref<80xf32, #tpu.memory_space<hbm>>
      tpu.wait_dma2 semaphore(%run_scoped3A : memref<!tpu.dma_semaphore, #tpu.memory_space<semaphore_mem>>) src(%arg40 : memref<80xf32, #tpu.memory_space<vmem>>) dst(%dma_wait3A_71 : memref<80xf32, #tpu.memory_space<hbm>>)
      tpu.yield
    }) : () -> ()
    "tpu.region"() ({
      %run_scoped3A = tpu.sem_alloc : memref<!tpu.dma_semaphore, #tpu.memory_space<semaphore_mem>>
      %dma_start3A_68 = tpu.memref_slice %arg13[%add3A_61] : memref<320000xf32, #tpu.memory_space<hbm>> -> memref<80xf32, #tpu.memory_space<hbm>>
      %dma_start3A_69 = tpu.memref_slice %arg13[%add3A_61] : memref<320000xf32, #tpu.memory_space<hbm>> -> memref<80xf32, #tpu.memory_space<hbm>>
      tpu.enqueue_dma source(%arg41 : memref<80xf32, #tpu.memory_space<vmem>>) target(%dma_start3A_69 : memref<80xf32, #tpu.memory_space<hbm>>) target_semaphore(%run_scoped3A : memref<!tpu.dma_semaphore, #tpu.memory_space<semaphore_mem>>)
      %dma_wait3A_70 = tpu.memref_slice %arg13[%add3A_61] : memref<320000xf32, #tpu.memory_space<hbm>> -> memref<80xf32, #tpu.memory_space<hbm>>
      %dma_wait3A_71 = tpu.memref_slice %arg13[%add3A_61] : memref<320000xf32, #tpu.memory_space<hbm>> -> memref<80xf32, #tpu.memory_space<hbm>>
      tpu.wait_dma2 semaphore(%run_scoped3A : memref<!tpu.dma_semaphore, #tpu.memory_space<semaphore_mem>>) src(%arg41 : memref<80xf32, #tpu.memory_space<vmem>>) dst(%dma_wait3A_71 : memref<80xf32, #tpu.memory_space<hbm>>)
      tpu.yield
    }) : () -> ()
    "tpu.region"() ({
      %run_scoped3A = tpu.sem_alloc : memref<!tpu.dma_semaphore, #tpu.memory_space<semaphore_mem>>
      %dma_start3A_68 = tpu.memref_slice %arg14[%add3A_61] : memref<320000xf32, #tpu.memory_space<hbm>> -> memref<80xf32, #tpu.memory_space<hbm>>
      %dma_start3A_69 = tpu.memref_slice %arg14[%add3A_61] : memref<320000xf32, #tpu.memory_space<hbm>> -> memref<80xf32, #tpu.memory_space<hbm>>
      tpu.enqueue_dma source(%arg42 : memref<80xf32, #tpu.memory_space<vmem>>) target(%dma_start3A_69 : memref<80xf32, #tpu.memory_space<hbm>>) target_semaphore(%run_scoped3A : memref<!tpu.dma_semaphore, #tpu.memory_space<semaphore_mem>>)
      %dma_wait3A_70 = tpu.memref_slice %arg14[%add3A_61] : memref<320000xf32, #tpu.memory_space<hbm>> -> memref<80xf32, #tpu.memory_space<hbm>>
      %dma_wait3A_71 = tpu.memref_slice %arg14[%add3A_61] : memref<320000xf32, #tpu.memory_space<hbm>> -> memref<80xf32, #tpu.memory_space<hbm>>
      tpu.wait_dma2 semaphore(%run_scoped3A : memref<!tpu.dma_semaphore, #tpu.memory_space<semaphore_mem>>) src(%arg42 : memref<80xf32, #tpu.memory_space<vmem>>) dst(%dma_wait3A_71 : memref<80xf32, #tpu.memory_space<hbm>>)
      tpu.yield
    }) : () -> ()
    return
  }
}

#map = affine_map<(d0, d1) -> (0, 0, 0)>
#map1 = affine_map<(d0, d1) -> (0)>
#map2 = affine_map<(d0, d1) -> (0, 0)>
module attributes {stable_mosaic.version = 14 : i64} {
  func.func @_scatter_body(%arg0: i32, %arg1: i32, %arg2: memref<4x320000x128xf32, #tpu.memory_space<hbm>>, %arg3: memref<320000xi32, #tpu.memory_space<hbm>>, %arg4: memref<10000x128xf32, #tpu.memory_space<hbm>>, %arg5: memref<4x10000x128xf32, #tpu.memory_space<hbm>>, %arg6: memref<10000x128xf32, #tpu.memory_space<vmem_shared>>, %arg7: memref<80xi32, #tpu.memory_space<vmem>>, %arg8: memref<80x128xf32, #tpu.memory_space<vmem>>, %arg9: memref<!tpu.dma_semaphore, #tpu.memory_space<semaphore_mem>>, %arg10: memref<80xi32, #tpu.memory_space<vmem>>, %arg11: memref<80x128xf32, #tpu.memory_space<vmem>>, %arg12: memref<!tpu.dma_semaphore, #tpu.memory_space<semaphore_mem>>) attributes {dimension_semantics = [#tpu.dimension_semantics<core_parallel>, #tpu.dimension_semantics<subcore_parallel>], iteration_bounds = array<i64: 2, 16>, scalar_prefetch = 0 : i64, scratch_operands = 7 : i64, tpu.core_type = #tpu.core_type<sc_vector_subcore>, window_params = [{transform_indices = #map}, {transform_indices = #map1}, {transform_indices = #map2}, {transform_indices = #map}]} {
    %mul3A = arith.constant 624 : i32
    %mul3A_0 = arith.muli %arg1, %mul3A : i32
    %mul3A_1 = arith.constant 20000 : i32
    %mul3A_2 = arith.muli %arg1, %mul3A_1 : i32
    %mul3A_3 = arith.constant 2 : i32
    %mul3A_4 = arith.muli %arg0, %mul3A_3 : i32
    %add3A = arith.constant 0 : i32
    %add3A_5 = arith.addi %mul3A_4, %add3A : i32
    "tpu.region"() ({
      %run_scoped3A = tpu.sem_alloc : memref<!tpu.dma_semaphore, #tpu.memory_space<semaphore_mem>>
      %dma_start3A_60 = arith.constant 0 : i32
      %dma_start3A_61 = tpu.memref_slice %arg6[%mul3A_0, %dma_start3A_60] : memref<10000x128xf32, #tpu.memory_space<vmem_shared>> -> memref<624x128xf32, #tpu.memory_space<vmem_shared>>
      %dma_start3A_62 = arith.constant 0 : i32
      %dma_start3A_63 = tpu.memref_slice %arg4[%mul3A_0, %dma_start3A_62] : memref<10000x128xf32, #tpu.memory_space<hbm>> -> memref<624x128xf32, #tpu.memory_space<hbm>>
      tpu.enqueue_dma source(%dma_start3A_63 : memref<624x128xf32, #tpu.memory_space<hbm>>) target(%dma_start3A_61 : memref<624x128xf32, #tpu.memory_space<vmem_shared>>) target_semaphore(%run_scoped3A : memref<!tpu.dma_semaphore, #tpu.memory_space<semaphore_mem>>)
      %dma_wait3A = arith.constant 0 : i32
      %dma_wait3A_64 = tpu.memref_slice %arg6[%mul3A_0, %dma_wait3A] : memref<10000x128xf32, #tpu.memory_space<vmem_shared>> -> memref<624x128xf32, #tpu.memory_space<vmem_shared>>
      %dma_wait3A_65 = arith.constant 0 : i32
      %dma_wait3A_66 = tpu.memref_slice %arg4[%mul3A_0, %dma_wait3A_65] : memref<10000x128xf32, #tpu.memory_space<hbm>> -> memref<624x128xf32, #tpu.memory_space<hbm>>
      tpu.wait_dma2 semaphore(%run_scoped3A : memref<!tpu.dma_semaphore, #tpu.memory_space<semaphore_mem>>) src(%dma_wait3A_66 : memref<624x128xf32, #tpu.memory_space<hbm>>) dst(%dma_wait3A_64 : memref<624x128xf32, #tpu.memory_space<vmem_shared>>)
      tpu.yield
    }) : () -> ()
    %eq3A = arith.constant 15 : i32
    %eq3A_6 = arith.cmpi eq, %arg1, %eq3A : i32
    %convert_element_type3A = arith.extui %eq3A_6 : i1 to i32
    %cond3A = arith.constant 0 : i32
    %cond3A_7 = arith.cmpi ne, %convert_element_type3A, %cond3A : i32
    scf.if %cond3A_7 {
      "tpu.region"() ({
        %run_scoped3A = tpu.sem_alloc : memref<!tpu.dma_semaphore, #tpu.memory_space<semaphore_mem>>
        %dma_start3A_60 = arith.constant 9984 : i32
        %dma_start3A_61 = arith.constant 0 : i32
        %dma_start3A_62 = tpu.memref_slice %arg6[%dma_start3A_60, %dma_start3A_61] : memref<10000x128xf32, #tpu.memory_space<vmem_shared>> -> memref<16x128xf32, #tpu.memory_space<vmem_shared>>
        %dma_start3A_63 = arith.constant 9984 : i32
        %dma_start3A_64 = arith.constant 0 : i32
        %dma_start3A_65 = tpu.memref_slice %arg4[%dma_start3A_63, %dma_start3A_64] : memref<10000x128xf32, #tpu.memory_space<hbm>> -> memref<16x128xf32, #tpu.memory_space<hbm>>
        tpu.enqueue_dma source(%dma_start3A_65 : memref<16x128xf32, #tpu.memory_space<hbm>>) target(%dma_start3A_62 : memref<16x128xf32, #tpu.memory_space<vmem_shared>>) target_semaphore(%run_scoped3A : memref<!tpu.dma_semaphore, #tpu.memory_space<semaphore_mem>>)
        %dma_wait3A = arith.constant 9984 : i32
        %dma_wait3A_66 = arith.constant 0 : i32
        %dma_wait3A_67 = tpu.memref_slice %arg6[%dma_wait3A, %dma_wait3A_66] : memref<10000x128xf32, #tpu.memory_space<vmem_shared>> -> memref<16x128xf32, #tpu.memory_space<vmem_shared>>
        %dma_wait3A_68 = arith.constant 9984 : i32
        %dma_wait3A_69 = arith.constant 0 : i32
        %dma_wait3A_70 = tpu.memref_slice %arg4[%dma_wait3A_68, %dma_wait3A_69] : memref<10000x128xf32, #tpu.memory_space<hbm>> -> memref<16x128xf32, #tpu.memory_space<hbm>>
        tpu.wait_dma2 semaphore(%run_scoped3A : memref<!tpu.dma_semaphore, #tpu.memory_space<semaphore_mem>>) src(%dma_wait3A_70 : memref<16x128xf32, #tpu.memory_space<hbm>>) dst(%dma_wait3A_67 : memref<16x128xf32, #tpu.memory_space<vmem_shared>>)
        tpu.yield
      }) : () -> ()
    } else {
    }
    %barrier3A = arith.constant 0 : index
    tpu.barrier barrier_id(%barrier3A)
    %add3A_8 = arith.constant 0 : i32
    %add3A_9 = arith.addi %mul3A_2, %add3A_8 : i32
    %dma_start3A = tpu.memref_slice %arg3[%add3A_9] : memref<320000xi32, #tpu.memory_space<hbm>> -> memref<80xi32, #tpu.memory_space<hbm>>
    %dma_start3A_10 = tpu.memref_slice %arg3[%add3A_9] : memref<320000xi32, #tpu.memory_space<hbm>> -> memref<80xi32, #tpu.memory_space<hbm>>
    tpu.enqueue_dma source(%dma_start3A_10 : memref<80xi32, #tpu.memory_space<hbm>>) target(%arg7 : memref<80xi32, #tpu.memory_space<vmem>>) target_semaphore(%arg9 : memref<!tpu.dma_semaphore, #tpu.memory_space<semaphore_mem>>)
    %dma_start3A_11 = arith.constant 0 : i32
    %dma_start3A_12 = tpu.memref_slice %arg2[%add3A_5, %add3A_9, %dma_start3A_11] : memref<4x320000x128xf32, #tpu.memory_space<hbm>> -> memref<1x80x128xf32, #tpu.memory_space<hbm>>
    %dma_start3A_13 = tpu.memref_squeeze %dma_start3A_12 : memref<1x80x128xf32, #tpu.memory_space<hbm>> -> memref<80x128xf32, #tpu.memory_space<hbm>>
    %dma_start3A_14 = arith.constant 0 : i32
    %dma_start3A_15 = tpu.memref_slice %arg2[%add3A_5, %add3A_9, %dma_start3A_14] : memref<4x320000x128xf32, #tpu.memory_space<hbm>> -> memref<1x80x128xf32, #tpu.memory_space<hbm>>
    %dma_start3A_16 = tpu.memref_squeeze %dma_start3A_15 : memref<1x80x128xf32, #tpu.memory_space<hbm>> -> memref<80x128xf32, #tpu.memory_space<hbm>>
    tpu.enqueue_dma source(%dma_start3A_16 : memref<80x128xf32, #tpu.memory_space<hbm>>) target(%arg8 : memref<80x128xf32, #tpu.memory_space<vmem>>) target_semaphore(%arg9 : memref<!tpu.dma_semaphore, #tpu.memory_space<semaphore_mem>>)
    %scan3A = arith.constant 0 : i32
    %scan3A_17 = arith.constant 0 : i32
    %scan3A_18 = arith.constant 125 : i32
    %scan3A_19 = arith.addi %scan3A_17, %scan3A_18 : i32
    %scan3A_20 = arith.constant 1 : i32
    scf.for %scan3A_60 = %scan3A_17 to %scan3A_19 step %scan3A_20  : i32 {
      %mul3A_61 = arith.constant 2 : i32
      %mul3A_62 = arith.muli %scan3A_60, %mul3A_61 : i32
      %add3A_63 = arith.constant 1 : i32
      %add3A_64 = arith.addi %mul3A_62, %add3A_63 : i32
      %mul3A_65 = arith.constant 80 : i32
      %mul3A_66 = arith.muli %add3A_64, %mul3A_65 : i32
      %add3A_67 = arith.addi %mul3A_2, %mul3A_66 : i32
      %dma_start3A_68 = tpu.memref_slice %arg3[%add3A_67] : memref<320000xi32, #tpu.memory_space<hbm>> -> memref<80xi32, #tpu.memory_space<hbm>>
      %dma_start3A_69 = tpu.memref_slice %arg3[%add3A_67] : memref<320000xi32, #tpu.memory_space<hbm>> -> memref<80xi32, #tpu.memory_space<hbm>>
      tpu.enqueue_dma source(%dma_start3A_69 : memref<80xi32, #tpu.memory_space<hbm>>) target(%arg10 : memref<80xi32, #tpu.memory_space<vmem>>) target_semaphore(%arg12 : memref<!tpu.dma_semaphore, #tpu.memory_space<semaphore_mem>>)
      %dma_start3A_70 = arith.constant 0 : i32
      %dma_start3A_71 = tpu.memref_slice %arg2[%add3A_5, %add3A_67, %dma_start3A_70] : memref<4x320000x128xf32, #tpu.memory_space<hbm>> -> memref<1x80x128xf32, #tpu.memory_space<hbm>>
      %dma_start3A_72 = tpu.memref_squeeze %dma_start3A_71 : memref<1x80x128xf32, #tpu.memory_space<hbm>> -> memref<80x128xf32, #tpu.memory_space<hbm>>
      %dma_start3A_73 = arith.constant 0 : i32
      %dma_start3A_74 = tpu.memref_slice %arg2[%add3A_5, %add3A_67, %dma_start3A_73] : memref<4x320000x128xf32, #tpu.memory_space<hbm>> -> memref<1x80x128xf32, #tpu.memory_space<hbm>>
      %dma_start3A_75 = tpu.memref_squeeze %dma_start3A_74 : memref<1x80x128xf32, #tpu.memory_space<hbm>> -> memref<80x128xf32, #tpu.memory_space<hbm>>
      tpu.enqueue_dma source(%dma_start3A_75 : memref<80x128xf32, #tpu.memory_space<hbm>>) target(%arg11 : memref<80x128xf32, #tpu.memory_space<vmem>>) target_semaphore(%arg12 : memref<!tpu.dma_semaphore, #tpu.memory_space<semaphore_mem>>)
      %mul3A_76 = arith.constant 80 : i32
      %mul3A_77 = arith.muli %mul3A_62, %mul3A_76 : i32
      %add3A_78 = arith.addi %mul3A_2, %mul3A_77 : i32
      %dma_wait3A = tpu.memref_slice %arg3[%add3A_78] : memref<320000xi32, #tpu.memory_space<hbm>> -> memref<80xi32, #tpu.memory_space<hbm>>
      %dma_wait3A_79 = tpu.memref_slice %arg3[%add3A_78] : memref<320000xi32, #tpu.memory_space<hbm>> -> memref<80xi32, #tpu.memory_space<hbm>>
      tpu.wait_dma2 semaphore(%arg9 : memref<!tpu.dma_semaphore, #tpu.memory_space<semaphore_mem>>) src(%dma_wait3A_79 : memref<80xi32, #tpu.memory_space<hbm>>) dst(%arg7 : memref<80xi32, #tpu.memory_space<vmem>>)
      %dma_wait3A_80 = arith.constant 0 : i32
      %dma_wait3A_81 = tpu.memref_slice %arg2[%add3A_5, %add3A_78, %dma_wait3A_80] : memref<4x320000x128xf32, #tpu.memory_space<hbm>> -> memref<1x80x128xf32, #tpu.memory_space<hbm>>
      %dma_wait3A_82 = tpu.memref_squeeze %dma_wait3A_81 : memref<1x80x128xf32, #tpu.memory_space<hbm>> -> memref<80x128xf32, #tpu.memory_space<hbm>>
      %dma_wait3A_83 = arith.constant 0 : i32
      %dma_wait3A_84 = tpu.memref_slice %arg2[%add3A_5, %add3A_78, %dma_wait3A_83] : memref<4x320000x128xf32, #tpu.memory_space<hbm>> -> memref<1x80x128xf32, #tpu.memory_space<hbm>>
      %dma_wait3A_85 = tpu.memref_squeeze %dma_wait3A_84 : memref<1x80x128xf32, #tpu.memory_space<hbm>> -> memref<80x128xf32, #tpu.memory_space<hbm>>
      tpu.wait_dma2 semaphore(%arg9 : memref<!tpu.dma_semaphore, #tpu.memory_space<semaphore_mem>>) src(%dma_wait3A_85 : memref<80x128xf32, #tpu.memory_space<hbm>>) dst(%arg8 : memref<80x128xf32, #tpu.memory_space<vmem>>)
      "tpu.region"() ({
        %run_scoped3A = tpu.sem_alloc : memref<!tpu.dma_semaphore, #tpu.memory_space<semaphore_mem>>
        %dma_start3A_105 = arith.constant 0 : i32
        %dma_start3A_106 = arith.constant 0 : i32
        %dma_start3A_107 = tpu.memref_slice %arg6[%dma_start3A_105, %dma_start3A_106] : memref<10000x128xf32, #tpu.memory_space<vmem_shared>> -> memref<10000x128xf32, #tpu.memory_space<vmem_shared>>
        tpu.enqueue_indirect_dma source(%arg8 : memref<80x128xf32, #tpu.memory_space<vmem>>) target(%dma_start3A_107 : memref<10000x128xf32, #tpu.memory_space<vmem_shared>>) offsets(%arg7 : memref<80xi32, #tpu.memory_space<vmem>>) semaphore(%run_scoped3A : memref<!tpu.dma_semaphore, #tpu.memory_space<semaphore_mem>>) {add = true}
        %dma_wait3A_108 = arith.constant 0 : i32
        %dma_wait3A_109 = arith.constant 0 : i32
        %dma_wait3A_110 = tpu.memref_slice %arg6[%dma_wait3A_108, %dma_wait3A_109] : memref<10000x128xf32, #tpu.memory_space<vmem_shared>> -> memref<10000x128xf32, #tpu.memory_space<vmem_shared>>
        tpu.wait_indirect_dma semaphore(%run_scoped3A : memref<!tpu.dma_semaphore, #tpu.memory_space<semaphore_mem>>) src(%arg8 : memref<80x128xf32, #tpu.memory_space<vmem>>) dst(%dma_wait3A_110 : memref<10000x128xf32, #tpu.memory_space<vmem_shared>>)
        tpu.yield
      }) : () -> ()
      %add3A_86 = arith.constant 2 : i32
      %add3A_87 = arith.addi %mul3A_62, %add3A_86 : i32
      %lt3A = arith.constant 250 : i32
      %lt3A_88 = arith.cmpi slt, %add3A_87, %lt3A : i32
      %convert_element_type3A_89 = arith.extui %lt3A_88 : i1 to i32
      %cond3A_90 = arith.constant 0 : i32
      %cond3A_91 = arith.cmpi ne, %convert_element_type3A_89, %cond3A_90 : i32
      scf.if %cond3A_91 {
        %add3A_105 = arith.constant 2 : i32
        %add3A_106 = arith.addi %mul3A_62, %add3A_105 : i32
        %mul3A_107 = arith.constant 80 : i32
        %mul3A_108 = arith.muli %add3A_106, %mul3A_107 : i32
        %add3A_109 = arith.addi %mul3A_2, %mul3A_108 : i32
        %dma_start3A_110 = tpu.memref_slice %arg3[%add3A_109] : memref<320000xi32, #tpu.memory_space<hbm>> -> memref<80xi32, #tpu.memory_space<hbm>>
        %dma_start3A_111 = tpu.memref_slice %arg3[%add3A_109] : memref<320000xi32, #tpu.memory_space<hbm>> -> memref<80xi32, #tpu.memory_space<hbm>>
        tpu.enqueue_dma source(%dma_start3A_111 : memref<80xi32, #tpu.memory_space<hbm>>) target(%arg7 : memref<80xi32, #tpu.memory_space<vmem>>) target_semaphore(%arg9 : memref<!tpu.dma_semaphore, #tpu.memory_space<semaphore_mem>>)
        %dma_start3A_112 = arith.constant 0 : i32
        %dma_start3A_113 = tpu.memref_slice %arg2[%add3A_5, %add3A_109, %dma_start3A_112] : memref<4x320000x128xf32, #tpu.memory_space<hbm>> -> memref<1x80x128xf32, #tpu.memory_space<hbm>>
        %dma_start3A_114 = tpu.memref_squeeze %dma_start3A_113 : memref<1x80x128xf32, #tpu.memory_space<hbm>> -> memref<80x128xf32, #tpu.memory_space<hbm>>
        %dma_start3A_115 = arith.constant 0 : i32
        %dma_start3A_116 = tpu.memref_slice %arg2[%add3A_5, %add3A_109, %dma_start3A_115] : memref<4x320000x128xf32, #tpu.memory_space<hbm>> -> memref<1x80x128xf32, #tpu.memory_space<hbm>>
        %dma_start3A_117 = tpu.memref_squeeze %dma_start3A_116 : memref<1x80x128xf32, #tpu.memory_space<hbm>> -> memref<80x128xf32, #tpu.memory_space<hbm>>
        tpu.enqueue_dma source(%dma_start3A_117 : memref<80x128xf32, #tpu.memory_space<hbm>>) target(%arg8 : memref<80x128xf32, #tpu.memory_space<vmem>>) target_semaphore(%arg9 : memref<!tpu.dma_semaphore, #tpu.memory_space<semaphore_mem>>)
      } else {
      }
      %add3A_92 = arith.constant 1 : i32
      %add3A_93 = arith.addi %mul3A_62, %add3A_92 : i32
      %mul3A_94 = arith.constant 80 : i32
      %mul3A_95 = arith.muli %add3A_93, %mul3A_94 : i32
      %add3A_96 = arith.addi %mul3A_2, %mul3A_95 : i32
      %dma_wait3A_97 = tpu.memref_slice %arg3[%add3A_96] : memref<320000xi32, #tpu.memory_space<hbm>> -> memref<80xi32, #tpu.memory_space<hbm>>
      %dma_wait3A_98 = tpu.memref_slice %arg3[%add3A_96] : memref<320000xi32, #tpu.memory_space<hbm>> -> memref<80xi32, #tpu.memory_space<hbm>>
      tpu.wait_dma2 semaphore(%arg12 : memref<!tpu.dma_semaphore, #tpu.memory_space<semaphore_mem>>) src(%dma_wait3A_98 : memref<80xi32, #tpu.memory_space<hbm>>) dst(%arg10 : memref<80xi32, #tpu.memory_space<vmem>>)
      %dma_wait3A_99 = arith.constant 0 : i32
      %dma_wait3A_100 = tpu.memref_slice %arg2[%add3A_5, %add3A_96, %dma_wait3A_99] : memref<4x320000x128xf32, #tpu.memory_space<hbm>> -> memref<1x80x128xf32, #tpu.memory_space<hbm>>
      %dma_wait3A_101 = tpu.memref_squeeze %dma_wait3A_100 : memref<1x80x128xf32, #tpu.memory_space<hbm>> -> memref<80x128xf32, #tpu.memory_space<hbm>>
      %dma_wait3A_102 = arith.constant 0 : i32
      %dma_wait3A_103 = tpu.memref_slice %arg2[%add3A_5, %add3A_96, %dma_wait3A_102] : memref<4x320000x128xf32, #tpu.memory_space<hbm>> -> memref<1x80x128xf32, #tpu.memory_space<hbm>>
      %dma_wait3A_104 = tpu.memref_squeeze %dma_wait3A_103 : memref<1x80x128xf32, #tpu.memory_space<hbm>> -> memref<80x128xf32, #tpu.memory_space<hbm>>
      tpu.wait_dma2 semaphore(%arg12 : memref<!tpu.dma_semaphore, #tpu.memory_space<semaphore_mem>>) src(%dma_wait3A_104 : memref<80x128xf32, #tpu.memory_space<hbm>>) dst(%arg11 : memref<80x128xf32, #tpu.memory_space<vmem>>)
      "tpu.region"() ({
        %run_scoped3A = tpu.sem_alloc : memref<!tpu.dma_semaphore, #tpu.memory_space<semaphore_mem>>
        %dma_start3A_105 = arith.constant 0 : i32
        %dma_start3A_106 = arith.constant 0 : i32
        %dma_start3A_107 = tpu.memref_slice %arg6[%dma_start3A_105, %dma_start3A_106] : memref<10000x128xf32, #tpu.memory_space<vmem_shared>> -> memref<10000x128xf32, #tpu.memory_space<vmem_shared>>
        tpu.enqueue_indirect_dma source(%arg11 : memref<80x128xf32, #tpu.memory_space<vmem>>) target(%dma_start3A_107 : memref<10000x128xf32, #tpu.memory_space<vmem_shared>>) offsets(%arg10 : memref<80xi32, #tpu.memory_space<vmem>>) semaphore(%run_scoped3A : memref<!tpu.dma_semaphore, #tpu.memory_space<semaphore_mem>>) {add = true}
        %dma_wait3A_108 = arith.constant 0 : i32
        %dma_wait3A_109 = arith.constant 0 : i32
        %dma_wait3A_110 = tpu.memref_slice %arg6[%dma_wait3A_108, %dma_wait3A_109] : memref<10000x128xf32, #tpu.memory_space<vmem_shared>> -> memref<10000x128xf32, #tpu.memory_space<vmem_shared>>
        tpu.wait_indirect_dma semaphore(%run_scoped3A : memref<!tpu.dma_semaphore, #tpu.memory_space<semaphore_mem>>) src(%arg11 : memref<80x128xf32, #tpu.memory_space<vmem>>) dst(%dma_wait3A_110 : memref<10000x128xf32, #tpu.memory_space<vmem_shared>>)
        tpu.yield
      }) : () -> ()
    }
    %scan3A_21 = arith.constant 125 : i32
    %barrier3A_22 = arith.constant 0 : index
    tpu.barrier barrier_id(%barrier3A_22)
    "tpu.region"() ({
      %run_scoped3A = tpu.sem_alloc : memref<!tpu.dma_semaphore, #tpu.memory_space<semaphore_mem>>
      %dma_start3A_60 = arith.constant 0 : i32
      %dma_start3A_61 = tpu.memref_slice %arg5[%add3A_5, %mul3A_0, %dma_start3A_60] : memref<4x10000x128xf32, #tpu.memory_space<hbm>> -> memref<1x624x128xf32, #tpu.memory_space<hbm>>
      %dma_start3A_62 = tpu.memref_squeeze %dma_start3A_61 : memref<1x624x128xf32, #tpu.memory_space<hbm>> -> memref<624x128xf32, #tpu.memory_space<hbm>>
      %dma_start3A_63 = arith.constant 0 : i32
      %dma_start3A_64 = tpu.memref_slice %arg6[%mul3A_0, %dma_start3A_63] : memref<10000x128xf32, #tpu.memory_space<vmem_shared>> -> memref<624x128xf32, #tpu.memory_space<vmem_shared>>
      tpu.enqueue_dma source(%dma_start3A_64 : memref<624x128xf32, #tpu.memory_space<vmem_shared>>) target(%dma_start3A_62 : memref<624x128xf32, #tpu.memory_space<hbm>>) target_semaphore(%run_scoped3A : memref<!tpu.dma_semaphore, #tpu.memory_space<semaphore_mem>>)
      %dma_wait3A = arith.constant 0 : i32
      %dma_wait3A_65 = tpu.memref_slice %arg5[%add3A_5, %mul3A_0, %dma_wait3A] : memref<4x10000x128xf32, #tpu.memory_space<hbm>> -> memref<1x624x128xf32, #tpu.memory_space<hbm>>
      %dma_wait3A_66 = tpu.memref_squeeze %dma_wait3A_65 : memref<1x624x128xf32, #tpu.memory_space<hbm>> -> memref<624x128xf32, #tpu.memory_space<hbm>>
      %dma_wait3A_67 = arith.constant 0 : i32
      %dma_wait3A_68 = tpu.memref_slice %arg6[%mul3A_0, %dma_wait3A_67] : memref<10000x128xf32, #tpu.memory_space<vmem_shared>> -> memref<624x128xf32, #tpu.memory_space<vmem_shared>>
      tpu.wait_dma2 semaphore(%run_scoped3A : memref<!tpu.dma_semaphore, #tpu.memory_space<semaphore_mem>>) src(%dma_wait3A_68 : memref<624x128xf32, #tpu.memory_space<vmem_shared>>) dst(%dma_wait3A_66 : memref<624x128xf32, #tpu.memory_space<hbm>>)
      tpu.yield
    }) : () -> ()
    %eq3A_23 = arith.constant 15 : i32
    %eq3A_24 = arith.cmpi eq, %arg1, %eq3A_23 : i32
    %convert_element_type3A_25 = arith.extui %eq3A_24 : i1 to i32
    %cond3A_26 = arith.constant 0 : i32
    %cond3A_27 = arith.cmpi ne, %convert_element_type3A_25, %cond3A_26 : i32
    scf.if %cond3A_27 {
      "tpu.region"() ({
        %run_scoped3A = tpu.sem_alloc : memref<!tpu.dma_semaphore, #tpu.memory_space<semaphore_mem>>
        %dma_start3A_60 = arith.constant 9984 : i32
        %dma_start3A_61 = arith.constant 0 : i32
        %dma_start3A_62 = tpu.memref_slice %arg5[%add3A_5, %dma_start3A_60, %dma_start3A_61] : memref<4x10000x128xf32, #tpu.memory_space<hbm>> -> memref<1x16x128xf32, #tpu.memory_space<hbm>>
        %dma_start3A_63 = tpu.memref_squeeze %dma_start3A_62 : memref<1x16x128xf32, #tpu.memory_space<hbm>> -> memref<16x128xf32, #tpu.memory_space<hbm>>
        %dma_start3A_64 = arith.constant 9984 : i32
        %dma_start3A_65 = arith.constant 0 : i32
        %dma_start3A_66 = tpu.memref_slice %arg6[%dma_start3A_64, %dma_start3A_65] : memref<10000x128xf32, #tpu.memory_space<vmem_shared>> -> memref<16x128xf32, #tpu.memory_space<vmem_shared>>
        tpu.enqueue_dma source(%dma_start3A_66 : memref<16x128xf32, #tpu.memory_space<vmem_shared>>) target(%dma_start3A_63 : memref<16x128xf32, #tpu.memory_space<hbm>>) target_semaphore(%run_scoped3A : memref<!tpu.dma_semaphore, #tpu.memory_space<semaphore_mem>>)
        %dma_wait3A = arith.constant 9984 : i32
        %dma_wait3A_67 = arith.constant 0 : i32
        %dma_wait3A_68 = tpu.memref_slice %arg5[%add3A_5, %dma_wait3A, %dma_wait3A_67] : memref<4x10000x128xf32, #tpu.memory_space<hbm>> -> memref<1x16x128xf32, #tpu.memory_space<hbm>>
        %dma_wait3A_69 = tpu.memref_squeeze %dma_wait3A_68 : memref<1x16x128xf32, #tpu.memory_space<hbm>> -> memref<16x128xf32, #tpu.memory_space<hbm>>
        %dma_wait3A_70 = arith.constant 9984 : i32
        %dma_wait3A_71 = arith.constant 0 : i32
        %dma_wait3A_72 = tpu.memref_slice %arg6[%dma_wait3A_70, %dma_wait3A_71] : memref<10000x128xf32, #tpu.memory_space<vmem_shared>> -> memref<16x128xf32, #tpu.memory_space<vmem_shared>>
        tpu.wait_dma2 semaphore(%run_scoped3A : memref<!tpu.dma_semaphore, #tpu.memory_space<semaphore_mem>>) src(%dma_wait3A_72 : memref<16x128xf32, #tpu.memory_space<vmem_shared>>) dst(%dma_wait3A_69 : memref<16x128xf32, #tpu.memory_space<hbm>>)
        tpu.yield
      }) : () -> ()
    } else {
    }
    %mul3A_28 = arith.constant 2 : i32
    %mul3A_29 = arith.muli %arg0, %mul3A_28 : i32
    %add3A_30 = arith.constant 1 : i32
    %add3A_31 = arith.addi %mul3A_29, %add3A_30 : i32
    "tpu.region"() ({
      %run_scoped3A = tpu.sem_alloc : memref<!tpu.dma_semaphore, #tpu.memory_space<semaphore_mem>>
      %dma_start3A_60 = arith.constant 0 : i32
      %dma_start3A_61 = tpu.memref_slice %arg6[%mul3A_0, %dma_start3A_60] : memref<10000x128xf32, #tpu.memory_space<vmem_shared>> -> memref<624x128xf32, #tpu.memory_space<vmem_shared>>
      %dma_start3A_62 = arith.constant 0 : i32
      %dma_start3A_63 = tpu.memref_slice %arg4[%mul3A_0, %dma_start3A_62] : memref<10000x128xf32, #tpu.memory_space<hbm>> -> memref<624x128xf32, #tpu.memory_space<hbm>>
      tpu.enqueue_dma source(%dma_start3A_63 : memref<624x128xf32, #tpu.memory_space<hbm>>) target(%dma_start3A_61 : memref<624x128xf32, #tpu.memory_space<vmem_shared>>) target_semaphore(%run_scoped3A : memref<!tpu.dma_semaphore, #tpu.memory_space<semaphore_mem>>)
      %dma_wait3A = arith.constant 0 : i32
      %dma_wait3A_64 = tpu.memref_slice %arg6[%mul3A_0, %dma_wait3A] : memref<10000x128xf32, #tpu.memory_space<vmem_shared>> -> memref<624x128xf32, #tpu.memory_space<vmem_shared>>
      %dma_wait3A_65 = arith.constant 0 : i32
      %dma_wait3A_66 = tpu.memref_slice %arg4[%mul3A_0, %dma_wait3A_65] : memref<10000x128xf32, #tpu.memory_space<hbm>> -> memref<624x128xf32, #tpu.memory_space<hbm>>
      tpu.wait_dma2 semaphore(%run_scoped3A : memref<!tpu.dma_semaphore, #tpu.memory_space<semaphore_mem>>) src(%dma_wait3A_66 : memref<624x128xf32, #tpu.memory_space<hbm>>) dst(%dma_wait3A_64 : memref<624x128xf32, #tpu.memory_space<vmem_shared>>)
      tpu.yield
    }) : () -> ()
    %eq3A_32 = arith.constant 15 : i32
    %eq3A_33 = arith.cmpi eq, %arg1, %eq3A_32 : i32
    %convert_element_type3A_34 = arith.extui %eq3A_33 : i1 to i32
    %cond3A_35 = arith.constant 0 : i32
    %cond3A_36 = arith.cmpi ne, %convert_element_type3A_34, %cond3A_35 : i32
    scf.if %cond3A_36 {
      "tpu.region"() ({
        %run_scoped3A = tpu.sem_alloc : memref<!tpu.dma_semaphore, #tpu.memory_space<semaphore_mem>>
        %dma_start3A_60 = arith.constant 9984 : i32
        %dma_start3A_61 = arith.constant 0 : i32
        %dma_start3A_62 = tpu.memref_slice %arg6[%dma_start3A_60, %dma_start3A_61] : memref<10000x128xf32, #tpu.memory_space<vmem_shared>> -> memref<16x128xf32, #tpu.memory_space<vmem_shared>>
        %dma_start3A_63 = arith.constant 9984 : i32
        %dma_start3A_64 = arith.constant 0 : i32
        %dma_start3A_65 = tpu.memref_slice %arg4[%dma_start3A_63, %dma_start3A_64] : memref<10000x128xf32, #tpu.memory_space<hbm>> -> memref<16x128xf32, #tpu.memory_space<hbm>>
        tpu.enqueue_dma source(%dma_start3A_65 : memref<16x128xf32, #tpu.memory_space<hbm>>) target(%dma_start3A_62 : memref<16x128xf32, #tpu.memory_space<vmem_shared>>) target_semaphore(%run_scoped3A : memref<!tpu.dma_semaphore, #tpu.memory_space<semaphore_mem>>)
        %dma_wait3A = arith.constant 9984 : i32
        %dma_wait3A_66 = arith.constant 0 : i32
        %dma_wait3A_67 = tpu.memref_slice %arg6[%dma_wait3A, %dma_wait3A_66] : memref<10000x128xf32, #tpu.memory_space<vmem_shared>> -> memref<16x128xf32, #tpu.memory_space<vmem_shared>>
        %dma_wait3A_68 = arith.constant 9984 : i32
        %dma_wait3A_69 = arith.constant 0 : i32
        %dma_wait3A_70 = tpu.memref_slice %arg4[%dma_wait3A_68, %dma_wait3A_69] : memref<10000x128xf32, #tpu.memory_space<hbm>> -> memref<16x128xf32, #tpu.memory_space<hbm>>
        tpu.wait_dma2 semaphore(%run_scoped3A : memref<!tpu.dma_semaphore, #tpu.memory_space<semaphore_mem>>) src(%dma_wait3A_70 : memref<16x128xf32, #tpu.memory_space<hbm>>) dst(%dma_wait3A_67 : memref<16x128xf32, #tpu.memory_space<vmem_shared>>)
        tpu.yield
      }) : () -> ()
    } else {
    }
    %barrier3A_37 = arith.constant 0 : index
    tpu.barrier barrier_id(%barrier3A_37)
    %add3A_38 = arith.constant 0 : i32
    %add3A_39 = arith.addi %mul3A_2, %add3A_38 : i32
    %dma_start3A_40 = tpu.memref_slice %arg3[%add3A_39] : memref<320000xi32, #tpu.memory_space<hbm>> -> memref<80xi32, #tpu.memory_space<hbm>>
    %dma_start3A_41 = tpu.memref_slice %arg3[%add3A_39] : memref<320000xi32, #tpu.memory_space<hbm>> -> memref<80xi32, #tpu.memory_space<hbm>>
    tpu.enqueue_dma source(%dma_start3A_41 : memref<80xi32, #tpu.memory_space<hbm>>) target(%arg7 : memref<80xi32, #tpu.memory_space<vmem>>) target_semaphore(%arg9 : memref<!tpu.dma_semaphore, #tpu.memory_space<semaphore_mem>>)
    %dma_start3A_42 = arith.constant 0 : i32
    %dma_start3A_43 = tpu.memref_slice %arg2[%add3A_31, %add3A_39, %dma_start3A_42] : memref<4x320000x128xf32, #tpu.memory_space<hbm>> -> memref<1x80x128xf32, #tpu.memory_space<hbm>>
    %dma_start3A_44 = tpu.memref_squeeze %dma_start3A_43 : memref<1x80x128xf32, #tpu.memory_space<hbm>> -> memref<80x128xf32, #tpu.memory_space<hbm>>
    %dma_start3A_45 = arith.constant 0 : i32
    %dma_start3A_46 = tpu.memref_slice %arg2[%add3A_31, %add3A_39, %dma_start3A_45] : memref<4x320000x128xf32, #tpu.memory_space<hbm>> -> memref<1x80x128xf32, #tpu.memory_space<hbm>>
    %dma_start3A_47 = tpu.memref_squeeze %dma_start3A_46 : memref<1x80x128xf32, #tpu.memory_space<hbm>> -> memref<80x128xf32, #tpu.memory_space<hbm>>
    tpu.enqueue_dma source(%dma_start3A_47 : memref<80x128xf32, #tpu.memory_space<hbm>>) target(%arg8 : memref<80x128xf32, #tpu.memory_space<vmem>>) target_semaphore(%arg9 : memref<!tpu.dma_semaphore, #tpu.memory_space<semaphore_mem>>)
    %scan3A_48 = arith.constant 0 : i32
    %scan3A_49 = arith.constant 0 : i32
    %scan3A_50 = arith.constant 125 : i32
    %scan3A_51 = arith.addi %scan3A_49, %scan3A_50 : i32
    %scan3A_52 = arith.constant 1 : i32
    scf.for %scan3A_60 = %scan3A_49 to %scan3A_51 step %scan3A_52  : i32 {
      %mul3A_61 = arith.constant 2 : i32
      %mul3A_62 = arith.muli %scan3A_60, %mul3A_61 : i32
      %add3A_63 = arith.constant 1 : i32
      %add3A_64 = arith.addi %mul3A_62, %add3A_63 : i32
      %mul3A_65 = arith.constant 80 : i32
      %mul3A_66 = arith.muli %add3A_64, %mul3A_65 : i32
      %add3A_67 = arith.addi %mul3A_2, %mul3A_66 : i32
      %dma_start3A_68 = tpu.memref_slice %arg3[%add3A_67] : memref<320000xi32, #tpu.memory_space<hbm>> -> memref<80xi32, #tpu.memory_space<hbm>>
      %dma_start3A_69 = tpu.memref_slice %arg3[%add3A_67] : memref<320000xi32, #tpu.memory_space<hbm>> -> memref<80xi32, #tpu.memory_space<hbm>>
      tpu.enqueue_dma source(%dma_start3A_69 : memref<80xi32, #tpu.memory_space<hbm>>) target(%arg10 : memref<80xi32, #tpu.memory_space<vmem>>) target_semaphore(%arg12 : memref<!tpu.dma_semaphore, #tpu.memory_space<semaphore_mem>>)
      %dma_start3A_70 = arith.constant 0 : i32
      %dma_start3A_71 = tpu.memref_slice %arg2[%add3A_31, %add3A_67, %dma_start3A_70] : memref<4x320000x128xf32, #tpu.memory_space<hbm>> -> memref<1x80x128xf32, #tpu.memory_space<hbm>>
      %dma_start3A_72 = tpu.memref_squeeze %dma_start3A_71 : memref<1x80x128xf32, #tpu.memory_space<hbm>> -> memref<80x128xf32, #tpu.memory_space<hbm>>
      %dma_start3A_73 = arith.constant 0 : i32
      %dma_start3A_74 = tpu.memref_slice %arg2[%add3A_31, %add3A_67, %dma_start3A_73] : memref<4x320000x128xf32, #tpu.memory_space<hbm>> -> memref<1x80x128xf32, #tpu.memory_space<hbm>>
      %dma_start3A_75 = tpu.memref_squeeze %dma_start3A_74 : memref<1x80x128xf32, #tpu.memory_space<hbm>> -> memref<80x128xf32, #tpu.memory_space<hbm>>
      tpu.enqueue_dma source(%dma_start3A_75 : memref<80x128xf32, #tpu.memory_space<hbm>>) target(%arg11 : memref<80x128xf32, #tpu.memory_space<vmem>>) target_semaphore(%arg12 : memref<!tpu.dma_semaphore, #tpu.memory_space<semaphore_mem>>)
      %mul3A_76 = arith.constant 80 : i32
      %mul3A_77 = arith.muli %mul3A_62, %mul3A_76 : i32
      %add3A_78 = arith.addi %mul3A_2, %mul3A_77 : i32
      %dma_wait3A = tpu.memref_slice %arg3[%add3A_78] : memref<320000xi32, #tpu.memory_space<hbm>> -> memref<80xi32, #tpu.memory_space<hbm>>
      %dma_wait3A_79 = tpu.memref_slice %arg3[%add3A_78] : memref<320000xi32, #tpu.memory_space<hbm>> -> memref<80xi32, #tpu.memory_space<hbm>>
      tpu.wait_dma2 semaphore(%arg9 : memref<!tpu.dma_semaphore, #tpu.memory_space<semaphore_mem>>) src(%dma_wait3A_79 : memref<80xi32, #tpu.memory_space<hbm>>) dst(%arg7 : memref<80xi32, #tpu.memory_space<vmem>>)
      %dma_wait3A_80 = arith.constant 0 : i32
      %dma_wait3A_81 = tpu.memref_slice %arg2[%add3A_31, %add3A_78, %dma_wait3A_80] : memref<4x320000x128xf32, #tpu.memory_space<hbm>> -> memref<1x80x128xf32, #tpu.memory_space<hbm>>
      %dma_wait3A_82 = tpu.memref_squeeze %dma_wait3A_81 : memref<1x80x128xf32, #tpu.memory_space<hbm>> -> memref<80x128xf32, #tpu.memory_space<hbm>>
      %dma_wait3A_83 = arith.constant 0 : i32
      %dma_wait3A_84 = tpu.memref_slice %arg2[%add3A_31, %add3A_78, %dma_wait3A_83] : memref<4x320000x128xf32, #tpu.memory_space<hbm>> -> memref<1x80x128xf32, #tpu.memory_space<hbm>>
      %dma_wait3A_85 = tpu.memref_squeeze %dma_wait3A_84 : memref<1x80x128xf32, #tpu.memory_space<hbm>> -> memref<80x128xf32, #tpu.memory_space<hbm>>
      tpu.wait_dma2 semaphore(%arg9 : memref<!tpu.dma_semaphore, #tpu.memory_space<semaphore_mem>>) src(%dma_wait3A_85 : memref<80x128xf32, #tpu.memory_space<hbm>>) dst(%arg8 : memref<80x128xf32, #tpu.memory_space<vmem>>)
      "tpu.region"() ({
        %run_scoped3A = tpu.sem_alloc : memref<!tpu.dma_semaphore, #tpu.memory_space<semaphore_mem>>
        %dma_start3A_105 = arith.constant 0 : i32
        %dma_start3A_106 = arith.constant 0 : i32
        %dma_start3A_107 = tpu.memref_slice %arg6[%dma_start3A_105, %dma_start3A_106] : memref<10000x128xf32, #tpu.memory_space<vmem_shared>> -> memref<10000x128xf32, #tpu.memory_space<vmem_shared>>
        tpu.enqueue_indirect_dma source(%arg8 : memref<80x128xf32, #tpu.memory_space<vmem>>) target(%dma_start3A_107 : memref<10000x128xf32, #tpu.memory_space<vmem_shared>>) offsets(%arg7 : memref<80xi32, #tpu.memory_space<vmem>>) semaphore(%run_scoped3A : memref<!tpu.dma_semaphore, #tpu.memory_space<semaphore_mem>>) {add = true}
        %dma_wait3A_108 = arith.constant 0 : i32
        %dma_wait3A_109 = arith.constant 0 : i32
        %dma_wait3A_110 = tpu.memref_slice %arg6[%dma_wait3A_108, %dma_wait3A_109] : memref<10000x128xf32, #tpu.memory_space<vmem_shared>> -> memref<10000x128xf32, #tpu.memory_space<vmem_shared>>
        tpu.wait_indirect_dma semaphore(%run_scoped3A : memref<!tpu.dma_semaphore, #tpu.memory_space<semaphore_mem>>) src(%arg8 : memref<80x128xf32, #tpu.memory_space<vmem>>) dst(%dma_wait3A_110 : memref<10000x128xf32, #tpu.memory_space<vmem_shared>>)
        tpu.yield
      }) : () -> ()
      %add3A_86 = arith.constant 2 : i32
      %add3A_87 = arith.addi %mul3A_62, %add3A_86 : i32
      %lt3A = arith.constant 250 : i32
      %lt3A_88 = arith.cmpi slt, %add3A_87, %lt3A : i32
      %convert_element_type3A_89 = arith.extui %lt3A_88 : i1 to i32
      %cond3A_90 = arith.constant 0 : i32
      %cond3A_91 = arith.cmpi ne, %convert_element_type3A_89, %cond3A_90 : i32
      scf.if %cond3A_91 {
        %add3A_105 = arith.constant 2 : i32
        %add3A_106 = arith.addi %mul3A_62, %add3A_105 : i32
        %mul3A_107 = arith.constant 80 : i32
        %mul3A_108 = arith.muli %add3A_106, %mul3A_107 : i32
        %add3A_109 = arith.addi %mul3A_2, %mul3A_108 : i32
        %dma_start3A_110 = tpu.memref_slice %arg3[%add3A_109] : memref<320000xi32, #tpu.memory_space<hbm>> -> memref<80xi32, #tpu.memory_space<hbm>>
        %dma_start3A_111 = tpu.memref_slice %arg3[%add3A_109] : memref<320000xi32, #tpu.memory_space<hbm>> -> memref<80xi32, #tpu.memory_space<hbm>>
        tpu.enqueue_dma source(%dma_start3A_111 : memref<80xi32, #tpu.memory_space<hbm>>) target(%arg7 : memref<80xi32, #tpu.memory_space<vmem>>) target_semaphore(%arg9 : memref<!tpu.dma_semaphore, #tpu.memory_space<semaphore_mem>>)
        %dma_start3A_112 = arith.constant 0 : i32
        %dma_start3A_113 = tpu.memref_slice %arg2[%add3A_31, %add3A_109, %dma_start3A_112] : memref<4x320000x128xf32, #tpu.memory_space<hbm>> -> memref<1x80x128xf32, #tpu.memory_space<hbm>>
        %dma_start3A_114 = tpu.memref_squeeze %dma_start3A_113 : memref<1x80x128xf32, #tpu.memory_space<hbm>> -> memref<80x128xf32, #tpu.memory_space<hbm>>
        %dma_start3A_115 = arith.constant 0 : i32
        %dma_start3A_116 = tpu.memref_slice %arg2[%add3A_31, %add3A_109, %dma_start3A_115] : memref<4x320000x128xf32, #tpu.memory_space<hbm>> -> memref<1x80x128xf32, #tpu.memory_space<hbm>>
        %dma_start3A_117 = tpu.memref_squeeze %dma_start3A_116 : memref<1x80x128xf32, #tpu.memory_space<hbm>> -> memref<80x128xf32, #tpu.memory_space<hbm>>
        tpu.enqueue_dma source(%dma_start3A_117 : memref<80x128xf32, #tpu.memory_space<hbm>>) target(%arg8 : memref<80x128xf32, #tpu.memory_space<vmem>>) target_semaphore(%arg9 : memref<!tpu.dma_semaphore, #tpu.memory_space<semaphore_mem>>)
      } else {
      }
      %add3A_92 = arith.constant 1 : i32
      %add3A_93 = arith.addi %mul3A_62, %add3A_92 : i32
      %mul3A_94 = arith.constant 80 : i32
      %mul3A_95 = arith.muli %add3A_93, %mul3A_94 : i32
      %add3A_96 = arith.addi %mul3A_2, %mul3A_95 : i32
      %dma_wait3A_97 = tpu.memref_slice %arg3[%add3A_96] : memref<320000xi32, #tpu.memory_space<hbm>> -> memref<80xi32, #tpu.memory_space<hbm>>
      %dma_wait3A_98 = tpu.memref_slice %arg3[%add3A_96] : memref<320000xi32, #tpu.memory_space<hbm>> -> memref<80xi32, #tpu.memory_space<hbm>>
      tpu.wait_dma2 semaphore(%arg12 : memref<!tpu.dma_semaphore, #tpu.memory_space<semaphore_mem>>) src(%dma_wait3A_98 : memref<80xi32, #tpu.memory_space<hbm>>) dst(%arg10 : memref<80xi32, #tpu.memory_space<vmem>>)
      %dma_wait3A_99 = arith.constant 0 : i32
      %dma_wait3A_100 = tpu.memref_slice %arg2[%add3A_31, %add3A_96, %dma_wait3A_99] : memref<4x320000x128xf32, #tpu.memory_space<hbm>> -> memref<1x80x128xf32, #tpu.memory_space<hbm>>
      %dma_wait3A_101 = tpu.memref_squeeze %dma_wait3A_100 : memref<1x80x128xf32, #tpu.memory_space<hbm>> -> memref<80x128xf32, #tpu.memory_space<hbm>>
      %dma_wait3A_102 = arith.constant 0 : i32
      %dma_wait3A_103 = tpu.memref_slice %arg2[%add3A_31, %add3A_96, %dma_wait3A_102] : memref<4x320000x128xf32, #tpu.memory_space<hbm>> -> memref<1x80x128xf32, #tpu.memory_space<hbm>>
      %dma_wait3A_104 = tpu.memref_squeeze %dma_wait3A_103 : memref<1x80x128xf32, #tpu.memory_space<hbm>> -> memref<80x128xf32, #tpu.memory_space<hbm>>
      tpu.wait_dma2 semaphore(%arg12 : memref<!tpu.dma_semaphore, #tpu.memory_space<semaphore_mem>>) src(%dma_wait3A_104 : memref<80x128xf32, #tpu.memory_space<hbm>>) dst(%arg11 : memref<80x128xf32, #tpu.memory_space<vmem>>)
      "tpu.region"() ({
        %run_scoped3A = tpu.sem_alloc : memref<!tpu.dma_semaphore, #tpu.memory_space<semaphore_mem>>
        %dma_start3A_105 = arith.constant 0 : i32
        %dma_start3A_106 = arith.constant 0 : i32
        %dma_start3A_107 = tpu.memref_slice %arg6[%dma_start3A_105, %dma_start3A_106] : memref<10000x128xf32, #tpu.memory_space<vmem_shared>> -> memref<10000x128xf32, #tpu.memory_space<vmem_shared>>
        tpu.enqueue_indirect_dma source(%arg11 : memref<80x128xf32, #tpu.memory_space<vmem>>) target(%dma_start3A_107 : memref<10000x128xf32, #tpu.memory_space<vmem_shared>>) offsets(%arg10 : memref<80xi32, #tpu.memory_space<vmem>>) semaphore(%run_scoped3A : memref<!tpu.dma_semaphore, #tpu.memory_space<semaphore_mem>>) {add = true}
        %dma_wait3A_108 = arith.constant 0 : i32
        %dma_wait3A_109 = arith.constant 0 : i32
        %dma_wait3A_110 = tpu.memref_slice %arg6[%dma_wait3A_108, %dma_wait3A_109] : memref<10000x128xf32, #tpu.memory_space<vmem_shared>> -> memref<10000x128xf32, #tpu.memory_space<vmem_shared>>
        tpu.wait_indirect_dma semaphore(%run_scoped3A : memref<!tpu.dma_semaphore, #tpu.memory_space<semaphore_mem>>) src(%arg11 : memref<80x128xf32, #tpu.memory_space<vmem>>) dst(%dma_wait3A_110 : memref<10000x128xf32, #tpu.memory_space<vmem_shared>>)
        tpu.yield
      }) : () -> ()
    }
    %scan3A_53 = arith.constant 125 : i32
    %barrier3A_54 = arith.constant 0 : index
    tpu.barrier barrier_id(%barrier3A_54)
    "tpu.region"() ({
      %run_scoped3A = tpu.sem_alloc : memref<!tpu.dma_semaphore, #tpu.memory_space<semaphore_mem>>
      %dma_start3A_60 = arith.constant 0 : i32
      %dma_start3A_61 = tpu.memref_slice %arg5[%add3A_31, %mul3A_0, %dma_start3A_60] : memref<4x10000x128xf32, #tpu.memory_space<hbm>> -> memref<1x624x128xf32, #tpu.memory_space<hbm>>
      %dma_start3A_62 = tpu.memref_squeeze %dma_start3A_61 : memref<1x624x128xf32, #tpu.memory_space<hbm>> -> memref<624x128xf32, #tpu.memory_space<hbm>>
      %dma_start3A_63 = arith.constant 0 : i32
      %dma_start3A_64 = tpu.memref_slice %arg6[%mul3A_0, %dma_start3A_63] : memref<10000x128xf32, #tpu.memory_space<vmem_shared>> -> memref<624x128xf32, #tpu.memory_space<vmem_shared>>
      tpu.enqueue_dma source(%dma_start3A_64 : memref<624x128xf32, #tpu.memory_space<vmem_shared>>) target(%dma_start3A_62 : memref<624x128xf32, #tpu.memory_space<hbm>>) target_semaphore(%run_scoped3A : memref<!tpu.dma_semaphore, #tpu.memory_space<semaphore_mem>>)
      %dma_wait3A = arith.constant 0 : i32
      %dma_wait3A_65 = tpu.memref_slice %arg5[%add3A_31, %mul3A_0, %dma_wait3A] : memref<4x10000x128xf32, #tpu.memory_space<hbm>> -> memref<1x624x128xf32, #tpu.memory_space<hbm>>
      %dma_wait3A_66 = tpu.memref_squeeze %dma_wait3A_65 : memref<1x624x128xf32, #tpu.memory_space<hbm>> -> memref<624x128xf32, #tpu.memory_space<hbm>>
      %dma_wait3A_67 = arith.constant 0 : i32
      %dma_wait3A_68 = tpu.memref_slice %arg6[%mul3A_0, %dma_wait3A_67] : memref<10000x128xf32, #tpu.memory_space<vmem_shared>> -> memref<624x128xf32, #tpu.memory_space<vmem_shared>>
      tpu.wait_dma2 semaphore(%run_scoped3A : memref<!tpu.dma_semaphore, #tpu.memory_space<semaphore_mem>>) src(%dma_wait3A_68 : memref<624x128xf32, #tpu.memory_space<vmem_shared>>) dst(%dma_wait3A_66 : memref<624x128xf32, #tpu.memory_space<hbm>>)
      tpu.yield
    }) : () -> ()
    %eq3A_55 = arith.constant 15 : i32
    %eq3A_56 = arith.cmpi eq, %arg1, %eq3A_55 : i32
    %convert_element_type3A_57 = arith.extui %eq3A_56 : i1 to i32
    %cond3A_58 = arith.constant 0 : i32
    %cond3A_59 = arith.cmpi ne, %convert_element_type3A_57, %cond3A_58 : i32
    scf.if %cond3A_59 {
      "tpu.region"() ({
        %run_scoped3A = tpu.sem_alloc : memref<!tpu.dma_semaphore, #tpu.memory_space<semaphore_mem>>
        %dma_start3A_60 = arith.constant 9984 : i32
        %dma_start3A_61 = arith.constant 0 : i32
        %dma_start3A_62 = tpu.memref_slice %arg5[%add3A_31, %dma_start3A_60, %dma_start3A_61] : memref<4x10000x128xf32, #tpu.memory_space<hbm>> -> memref<1x16x128xf32, #tpu.memory_space<hbm>>
        %dma_start3A_63 = tpu.memref_squeeze %dma_start3A_62 : memref<1x16x128xf32, #tpu.memory_space<hbm>> -> memref<16x128xf32, #tpu.memory_space<hbm>>
        %dma_start3A_64 = arith.constant 9984 : i32
        %dma_start3A_65 = arith.constant 0 : i32
        %dma_start3A_66 = tpu.memref_slice %arg6[%dma_start3A_64, %dma_start3A_65] : memref<10000x128xf32, #tpu.memory_space<vmem_shared>> -> memref<16x128xf32, #tpu.memory_space<vmem_shared>>
        tpu.enqueue_dma source(%dma_start3A_66 : memref<16x128xf32, #tpu.memory_space<vmem_shared>>) target(%dma_start3A_63 : memref<16x128xf32, #tpu.memory_space<hbm>>) target_semaphore(%run_scoped3A : memref<!tpu.dma_semaphore, #tpu.memory_space<semaphore_mem>>)
        %dma_wait3A = arith.constant 9984 : i32
        %dma_wait3A_67 = arith.constant 0 : i32
        %dma_wait3A_68 = tpu.memref_slice %arg5[%add3A_31, %dma_wait3A, %dma_wait3A_67] : memref<4x10000x128xf32, #tpu.memory_space<hbm>> -> memref<1x16x128xf32, #tpu.memory_space<hbm>>
        %dma_wait3A_69 = tpu.memref_squeeze %dma_wait3A_68 : memref<1x16x128xf32, #tpu.memory_space<hbm>> -> memref<16x128xf32, #tpu.memory_space<hbm>>
        %dma_wait3A_70 = arith.constant 9984 : i32
        %dma_wait3A_71 = arith.constant 0 : i32
        %dma_wait3A_72 = tpu.memref_slice %arg6[%dma_wait3A_70, %dma_wait3A_71] : memref<10000x128xf32, #tpu.memory_space<vmem_shared>> -> memref<16x128xf32, #tpu.memory_space<vmem_shared>>
        tpu.wait_dma2 semaphore(%run_scoped3A : memref<!tpu.dma_semaphore, #tpu.memory_space<semaphore_mem>>) src(%dma_wait3A_72 : memref<16x128xf32, #tpu.memory_space<vmem_shared>>) dst(%dma_wait3A_69 : memref<16x128xf32, #tpu.memory_space<hbm>>)
        tpu.yield
      }) : () -> ()
    } else {
    }
    return
  }
}

module attributes {stable_mosaic.version = 14 : i64} {
  func.func @_mlp_body(%arg0: i32, %arg1: memref<1000x128xf32, #tpu.memory_space<vmem>>, %arg2: memref<128x128xf32, #tpu.memory_space<vmem>>, %arg3: memref<1x128xf32, #tpu.memory_space<vmem>>, %arg4: memref<128x512xf32, #tpu.memory_space<vmem>>, %arg5: memref<1x512xf32, #tpu.memory_space<vmem>>, %arg6: memref<1000x256xi32, #tpu.memory_space<vmem>>) attributes {dimension_semantics = [#tpu.dimension_semantics<arbitrary>], iteration_bounds = array<i64: 10>, scalar_prefetch = 0 : i64, scratch_operands = 0 : i64, tpu.core_type = #tpu.core_type<tc>, window_params = [{transform_indices = @transform_0, window_bounds = array<i64: 1000, 128>}, {pipeline_mode = #tpu.pipeline_mode<synchronous>, transform_indices = @transform_1, window_bounds = array<i64: 128, 128>}, {pipeline_mode = #tpu.pipeline_mode<synchronous>, transform_indices = @transform_2, window_bounds = array<i64: 1, 128>}, {pipeline_mode = #tpu.pipeline_mode<synchronous>, transform_indices = @transform_3, window_bounds = array<i64: 128, 512>}, {pipeline_mode = #tpu.pipeline_mode<synchronous>, transform_indices = @transform_4, window_bounds = array<i64: 1, 512>}, {transform_indices = @transform_5, window_bounds = array<i64: 1000, 256>}]} {
    %get3A = arith.constant 0 : index
    %get3A_0 = arith.constant 0 : index
    %get3A_1 = vector.load %arg1[%get3A, %get3A_0] : memref<1000x128xf32, #tpu.memory_space<vmem>>, vector<1000x128xf32>
    %get3A_2 = arith.constant 0 : index
    %get3A_3 = arith.constant 0 : index
    %get3A_4 = vector.load %arg2[%get3A_2, %get3A_3] : memref<128x128xf32, #tpu.memory_space<vmem>>, vector<128x128xf32>
    %dot_general3A = arith.constant dense<0.000000e+00> : vector<1000x128xf32>
    %dot_general3A_5 = tpu.matmul %get3A_1, %get3A_4, %dot_general3A {dimension_numbers = #tpu.dot_dimension_numbers<[1], [0], [0], [1], [0, 0, 1, 1], [], []>, transpose_lhs_hint = false} : vector<1000x128xf32>, vector<128x128xf32>, vector<1000x128xf32> -> vector<1000x128xf32>
    %get3A_6 = arith.constant 0 : index
    %get3A_7 = arith.constant 0 : index
    %get3A_8 = vector.load %arg3[%get3A_6, %get3A_7] : memref<1x128xf32, #tpu.memory_space<vmem>>, vector<1x128xf32>
    %add3A = vector.broadcast %get3A_8 : vector<1x128xf32> to vector<1000x128xf32>
    %add3A_9 = arith.addf %dot_general3A_5, %add3A : vector<1000x128xf32>
    %logistic3A = arith.negf %add3A_9 : vector<1000x128xf32>
    %logistic3A_10 = math.exp %logistic3A : vector<1000x128xf32>
    %logistic3A_11 = arith.constant 1.000000e+00 : f32
    %logistic3A_12 = vector.broadcast %logistic3A_11 : f32 to vector<1000x128xf32>
    %logistic3A_13 = arith.addf %logistic3A_12, %logistic3A_10 : vector<1000x128xf32>
    %logistic3A_14 = arith.divf %logistic3A_12, %logistic3A_13 : vector<1000x128xf32>
    %mul3A = arith.mulf %add3A_9, %logistic3A_14 : vector<1000x128xf32>
    %mul3A_15 = arith.constant 1.66666663 : f32
    %mul3A_16 = vector.broadcast %mul3A_15 : f32 to vector<1000x128xf32>
    %mul3A_17 = arith.mulf %mul3A, %mul3A_16 : vector<1000x128xf32>
    %get3A_18 = arith.constant 0 : index
    %get3A_19 = arith.constant 0 : index
    %get3A_20 = vector.load %arg4[%get3A_18, %get3A_19] : memref<128x512xf32, #tpu.memory_space<vmem>>, vector<128x512xf32>
    %dot_general3A_21 = arith.constant dense<0.000000e+00> : vector<1000x512xf32>
    %dot_general3A_22 = tpu.matmul %mul3A_17, %get3A_20, %dot_general3A_21 {dimension_numbers = #tpu.dot_dimension_numbers<[1], [0], [0], [1], [0, 0, 1, 1], [], []>, transpose_lhs_hint = false} : vector<1000x128xf32>, vector<128x512xf32>, vector<1000x512xf32> -> vector<1000x512xf32>
    %get3A_23 = arith.constant 0 : index
    %get3A_24 = arith.constant 0 : index
    %get3A_25 = vector.load %arg5[%get3A_23, %get3A_24] : memref<1x512xf32, #tpu.memory_space<vmem>>, vector<1x512xf32>
    %add3A_26 = vector.broadcast %get3A_25 : vector<1x512xf32> to vector<1000x512xf32>
    %add3A_27 = arith.addf %dot_general3A_22, %add3A_26 : vector<1000x512xf32>
    %slice3A = vector.extract_strided_slice %add3A_27 {offsets = [0, 0], sizes = [1000, 256], strides = [1, 1]} : vector<1000x512xf32> to vector<1000x256xf32>
    %bitcast_convert_type3A = tpu.bitcast %slice3A : vector<1000x256xf32> -> vector<1000x256xi32>
    %add3A_28 = arith.constant 32768 : i32
    %add3A_29 = vector.broadcast %add3A_28 : i32 to vector<1000x256xi32>
    %add3A_30 = arith.addi %bitcast_convert_type3A, %add3A_29 : vector<1000x256xi32>
    %slice3A_31 = vector.extract_strided_slice %add3A_27 {offsets = [0, 256], sizes = [1000, 256], strides = [1, 1]} : vector<1000x512xf32> to vector<1000x256xf32>
    %bitcast_convert_type3A_32 = tpu.bitcast %slice3A_31 : vector<1000x256xf32> -> vector<1000x256xi32>
    %add3A_33 = arith.constant 32768 : i32
    %add3A_34 = vector.broadcast %add3A_33 : i32 to vector<1000x256xi32>
    %add3A_35 = arith.addi %bitcast_convert_type3A_32, %add3A_34 : vector<1000x256xi32>
    %shift_right_logical3A = arith.constant 16 : i32
    %shift_right_logical3A_36 = vector.broadcast %shift_right_logical3A : i32 to vector<1000x256xi32>
    %shift_right_logical3A_37 = arith.shrui %add3A_30, %shift_right_logical3A_36 : vector<1000x256xi32>
    %and3A = arith.constant -65536 : i32
    %and3A_38 = vector.broadcast %and3A : i32 to vector<1000x256xi32>
    %and3A_39 = arith.andi %add3A_35, %and3A_38 : vector<1000x256xi32>
    %or3A = arith.ori %shift_right_logical3A_37, %and3A_39 : vector<1000x256xi32>
    %swap3A = arith.constant 0 : index
    %swap3A_40 = arith.constant 0 : index
    %swap3A_41 = vector.load %arg6[%swap3A, %swap3A_40] : memref<1000x256xi32, #tpu.memory_space<vmem>>, vector<1000x256xi32>
    tpu.vector_store %arg6[%swap3A, %swap3A_40], %or3A {strides = array<i32>} : memref<1000x256xi32, #tpu.memory_space<vmem>>, vector<1000x256xi32>,
    return
  }
  func.func @transform_0(%arg0: i32) -> (i32, i32) {
    %c0_i32 = arith.constant 0 : i32
    %c0_i32_0 = arith.constant 0 : i32
    return %arg0, %c0_i32 : i32, i32
  }
  func.func @transform_1(%arg0: i32) -> (i32, i32) {
    %c0_i32 = arith.constant 0 : i32
    %c0_i32_0 = arith.constant 0 : i32
    %c0_i32_1 = arith.constant 0 : i32
    return %c0_i32, %c0_i32_0 : i32, i32
  }
  func.func @transform_2(%arg0: i32) -> (i32, i32) {
    %c0_i32 = arith.constant 0 : i32
    %c0_i32_0 = arith.constant 0 : i32
    %c0_i32_1 = arith.constant 0 : i32
    return %c0_i32, %c0_i32_0 : i32, i32
  }
  func.func @transform_3(%arg0: i32) -> (i32, i32) {
    %c0_i32 = arith.constant 0 : i32
    %c0_i32_0 = arith.constant 0 : i32
    %c0_i32_1 = arith.constant 0 : i32
    return %c0_i32, %c0_i32_0 : i32, i32
  }
  func.func @transform_4(%arg0: i32) -> (i32, i32) {
    %c0_i32 = arith.constant 0 : i32
    %c0_i32_0 = arith.constant 0 : i32
    %c0_i32_1 = arith.constant 0 : i32
    return %c0_i32, %c0_i32_0 : i32, i32
  }
  func.func @transform_5(%arg0: i32) -> (i32, i32) {
    %c0_i32 = arith.constant 0 : i32
    %c0_i32_0 = arith.constant 0 : i32
    return %arg0, %c0_i32 : i32, i32
  }
}

module attributes {stable_mosaic.version = 14 : i64} {
  func.func @_msg_body(%arg0: i32, %arg1: memref<2560x4xf32, #tpu.memory_space<vmem>>, %arg2: memref<2560x256xi32, #tpu.memory_space<vmem>>, %arg3: memref<2560x256xi32, #tpu.memory_space<vmem>>, %arg4: memref<1x32xf32, #tpu.memory_space<vmem>>, %arg5: memref<32x384xf32, #tpu.memory_space<vmem>>, %arg6: memref<1x384xf32, #tpu.memory_space<vmem>>, %arg7: memref<4x2560x128xf32, #tpu.memory_space<vmem>>) attributes {dimension_semantics = [#tpu.dimension_semantics<arbitrary>], iteration_bounds = array<i64: 125>, scalar_prefetch = 0 : i64, scratch_operands = 0 : i64, tpu.core_type = #tpu.core_type<tc>, window_params = [{transform_indices = @transform_0, window_bounds = array<i64: 2560, 4>}, {transform_indices = @transform_1, window_bounds = array<i64: 2560, 256>}, {transform_indices = @transform_2, window_bounds = array<i64: 2560, 256>}, {pipeline_mode = #tpu.pipeline_mode<synchronous>, transform_indices = @transform_3, window_bounds = array<i64: 1, 32>}, {pipeline_mode = #tpu.pipeline_mode<synchronous>, transform_indices = @transform_4, window_bounds = array<i64: 32, 384>}, {pipeline_mode = #tpu.pipeline_mode<synchronous>, transform_indices = @transform_5, window_bounds = array<i64: 1, 384>}, {transform_indices = @transform_6, window_bounds = array<i64: 4, 2560, 128>}]} {
    %get3A = arith.constant 0 : index
    %get3A_0 = arith.constant 3 : index
    %get3A_1 = vector.load %arg1[%get3A, %get3A_0] : memref<2560x4xf32, #tpu.memory_space<vmem>>, vector<2560x1xf32>
    %sqrt3A = math.sqrt %get3A_1 : vector<2560x1xf32>
    %div3A = arith.constant 1.000000e+00 : f32
    %div3A_2 = vector.broadcast %div3A : f32 to vector<2560x1xf32>
    %div3A_3 = arith.divf %div3A_2, %sqrt3A : vector<2560x1xf32>
    %mul3A = arith.constant 2.000000e-01 : f32
    %mul3A_4 = vector.broadcast %mul3A : f32 to vector<2560x1xf32>
    %mul3A_5 = arith.mulf %sqrt3A, %mul3A_4 : vector<2560x1xf32>
    %get3A_6 = arith.constant 0 : index
    %get3A_7 = arith.constant 0 : index
    %get3A_8 = vector.load %arg4[%get3A_6, %get3A_7] : memref<1x32xf32, #tpu.memory_space<vmem>>, vector<1x32xf32>
    %mul3A_9 = vector.broadcast %mul3A_5 : vector<2560x1xf32> to vector<2560x32xf32>
    %mul3A_10 = vector.broadcast %get3A_8 : vector<1x32xf32> to vector<2560x32xf32>
    %mul3A_11 = arith.mulf %mul3A_9, %mul3A_10 : vector<2560x32xf32>
    %sub3A = arith.constant 1.57079637 : f32
    %sub3A_12 = vector.broadcast %sub3A : f32 to vector<2560x32xf32>
    %sub3A_13 = arith.subf %mul3A_11, %sub3A_12 : vector<2560x32xf32>
    %mul3A_14 = arith.constant 0.159154937 : f32
    %mul3A_15 = vector.broadcast %mul3A_14 : f32 to vector<2560x32xf32>
    %mul3A_16 = arith.mulf %sub3A_13, %mul3A_15 : vector<2560x32xf32>
    %add3A = arith.constant 5.000000e-01 : f32
    %add3A_17 = vector.broadcast %add3A : f32 to vector<2560x32xf32>
    %add3A_18 = arith.addf %mul3A_16, %add3A_17 : vector<2560x32xf32>
    %floor3A = math.floor %add3A_18 : vector<2560x32xf32>
    %mul3A_19 = arith.constant 6.28318548 : f32
    %mul3A_20 = vector.broadcast %mul3A_19 : f32 to vector<2560x32xf32>
    %mul3A_21 = arith.mulf %floor3A, %mul3A_20 : vector<2560x32xf32>
    %sub3A_22 = arith.subf %sub3A_13, %mul3A_21 : vector<2560x32xf32>
    %mul3A_23 = arith.mulf %sub3A_22, %sub3A_22 : vector<2560x32xf32>
    %mul3A_24 = arith.constant -2.21939501E-7 : f32
    %mul3A_25 = vector.broadcast %mul3A_24 : f32 to vector<2560x32xf32>
    %mul3A_26 = arith.mulf %mul3A_25, %mul3A_23 : vector<2560x32xf32>
    %add3A_27 = arith.constant 2.42531933E-5 : f32
    %add3A_28 = vector.broadcast %add3A_27 : f32 to vector<2560x32xf32>
    %add3A_29 = arith.addf %mul3A_26, %add3A_28 : vector<2560x32xf32>
    %mul3A_30 = arith.mulf %add3A_29, %mul3A_23 : vector<2560x32xf32>
    %add3A_31 = arith.constant -0.0013862747 : f32
    %add3A_32 = vector.broadcast %add3A_31 : f32 to vector<2560x32xf32>
    %add3A_33 = arith.addf %mul3A_30, %add3A_32 : vector<2560x32xf32>
    %mul3A_34 = arith.mulf %add3A_33, %mul3A_23 : vector<2560x32xf32>
    %add3A_35 = arith.constant 0.0416610315 : f32
    %add3A_36 = vector.broadcast %add3A_35 : f32 to vector<2560x32xf32>
    %add3A_37 = arith.addf %mul3A_34, %add3A_36 : vector<2560x32xf32>
    %mul3A_38 = arith.mulf %add3A_37, %mul3A_23 : vector<2560x32xf32>
    %add3A_39 = arith.constant -0.499995589 : f32
    %add3A_40 = vector.broadcast %add3A_39 : f32 to vector<2560x32xf32>
    %add3A_41 = arith.addf %mul3A_38, %add3A_40 : vector<2560x32xf32>
    %mul3A_42 = arith.mulf %add3A_41, %mul3A_23 : vector<2560x32xf32>
    %add3A_43 = arith.constant 0.999999463 : f32
    %add3A_44 = vector.broadcast %add3A_43 : f32 to vector<2560x32xf32>
    %add3A_45 = arith.addf %mul3A_42, %add3A_44 : vector<2560x32xf32>
    %mul3A_46 = vector.broadcast %div3A_3 : vector<2560x1xf32> to vector<2560x32xf32>
    %mul3A_47 = arith.mulf %add3A_45, %mul3A_46 : vector<2560x32xf32>
    %get3A_48 = arith.constant 0 : index
    %get3A_49 = arith.constant 0 : index
    %get3A_50 = vector.load %arg5[%get3A_48, %get3A_49] : memref<32x384xf32, #tpu.memory_space<vmem>>, vector<32x384xf32>
    %dot_general3A = arith.constant dense<0.000000e+00> : vector<2560x384xf32>
    %dot_general3A_51 = tpu.matmul %mul3A_47, %get3A_50, %dot_general3A {dimension_numbers = #tpu.dot_dimension_numbers<[1], [0], [0], [1], [0, 0, 1, 1], [], []>, transpose_lhs_hint = false} : vector<2560x32xf32>, vector<32x384xf32>, vector<2560x384xf32> -> vector<2560x384xf32>
    %get3A_52 = arith.constant 0 : index
    %get3A_53 = arith.constant 0 : index
    %get3A_54 = vector.load %arg6[%get3A_52, %get3A_53] : memref<1x384xf32, #tpu.memory_space<vmem>>, vector<1x384xf32>
    %add3A_55 = vector.broadcast %get3A_54 : vector<1x384xf32> to vector<2560x384xf32>
    %add3A_56 = arith.addf %dot_general3A_51, %add3A_55 : vector<2560x384xf32>
    %lt3A = arith.constant 5.000000e+00 : f32
    %lt3A_57 = vector.broadcast %lt3A : f32 to vector<2560x384xf32>
    %lt3A_58 = arith.cmpf olt, %add3A_56, %lt3A_57 : vector<2560x384xf32>
    %mul3A_59 = arith.constant 0.628318548 : f32
    %mul3A_60 = vector.broadcast %mul3A_59 : f32 to vector<2560x384xf32>
    %mul3A_61 = arith.mulf %add3A_56, %mul3A_60 : vector<2560x384xf32>
    %mul3A_62 = arith.constant 0.159154937 : f32
    %mul3A_63 = vector.broadcast %mul3A_62 : f32 to vector<2560x384xf32>
    %mul3A_64 = arith.mulf %mul3A_61, %mul3A_63 : vector<2560x384xf32>
    %add3A_65 = arith.constant 5.000000e-01 : f32
    %add3A_66 = vector.broadcast %add3A_65 : f32 to vector<2560x384xf32>
    %add3A_67 = arith.addf %mul3A_64, %add3A_66 : vector<2560x384xf32>
    %floor3A_68 = math.floor %add3A_67 : vector<2560x384xf32>
    %mul3A_69 = arith.constant 6.28318548 : f32
    %mul3A_70 = vector.broadcast %mul3A_69 : f32 to vector<2560x384xf32>
    %mul3A_71 = arith.mulf %floor3A_68, %mul3A_70 : vector<2560x384xf32>
    %sub3A_72 = arith.subf %mul3A_61, %mul3A_71 : vector<2560x384xf32>
    %mul3A_73 = arith.mulf %sub3A_72, %sub3A_72 : vector<2560x384xf32>
    %mul3A_74 = arith.constant -2.21939501E-7 : f32
    %mul3A_75 = vector.broadcast %mul3A_74 : f32 to vector<2560x384xf32>
    %mul3A_76 = arith.mulf %mul3A_75, %mul3A_73 : vector<2560x384xf32>
    %add3A_77 = arith.constant 2.42531933E-5 : f32
    %add3A_78 = vector.broadcast %add3A_77 : f32 to vector<2560x384xf32>
    %add3A_79 = arith.addf %mul3A_76, %add3A_78 : vector<2560x384xf32>
    %mul3A_80 = arith.mulf %add3A_79, %mul3A_73 : vector<2560x384xf32>
    %add3A_81 = arith.constant -0.0013862747 : f32
    %add3A_82 = vector.broadcast %add3A_81 : f32 to vector<2560x384xf32>
    %add3A_83 = arith.addf %mul3A_80, %add3A_82 : vector<2560x384xf32>
    %mul3A_84 = arith.mulf %add3A_83, %mul3A_73 : vector<2560x384xf32>
    %add3A_85 = arith.constant 0.0416610315 : f32
    %add3A_86 = vector.broadcast %add3A_85 : f32 to vector<2560x384xf32>
    %add3A_87 = arith.addf %mul3A_84, %add3A_86 : vector<2560x384xf32>
    %mul3A_88 = arith.mulf %add3A_87, %mul3A_73 : vector<2560x384xf32>
    %add3A_89 = arith.constant -0.499995589 : f32
    %add3A_90 = vector.broadcast %add3A_89 : f32 to vector<2560x384xf32>
    %add3A_91 = arith.addf %mul3A_88, %add3A_90 : vector<2560x384xf32>
    %mul3A_92 = arith.mulf %add3A_91, %mul3A_73 : vector<2560x384xf32>
    %add3A_93 = arith.constant 0.999999463 : f32
    %add3A_94 = vector.broadcast %add3A_93 : f32 to vector<2560x384xf32>
    %add3A_95 = arith.addf %mul3A_92, %add3A_94 : vector<2560x384xf32>
    %add3A_96 = arith.constant 1.000000e+00 : f32
    %add3A_97 = vector.broadcast %add3A_96 : f32 to vector<2560x384xf32>
    %add3A_98 = arith.addf %add3A_97, %add3A_95 : vector<2560x384xf32>
    %mul3A_99 = arith.constant 5.000000e-01 : f32
    %mul3A_100 = vector.broadcast %mul3A_99 : f32 to vector<2560x384xf32>
    %mul3A_101 = arith.mulf %mul3A_100, %add3A_98 : vector<2560x384xf32>
    %jit3A = arith.constant 0.000000e+00 : f32
    %broadcast_in_dim3A = vector.broadcast %jit3A : f32 to vector<2560x384xf32>
    %select_n3A = arith.select %lt3A_58, %mul3A_101, %broadcast_in_dim3A : vector<2560x384xi1>, vector<2560x384xf32>
    %get3A_102 = arith.constant 0 : index
    %get3A_103 = arith.constant 0 : index
    %get3A_104 = vector.load %arg2[%get3A_102, %get3A_103] : memref<2560x256xi32, #tpu.memory_space<vmem>>, vector<2560x256xi32>
    %shift_left3A = arith.constant 16 : i32
    %shift_left3A_105 = vector.broadcast %shift_left3A : i32 to vector<2560x256xi32>
    %shift_left3A_106 = arith.shli %get3A_104, %shift_left3A_105 : vector<2560x256xi32>
    %bitcast_convert_type3A = tpu.bitcast %shift_left3A_106 : vector<2560x256xi32> -> vector<2560x256xf32>
    %and3A = arith.constant -65536 : i32
    %and3A_107 = vector.broadcast %and3A : i32 to vector<2560x256xi32>
    %and3A_108 = arith.andi %get3A_104, %and3A_107 : vector<2560x256xi32>
    %bitcast_convert_type3A_109 = tpu.bitcast %and3A_108 : vector<2560x256xi32> -> vector<2560x256xf32>
    %get3A_110 = arith.constant 0 : index
    %get3A_111 = arith.constant 0 : index
    %get3A_112 = vector.load %arg3[%get3A_110, %get3A_111] : memref<2560x256xi32, #tpu.memory_space<vmem>>, vector<2560x256xi32>
    %shift_left3A_113 = arith.constant 16 : i32
    %shift_left3A_114 = vector.broadcast %shift_left3A_113 : i32 to vector<2560x256xi32>
    %shift_left3A_115 = arith.shli %get3A_112, %shift_left3A_114 : vector<2560x256xi32>
    %bitcast_convert_type3A_116 = tpu.bitcast %shift_left3A_115 : vector<2560x256xi32> -> vector<2560x256xf32>
    %and3A_117 = arith.constant -65536 : i32
    %and3A_118 = vector.broadcast %and3A_117 : i32 to vector<2560x256xi32>
    %and3A_119 = arith.andi %get3A_112, %and3A_118 : vector<2560x256xi32>
    %bitcast_convert_type3A_120 = tpu.bitcast %and3A_119 : vector<2560x256xi32> -> vector<2560x256xf32>
    %slice3A = vector.extract_strided_slice %bitcast_convert_type3A {offsets = [0, 0], sizes = [2560, 128], strides = [1, 1]} : vector<2560x256xf32> to vector<2560x128xf32>
    %slice3A_121 = vector.extract_strided_slice %select_n3A {offsets = [0, 0], sizes = [2560, 128], strides = [1, 1]} : vector<2560x384xf32> to vector<2560x128xf32>
    %mul3A_122 = arith.mulf %slice3A, %slice3A_121 : vector<2560x128xf32>
    %slice3A_123 = vector.extract_strided_slice %bitcast_convert_type3A {offsets = [0, 128], sizes = [2560, 128], strides = [1, 1]} : vector<2560x256xf32> to vector<2560x128xf32>
    %slice3A_124 = vector.extract_strided_slice %select_n3A {offsets = [0, 128], sizes = [2560, 128], strides = [1, 1]} : vector<2560x384xf32> to vector<2560x128xf32>
    %mul3A_125 = arith.mulf %slice3A_123, %slice3A_124 : vector<2560x128xf32>
    %slice3A_126 = vector.extract_strided_slice %bitcast_convert_type3A_109 {offsets = [0, 0], sizes = [2560, 128], strides = [1, 1]} : vector<2560x256xf32> to vector<2560x128xf32>
    %slice3A_127 = vector.extract_strided_slice %select_n3A {offsets = [0, 256], sizes = [2560, 128], strides = [1, 1]} : vector<2560x384xf32> to vector<2560x128xf32>
    %mul3A_128 = arith.mulf %slice3A_126, %slice3A_127 : vector<2560x128xf32>
    %swap3A = arith.constant 0 : index
    %swap3A_129 = arith.constant 0 : index
    %swap3A_130 = arith.constant 0 : index
    %swap3A_131 = vector.load %arg7[%swap3A, %swap3A_129, %swap3A_130] : memref<4x2560x128xf32, #tpu.memory_space<vmem>>, vector<1x2560x128xf32>
    %swap3A_132 = vector.shape_cast %swap3A_131 : vector<1x2560x128xf32> to vector<2560x128xf32>
    %swap3A_133 = vector.shape_cast %mul3A_122 : vector<2560x128xf32> to vector<1x2560x128xf32>
    tpu.vector_store %arg7[%swap3A, %swap3A_129, %swap3A_130], %swap3A_133 {strides = array<i32>} : memref<4x2560x128xf32, #tpu.memory_space<vmem>>, vector<1x2560x128xf32>,
    %slice3A_134 = vector.extract_strided_slice %bitcast_convert_type3A_116 {offsets = [0, 0], sizes = [2560, 128], strides = [1, 1]} : vector<2560x256xf32> to vector<2560x128xf32>
    %slice3A_135 = vector.extract_strided_slice %bitcast_convert_type3A_116 {offsets = [0, 128], sizes = [2560, 128], strides = [1, 1]} : vector<2560x256xf32> to vector<2560x128xf32>
    %slice3A_136 = vector.extract_strided_slice %bitcast_convert_type3A_120 {offsets = [0, 0], sizes = [2560, 128], strides = [1, 1]} : vector<2560x256xf32> to vector<2560x128xf32>
    %get3A_137 = arith.constant 0 : index
    %get3A_138 = arith.constant 0 : index
    %get3A_139 = vector.load %arg1[%get3A_137, %get3A_138] : memref<2560x4xf32, #tpu.memory_space<vmem>>, vector<2560x1xf32>
    %mul3A_140 = arith.mulf %get3A_139, %div3A_3 : vector<2560x1xf32>
    %mul3A_141 = vector.broadcast %mul3A_140 : vector<2560x1xf32> to vector<2560x128xf32>
    %mul3A_142 = arith.mulf %mul3A_128, %mul3A_141 : vector<2560x128xf32>
    %mul3A_143 = arith.mulf %mul3A_125, %slice3A_134 : vector<2560x128xf32>
    %add3A_144 = arith.addf %mul3A_142, %mul3A_143 : vector<2560x128xf32>
    %swap3A_145 = arith.constant 1 : index
    %swap3A_146 = arith.constant 0 : index
    %swap3A_147 = arith.constant 0 : index
    %swap3A_148 = vector.load %arg7[%swap3A_145, %swap3A_146, %swap3A_147] : memref<4x2560x128xf32, #tpu.memory_space<vmem>>, vector<1x2560x128xf32>
    %swap3A_149 = vector.shape_cast %swap3A_148 : vector<1x2560x128xf32> to vector<2560x128xf32>
    %swap3A_150 = vector.shape_cast %add3A_144 : vector<2560x128xf32> to vector<1x2560x128xf32>
    tpu.vector_store %arg7[%swap3A_145, %swap3A_146, %swap3A_147], %swap3A_150 {strides = array<i32>} : memref<4x2560x128xf32, #tpu.memory_space<vmem>>, vector<1x2560x128xf32>,
    %get3A_151 = arith.constant 0 : index
    %get3A_152 = arith.constant 1 : index
    %get3A_153 = vector.load %arg1[%get3A_151, %get3A_152] : memref<2560x4xf32, #tpu.memory_space<vmem>>, vector<2560x1xf32>
    %mul3A_154 = arith.mulf %get3A_153, %div3A_3 : vector<2560x1xf32>
    %mul3A_155 = vector.broadcast %mul3A_154 : vector<2560x1xf32> to vector<2560x128xf32>
    %mul3A_156 = arith.mulf %mul3A_128, %mul3A_155 : vector<2560x128xf32>
    %mul3A_157 = arith.mulf %mul3A_125, %slice3A_135 : vector<2560x128xf32>
    %add3A_158 = arith.addf %mul3A_156, %mul3A_157 : vector<2560x128xf32>
    %swap3A_159 = arith.constant 2 : index
    %swap3A_160 = arith.constant 0 : index
    %swap3A_161 = arith.constant 0 : index
    %swap3A_162 = vector.load %arg7[%swap3A_159, %swap3A_160, %swap3A_161] : memref<4x2560x128xf32, #tpu.memory_space<vmem>>, vector<1x2560x128xf32>
    %swap3A_163 = vector.shape_cast %swap3A_162 : vector<1x2560x128xf32> to vector<2560x128xf32>
    %swap3A_164 = vector.shape_cast %add3A_158 : vector<2560x128xf32> to vector<1x2560x128xf32>
    tpu.vector_store %arg7[%swap3A_159, %swap3A_160, %swap3A_161], %swap3A_164 {strides = array<i32>} : memref<4x2560x128xf32, #tpu.memory_space<vmem>>, vector<1x2560x128xf32>,
    %get3A_165 = arith.constant 0 : index
    %get3A_166 = arith.constant 2 : index
    %get3A_167 = vector.load %arg1[%get3A_165, %get3A_166] : memref<2560x4xf32, #tpu.memory_space<vmem>>, vector<2560x1xf32>
    %mul3A_168 = arith.mulf %get3A_167, %div3A_3 : vector<2560x1xf32>
    %mul3A_169 = vector.broadcast %mul3A_168 : vector<2560x1xf32> to vector<2560x128xf32>
    %mul3A_170 = arith.mulf %mul3A_128, %mul3A_169 : vector<2560x128xf32>
    %mul3A_171 = arith.mulf %mul3A_125, %slice3A_136 : vector<2560x128xf32>
    %add3A_172 = arith.addf %mul3A_170, %mul3A_171 : vector<2560x128xf32>
    %swap3A_173 = arith.constant 3 : index
    %swap3A_174 = arith.constant 0 : index
    %swap3A_175 = arith.constant 0 : index
    %swap3A_176 = vector.load %arg7[%swap3A_173, %swap3A_174, %swap3A_175] : memref<4x2560x128xf32, #tpu.memory_space<vmem>>, vector<1x2560x128xf32>
    %swap3A_177 = vector.shape_cast %swap3A_176 : vector<1x2560x128xf32> to vector<2560x128xf32>
    %swap3A_178 = vector.shape_cast %add3A_172 : vector<2560x128xf32> to vector<1x2560x128xf32>
    tpu.vector_store %arg7[%swap3A_173, %swap3A_174, %swap3A_175], %swap3A_178 {strides = array<i32>} : memref<4x2560x128xf32, #tpu.memory_space<vmem>>, vector<1x2560x128xf32>,
    return
  }
  func.func @transform_0(%arg0: i32) -> (i32, i32) {
    %c0_i32 = arith.constant 0 : i32
    %c0_i32_0 = arith.constant 0 : i32
    return %arg0, %c0_i32 : i32, i32
  }
  func.func @transform_1(%arg0: i32) -> (i32, i32) {
    %c0_i32 = arith.constant 0 : i32
    %c0_i32_0 = arith.constant 0 : i32
    return %arg0, %c0_i32 : i32, i32
  }
  func.func @transform_2(%arg0: i32) -> (i32, i32) {
    %c0_i32 = arith.constant 0 : i32
    %c0_i32_0 = arith.constant 0 : i32
    return %arg0, %c0_i32 : i32, i32
  }
  func.func @transform_3(%arg0: i32) -> (i32, i32) {
    %c0_i32 = arith.constant 0 : i32
    %c0_i32_0 = arith.constant 0 : i32
    %c0_i32_1 = arith.constant 0 : i32
    return %c0_i32, %c0_i32_0 : i32, i32
  }
  func.func @transform_4(%arg0: i32) -> (i32, i32) {
    %c0_i32 = arith.constant 0 : i32
    %c0_i32_0 = arith.constant 0 : i32
    %c0_i32_1 = arith.constant 0 : i32
    return %c0_i32, %c0_i32_0 : i32, i32
  }
  func.func @transform_5(%arg0: i32) -> (i32, i32) {
    %c0_i32 = arith.constant 0 : i32
    %c0_i32_0 = arith.constant 0 : i32
    %c0_i32_1 = arith.constant 0 : i32
    return %c0_i32, %c0_i32_0 : i32, i32
  }
  func.func @transform_6(%arg0: i32) -> (i32, i32, i32) {
    %c0_i32 = arith.constant 0 : i32
    %c0_i32_0 = arith.constant 0 : i32
    %c0_i32_1 = arith.constant 0 : i32
    return %c0_i32, %arg0, %c0_i32_0 : i32, i32, i32
  }
}

</mosaic_0001>

<sc_bundles>
// kernel: kernel.6.cloned.1.call-start
scs
__scs_entry_jumppad:
0x0: {  	(pc) =	sbr.rel $0x88, $3  }
0x1: {  	(tag) =	ssettag $0x0;
	lr =	simm.s32 $0x1  }
0x2: {  	[smem:$0x3F96] =	sst lr;
	_ =	strace $0xD0000000  }
0x3: {  	_ = 	snop  }
0x4: {  	_ = 	snop  }
0x5: {  	_ = 	snop  }
0x6: {  	_ = 	snop  }
0x7: {  	_ = 	snop  }
__scs_overlays_trampoline_lowered:
0x8: {  	[smem:$0x3FA5] =	sst s0  }
0x9: {  	[smem:$0x3FA6] =	sst s1  }
0xa: {  	[smem:$0x3FA7] =	sst s2  }
0xb: {  	[smem:$0x3FA8] =	sst s3  }
0xc: {  	[smem:$0x3FA9] =	sst s4  }
0xd: {  	[smem:$0x3FAA] =	sst s5  }
0xe: {  	[smem:$0x3FAB] =	sst s6  }
0xf: {  	[smem:$0x3FAC] =	sst s7  }
0x10: {  	[smem:$0x3FAD] =	sst s8  }
0x11: {  	[smem:$0x3FAE] =	sst s9;
	s0 =	simm.s32 @!p0 $0x0  }
0x12: {  	s1 =	sld [smem:$0x3F94];
	s0 =	simm.s32 @p0 $0x1  }
0x13: {  	[smem:$0x3FAF] =	sst s0;
	s0 =	simm.s32 @!p1 $0x0  }
0x14: {  	s2 =	sld [smem:$0x3F93];
	s0 =	simm.s32 @p1 $0x1  }
0x15: {  	[smem:$0x3FB0] =	sst s0;
	s0 =	simm.s32 @!p2 $0x0  }
0x16: {  	s3 =	sld [smem:$0x3FDB];
	s0 =	simm.s32 @p2 $0x1  }
0x17: {  	s4 =	simm.s32 $0x1BF5;
	[smem:$0x3FB2] =	sst s0  }
0x18: {  	s0 =	sld [smem:$0x3F95];
	_ =	swait.ge [sflag:s4], $0x0  }
0x19: {  	s7 =	sld [smem:$0x3F96]  }
0x1a: {  	s8 =	sadd.s32 $0xFFFFE003, lr  }
0x1b: {  	s9 =	sadd.s32 $0xFFFFFEF7, lr;
	s5 =	simm.s32 $0xFFFFFFFF;
	p2 =	slt.u32 s8, $0xFFFFF086  }
0x1c: {  	p1 =	slt.u32 s9, $0xF7A;
	s5 =	simm.s32 @!p2 $0x0  }
0x1d: {  	s5 =	simm.s32 @p1 $0x1;
	p0 =	seq.s32 s7, s2  }
0x1e: {  	s7 =	smul.u32 @!p0 $0xF7A, s2;
	p2 =	seq.s32 @!p0 s5, $0x0  }
0x1f: {  	s9 =	smul.u32 $0xF7A, s1;
	s8 =	simm.s32 @!p0 $0x1BF5;
	p2 =	por !p2, p0  }
0x20: {  	[sflag:s8] =	ssyncset.s32 @!p0 $0xFFFFF086;
	s6 =	sadd.s32 @!p0 s3, s7;
	s7 =	simm.s32 @!p0 $0x108  }
0x21: {  	s3 =	sadd.s32 s3, s9;
	s6 =	sadd.s32 @!p0 $0x88, s6;
	s7 =	simm.s32 @p2 $0x1082  }
0x22: {  	[simem:s7], [sflag:s8] =	dma.local @!p0 [hbm:s6], $0xF7A  }
0x23: {  	s9 =	sor.u32 $0xD0000000, s2;
	s6 =	simm.s32 $0x108;
	_ =	swait.ge @!p0 [sflag:s8], $0x0  }
0x24: {  	s3 =	sadd.s32 $0x88, s3;
	s6 =	simm.s32 @!p1 $0x1082;
	[sflag:s4] =	ssyncset.s32 $0xFFFFF086  }
0x25: {  	[simem:s6], [sflag:s4] =	dma.local [hbm:s3], $0xF7A  }
0x26: {  	[smem:$0x3F96] =	sst s1;
	(tag) =	ssettag s2;
	_ =	strace s9  }
0x27: {  	s1 =	sld [smem:$0x3FA6]  }
0x28: {  	s2 =	sld [smem:$0x3FA7]  }
0x29: {  	s4 =	sld [smem:$0x3FA9]  }
0x2a: {  	p0 =	seq.s32 s5, $0x0;
	s5 =	sld [smem:$0x3FAA]  }
0x2b: {  	s6 =	sld [smem:$0x3FAB]  }
0x2c: {  	s7 =	sld [smem:$0x3FAC]  }
0x2d: {  	s3 =	simm.s32 $0x108;
	s8 =	sld [smem:$0x3FAD]  }
0x2e: {  	s3 =	simm.s32 @!p0 $0x1082;
	s9 =	sld [smem:$0x3FAE]  }
0x2f: {  	lr =	sadd.s32 s0, s3;
	s0 =	sld [smem:$0x3FA5]  }
0x30: {  	s3 =	sld [smem:$0x3FA8]  }
0x31: {  	[smem:$0x3FB1] =	sst s10  }
0x32: {  	s10 =	sld [smem:$0x3FAF];
	_ =	sdelay $0x3  }
0x33: {  	p0 =	seq.s32 s10, $0x1;
	s10 =	sld [smem:$0x3FB1];
	_ =	sdelay $0x3  }
0x34: {  	[smem:$0x3FB1] =	sst s10  }
0x35: {  	s10 =	sld [smem:$0x3FB0];
	_ =	sdelay $0x3  }
0x36: {  	p1 =	seq.s32 s10, $0x1;
	s10 =	sld [smem:$0x3FB1];
	_ =	sdelay $0x3  }
0x37: {  	[smem:$0x3FB1] =	sst s10  }
0x38: {  	s10 =	sld [smem:$0x3FB2]  }
0x39: {  	_ = 	snop;
	(pc) =	sbr.ind lr, $3  }
0x3a: {  	_ = 	snop  }
0x3b: {  	_ = 	snop  }
0x3c: {  	p2 =	seq.s32 s10, $0x1;
	s10 =	sld [smem:$0x3FB1]  }
0x3d: {  	_ =	shalt  }
0x3e: {  	_ =	shalt  }
0x3f: {  	_ =	shalt  }
0x40: {  	_ =	shalt  }
0x41: {  	_ =	shalt  }
0x42: {  	_ =	shalt  }
0x43: {  	_ =	shalt  }
0x44: {  	_ =	shalt  }
0x45: {  	_ =	shalt  }
0x46: {  	_ =	shalt  }
0x47: {  	_ =	shalt  }
0x48: {  	_ =	shalt  }
0x49: {  	_ =	shalt  }
0x4a: {  	_ =	shalt  }
0x4b: {  	_ =	shalt  }
0x4c: {  	_ =	shalt  }
0x4d: {  	_ =	shalt  }
0x4e: {  	_ =	shalt  }
0x4f: {  	_ =	shalt  }
0x50: {  	_ =	shalt  }
0x51: {  	_ =	shalt  }
0x52: {  	_ =	shalt  }
0x53: {  	_ =	shalt  }
0x54: {  	_ =	shalt  }
0x55: {  	_ =	shalt  }
0x56: {  	_ =	shalt  }
0x57: {  	_ =	shalt  }
0x58: {  	_ =	shalt  }
0x59: {  	_ =	shalt  }
0x5a: {  	_ =	shalt  }
0x5b: {  	_ =	shalt  }
0x5c: {  	_ =	shalt  }
0x5d: {  	_ =	shalt  }
0x5e: {  	_ =	shalt  }
0x5f: {  	_ =	shalt  }
0x60: {  	_ =	shalt  }
0x61: {  	_ =	shalt  }
0x62: {  	_ =	shalt  }
0x63: {  	_ =	shalt  }
0x64: {  	_ =	shalt  }
0x65: {  	_ =	shalt  }
0x66: {  	_ =	shalt  }
0x67: {  	_ =	shalt  }
0x68: {  	_ =	shalt  }
0x69: {  	_ =	shalt  }
0x6a: {  	_ =	shalt  }
0x6b: {  	_ =	shalt  }
0x6c: {  	_ =	shalt  }
0x6d: {  	_ =	shalt  }
0x6e: {  	_ =	shalt  }
0x6f: {  	_ =	shalt  }
0x70: {  	_ =	shalt  }
0x71: {  	_ =	shalt  }
0x72: {  	_ =	shalt  }
0x73: {  	_ =	shalt  }
0x74: {  	_ =	shalt  }
0x75: {  	_ =	shalt  }
0x76: {  	_ =	shalt  }
0x77: {  	_ =	shalt  }
0x78: {  	_ =	shalt  }
0x79: {  	_ =	shalt  }
0x7a: {  	_ =	shalt  }
0x7b: {  	_ =	shalt  }
0x7c: {  	_ =	shalt  }
0x7d: {  	_ =	shalt  }
0x7e: {  	_ =	shalt  }
0x7f: {  	_ =	shalt  }
0x80: {  	_ =	shalt  }
0x81: {  	_ =	shalt  }
0x82: {  	_ =	shalt  }
0x83: {  	_ =	shalt  }
0x84: {  	_ =	shalt  }
0x85: {  	_ =	shalt  }
0x86: {  	_ =	shalt  }
0x87: {  	_ =	shalt  }
.Lfunc_end0:
.L_simem_size_0:
called_computation_lowered:
.L_overlay_start_0:
0x88: {  	s2 =	sld [smem:$0x3FD9]  }
0x89: {  	s3 =	sld [smem:$0x3FFE];
	_ =	sdelay $0x1  }
0x8a: {  	s1 =	srdreg.scid  }
0x8b: {  	s0 =	sand.u32 $0x1, s1  }
0x8c: {  	s14 =	sshll.u32 s0, $0xA;
	s2 =	sadd.s32 s3, s2  }
0x8d: {  	s2 =	sadd.s32 s2, s14  }
0x8e: {  	[smem:$0x3FBD] =	sst s2  }
0x8f: {  	_ = 	snop  }
0x90: {  	s2 =	sld [smem:$0x3FD0];
	_ =	sdelay $0x2  }
0x91: {  	s15 =	simm.s32 $0xA;
	s4 =	simm.s32 $0x10  }
0x92: {  	[smem:s4], [sflag:s15] =	dma.local [hbm:s2], $0x1  }
0x93: {  	_ =	swait.eq [sflag:s15], $0x1  }
0x94: {  	[sflag:s15] =	ssyncset.done $0x0  }
0x95: {  	s16 =	sld [smem:$0x10];
	[sflag:s15] =	ssyncadd.s32 $0xFFFFFFFF  }
0x96: {  	s17 =	sld [smem:$0x11];
	(tm) =	ssettm $0x1  }
0x97: {  	s18 =	sld [smem:$0x3FFB];
	_ =	sdelay $0x3  }
0x98: {  	_ =	strace s18  }
0x99: {  	s4 =	sld [smem:$0x3FFC];
	_ =	sdelay $0x3  }
0x9a: {  	_ =	strace s4  }
0x9b: {  	s4 =	sld [smem:$0x3FFD];
	_ =	sdelay $0x3  }
0x9c: {  	_ =	strace s4  }
0x9d: {  	_ =	strace $0x8FFFFFFF  }
0x9e: {  	s19 =	sld [smem:$0x3FDB];
	_ =	sdelay $0x1  }
0x9f: {  	s5 =	simm.s32 $_scs_section_size  }
0xa0: {  	s6 =	simm.s32 $_size__tile_overlayer_lowered;
	s7 =	simm.s32 $_tile_overlayer_lowered  }
0xa1: {  	s22 =	simm.s32 $0x1BFF;
	s21 =	sshll.u32 s7, $0x1;
	s4 =	sadd.s32 s5, s19  }
0xa2: {  	s8 =	simm.s32 $0x0;
	s20 =	sshll.u32 s6, $0x1;
	s6 =	sadd.s32 s21, s4  }
0xa3: {  	[timem:s8], [sflag:s22] =	dma.local [hbm:s6], s20  }
0xa4: {  	_ =	swait.ge [sflag:s22], s20  }
0xa5: {  	s5 =	ssub.s32 $0x0, s20;
	[sflag:s22] =	ssyncset.done $0x0  }
0xa6: {  	[sflag:s22] =	ssyncadd.s32 s5;
	_ =	sdelay $0x1  }
0xa7: {  	s23 =	simm.s32 $0x1B8B  }
0xa8: {  	_ =	swait.ge [sflag:s23], $0x1  }
0xa9: {  	[sflag:s23] =	ssyncset.done $0x0  }
0xaa: {  	s25 =	simm.s32 $0x1B8E;
	s24 =	sld [smem:$0x3FFE];
	[sflag:s23] =	ssyncadd.s32 $0xFFFFFFFF  }
0xab: {  	s26 =	simm.s32 $execute0_lowered;
	[smem:$0x3FD2] =	sst s25  }
0xac: {  	s6 =	sshll.u32 s26, $0x1;
	_ =	strace $0x80000046;
	[dreg:$0x1] =	wrdreg $0xFFFFFFFF  }
0xad: {  	s28 =	simm.s32 $_size_execute0_lowered;
	s4 =	sadd.s32 s4, s6;
	[dreg:$0x0] =	wrdreg $0x0  }
0xae: {  	s6 =	sshll.u32 s28, $0x1;
	[dreg:$0x2] =	wrdreg s4  }
0xaf: {  	[dreg:$0x3] =	wrdreg s6  }
0xb0: {  	[dreg:$0x4] =	wrdreg $0xC0  }
0xb1: {  	_ =	task [dreg:s8], $0x5FFFF  }
0xb2: {  	[dreg:$0x1] =	wrdreg $0xFFFFFFFF  }
0xb3: {  	[dreg:$0x0] =	wrdreg $0x60  }
0xb4: {  	[dreg:$0x2] =	wrdreg s16  }
0xb5: {  	[dreg:$0x3] =	wrdreg s24  }
0xb6: {  	[dreg:$0x4] =	wrdreg s17  }
0xb7: {  	[dreg:$0x5] =	wrdreg $0x9  }
0xb8: {  	_ =	task.clear_ibuf [dreg:s8], $0x6FFFF;
	_ =	strace $0x90000046  }
0xb9: {  	s29 =	simm.s32 $0x9;
	_ =	strace $0x80000048  }
0xba: {  	_ =	swait.ge [sflag:s29], $0x1  }
0xbb: {  	[sflag:s29] =	ssyncadd.s32 $0xFFFFFFFF  }
0xbc: {  	_ =	strace $0x90000048  }
0xbd: {  	_ =	sfence  }
0xbe: {  	s30 =	sld [smem:$0x0];
	_ =	sdelay $0x2  }
0xbf: {  	s31 =	sshll.u32 s1, $0xD;
	s1 =	sshrl.u32 s1, $0x2  }
0xc0: {  	s3 =	sand.u32 $0x4000, s31;
	s1 =	sadd.s32 s1, s30  }
0xc1: {  	s0 =	sor.u32 s3, s0;
	s1 =	sshll.u32 s1, $0x11  }
0xc2: {  	s0 =	sor.u32 s1, s0  }
0xc3: {  	s0 =	sadd.s32 $0x8F2B, s0  }
0xc4: {  	[sflag:s0] =	ssyncadd.remote.s32 $0x1  }
0xc5: {  	_ =	sfence.sel $0xFFFF  }
0xc6: {  	[dreg:$0x0] =	wrdreg $0xFFFFFFFF;
	(pc) =	sbr.abs _section_cstart, $3  }
0xc7: {  	[dreg:$0x1] =	wrdreg $0xFFFFFFFF  }
0xc8: {  	_ =	task.clear_ibuf [dreg:s8], $0x2FFFF;
	_ =	strace $0x9FFFFFFF  }
0xc9: {  	(tm) =	ssettm $0x7FFFFFFF  }
tec
execute0_lowered:
.L_overlay_start_1:
0x0: {  	(tag) =	ssettag $0x1  }
0x1: {  	s1 =	rddreg [dreg:$0x0]  }
0x2: {  	s12 =	rddreg [dreg:$0x1];
	s0 =	srdreg.scid  }
0x3: {  	s8 =	stileid.u32;
	s22 =	rddreg [dreg:$0x2];
	s4 =	simm.s32 $0x0  }
0x4: {  	s6 =	simm.s32 $0xAD00;
	s0 =	sand.u32 $0x1, s0;
	s2 =	smul.u32 $0x4E20, s8  }
0x5: {  	[smem:$0x7FF] =	sst s4;
	s20 =	sadd.s32 $0x1200, s12;
	s3 =	smul.u32 $0x2710, s0  }
0x6: {  	_ =	strace $0x80000047;
	[dreg:$0xe] =	wrdreg s6;
	s6 =	simm.s32 $0xDD00  }
0x7: {  	[dreg:$0x14] =	wrdreg s6;
	s6 =	simm.s32 $0x10D00;
	s2 =	sadd.s32 s3, s2  }
0x8: {  	s13 =	sadd.s32 $0x64200, s12;
	[dreg:$0x19] =	wrdreg s6;
	s3 =	sadd.s32 $0xF0, s2  }
0x9: {  	s11 =	sadd.s32 $0x50, s2;
	s15 =	sshrl.u32 s2, $0x3;
	s2 =	sadd.s32 $0xA0, s2  }
0xa: {  	s9 =	sshrl.u32 s3, $0x3;
	s25 =	sadd.s32 s15, s13;
	[smem:$0x7FB] =	sst s2  }
0xb: {  	s3 =	sadd.s32 $0x77E00, s12;
	s10 =	sadd.s32 s9, s20;
	[dreg:$0xc] =	wrdreg s25  }
0xc: {  	s11 =	sshrl.u32 s11, $0x3;
	s9 =	sadd.s32 s9, s22;
	[dreg:$0x4] =	wrdreg s10  }
0xd: {  	s14 =	sadd.s32 $0x5A400, s12;
	s19 =	sadd.s32 s11, s3;
	[dreg:$0x5] =	wrdreg s9  }
0xe: {  	s18 =	sshll.u32 s8, $0x1;
	s23 =	sadd.s32 s11, s13;
	[dreg:$0x6] =	wrdreg s19  }
0xf: {  	s17 =	ssub.s32 $0x2, s0;
	s16 =	sadd.s32 s15, s3;
	[dreg:$0x8] =	wrdreg s23  }
0x10: {  	s26 =	sshrl.u32 s17, $0x1;
	[dreg:$0xa] =	wrdreg s16;
	s19 =	simm.s32 $0xB500  }
0x11: {  	s10 =	sadd.s32 $0x6E000, s12;
	s23 =	simm.s32 $0xC500;
	[dreg:$0xf] =	wrdreg s19  }
0x12: {  	s16 =	ssub.s32 s17, s26;
	s26 =	simm.s32 $0xD500;
	[dreg:$0x11] =	wrdreg s23  }
0x13: {  	s18 =	sor.u32 s0, s18;
	s21 =	sadd.s32 s11, s10;
	[dreg:$0x13] =	wrdreg s26  }
0x14: {  	s18 =	smul.u32 $0x2710, s18;
	s11 =	sadd.s32 s11, s14;
	[dreg:$0x7] =	wrdreg s21  }
0x15: {  	s24 =	sadd.s32 s15, s10;
	[dreg:$0x9] =	wrdreg s11  }
0x16: {  	s25 =	sshrl.u32 s18, $0x3;
	s15 =	sadd.s32 s15, s14;
	[dreg:$0xb] =	wrdreg s24  }
0x17: {  	s29 =	simm.s32 $0x3900;
	s19 =	sadd.s32 s22, s25;
	[dreg:$0xd] =	wrdreg s15  }
0x18: {  	s30 =	simm.s32 $0x4100;
	s23 =	simm.s32 $0xE500;
	[smem:$0x7E9] =	sst s19  }
0x19: {  	s31 =	simm.s32 $0x4900;
	s26 =	simm.s32 $0x10500;
	[dreg:$0x15] =	wrdreg s23  }
0x1a: {  	s5 =	sadd.s32 $0xC200, s12;
	s21 =	simm.s32 $0xBD00;
	[dreg:$0x18] =	wrdreg s26  }
0x1b: {  	s7 =	sadd.s32 $0xBC00, s12;
	s24 =	simm.s32 $0xCD00;
	[dreg:$0x10] =	wrdreg s21  }
0x1c: {  	s28 =	sadd.s32 $0xB600, s12;
	s23 =	simm.s32 $0x11D00;
	[dreg:$0x12] =	wrdreg s24  }
0x1d: {  	s18 =	sadd.s32 $0x26C0, s18;
	s26 =	simm.s32 $0x13500;
	[dreg:$0x1b] =	wrdreg s23  }
0x1e: {  	s17 =	sadd.s32 $0xA, s25;
	s21 =	sadd.s32 s20, s25;
	[dreg:$0x1e] =	wrdreg s26  }
0x1f: {  	s19 =	sshll.u32 s18, $0x5;
	s24 =	simm.s32 $0xED00;
	[smem:$0x7EA] =	sst s21  }
0x20: {  	s18 =	sshrl.u32 s18, $0x3;
	s25 =	simm.s32 $0xFD00;
	[dreg:$0x16] =	wrdreg s24  }
0x21: {  	s6 =	smul.u32 $0x9C400, s8;
	s14 =	sadd.s32 s14, s18;
	[dreg:$0x17] =	wrdreg s25  }
0x22: {  	s9 =	sadd.s32 $0xB000, s12;
	s13 =	sadd.s32 s13, s18;
	[smem:$0x7EC] =	sst s14  }
0x23: {  	s11 =	sadd.s32 $0x81C00, s12;
	s10 =	sadd.s32 s10, s18;
	[smem:$0x7ED] =	sst s13  }
0x24: {  	s12 =	sadd.s32 $0xA45C00, s12;
	s3 =	sadd.s32 s3, s18;
	[smem:$0x7EE] =	sst s10  }
0x25: {  	s8 =	smov.u32 s20;
	s15 =	sadd.s32 s12, s19;
	[smem:$0x7EF] =	sst s3  }
0x26: {  	s2 =	simm.s32 $0x1900;
	s18 =	simm.s32 $0x14500;
	[smem:$0x7F0] =	sst s15  }
0x27: {  	s23 =	simm.s32 $0x14680;
	s26 =	smax.u32 s16, $0x1;
	[smem:$0x7F2] =	sst s18  }
0x28: {  	s16 =	simm.s32 $0x1100;
	s21 =	sadd.s32 s11, s19;
	[smem:$0x7F8] =	sst s23  }
0x29: {  	s24 =	simm.s32 $0x12500;
	s25 =	simm.s32 $0x12D00;
	[smem:$0x7F9] =	sst s26  }
0x2a: {  	s14 =	simm.s32 $0x13D00;
	s11 =	sadd.s32 s6, s11;
	[smem:$0x7EB] =	sst s21  }
0x2b: {  	s19 =	simm.s32 $0x14580;
	s10 =	sadd.s32 s6, s12;
	[dreg:$0x1c] =	wrdreg s24  }
0x2c: {  	s6 =	smov.u32 s22;
	s22 =	sadd.s32 s22, s17;
	[dreg:$0x1d] =	wrdreg s25  }
0x2d: {  	s12 =	smul.u32 $0x4E200, s0;
	s26 =	simm.s32 $0x1;
	[dreg:$0x1f] =	wrdreg s14  }
0x2e: {  	s18 =	simm.s32 $0x100;
	s15 =	simm.s32 $0x900;
	[smem:$0x7F1] =	sst s11  }
0x2f: {  	s3 =	simm.s32 $0x50;
	s23 =	simm.s32 $0x4;
	[smem:$0x7F3] =	sst s10  }
0x30: {  	s13 =	simm.s32 $0x0;
	s21 =	simm.s32 $0x11500;
	[smem:$0x7F4] =	sst s19  }
0x31: {  	[smem:$0x7F5] =	sst s22;
	s24 =	sadd.s32 s20, s17;
	s25 =	simm.s32 $0x14700  }
0x32: {  	s11 =	simm.s32 $0x14780;
	s10 =	simm.s32 $0x2100;
	[smem:$0x7FD] =	sst s13  }
0x33: {  	s14 =	simm.s32 $0x2900;
	s22 =	simm.s32 $0x5100;
	[dreg:$0x1a] =	wrdreg s21  }
0x34: {  	s19 =	simm.s32 $0x5900;
	s17 =	simm.s32 $0x2;
	[smem:$0x7F7] =	sst s24  }
0x35: {  	v2 =	vlaneseq.u32;
	s20 =	simm.s32 $0x5;
	s21 =	simm.s32 $0x14600;
	[smem:$0x7FA] =	sst s25  }
0x36: {  	vm0 =	vmmov $0xffff;
	v1 =	vshrl.u32 v2, $0x3;
	[smem:$0x7FC] =	sst s11;
	s24 =	simm.s32 $0x80;
	s11 =	simm.s32 $0xA400  }
0x37: {  	v0 =	vand.u32 $0x7, v2;
	v2 =	vor.u32 $0x8, v2;
	v1 =	vmul.u32 $0x8, v1;
	s25 =	simm.s32 $0xA480;
	[smem:$0x7F6] =	sst s21;
	s21 =	simm.s32 $0x3100  }
.LBB2_1:
0x38: {  	s0 =	sld [smem:$0x7E9];
	_ =	sdelay $0x1  }
0x39: {  	s13 =	sld [smem:$0x7EA]  }
0x3a: {  	[tilespmem:s4], [sflag:$0x1] =	stream.linear.gather [hbm4b:s0+s4], $0x50, $0x38;
	[tilespmem:$0x14A00] =	vst v63  }
0x3b: {  	_ = 	snop  }
0x3c: {  	[tilespmem:s24], [sflag:$0x1] =	stream.linear.gather [hbm4b:s13+s4], $0x50, $0x38;
	[tilespmem:$0x14A00] =	vst v63  }
0x3d: {  	_ =	swait.ge [sflag:s26], $0x50  }
0x3e: {  	[sflag:s26] =	ssyncset.done $0x0  }
0x3f: {  	[sflag:s26] =	ssyncadd.s32 $0xFFFFFFB0  }
0x40: {  	_ =	swait.ge [sflag:s26], $0x50  }
0x41: {  	[sflag:s26] =	ssyncset.done $0x0  }
0x42: {  	[sflag:s26] =	ssyncadd.s32 $0xFFFFFFB0  }
0x43: {  	v3 =	vld [tilespmem:$0x0];
	_ =	sdelay $0x4  }
0x44: {  	v4 =	vshll.u32 v3, $0x1  }
0x45: {  	v3 =	vand.u32 $0x7, v3;
	v4 =	vand.u32 $0xFFFFFFF0, v4  }
0x46: {  	v3 =	vor.u32 v3, v4  }
0x47: {  	v4 =	vperm.xlane v3, v0;
	_ =	sdelay $0x1  }
0x48: {  	v3 =	vperm.xlane v3, v2;
	v4 =	vadd.s32 v1, v4;
	_ =	sdelay $0x1  }
0x49: {  	v3 =	vadd.s32 v1, v3;
	_ =	sdelay $0x2  }
0x4a: {  	[tilespmem:s18], [sflag:$0x2] =	stream.indirect_vreg.gather [hbm4b:s1+s4], $0x80, v4, vm0, $0xb8;
	[tilespmem:$0x14A00] =	vst v63  }
0x4b: {  	_ = 	snop  }
0x4c: {  	[tilespmem:s15], [sflag:$0x2] =	stream.indirect_vreg.gather [hbm4b:s1+s4], $0x80, v3, vm0, $0xb8;
	[tilespmem:$0x14A00] =	vst v63  }
0x4d: {  	v3 =	vld [tilespmem:$0x10];
	_ =	sdelay $0x4  }
0x4e: {  	v55 =	vshll.u32 v3, $0x1  }
0x4f: {  	v3 =	vand.u32 $0x7, v3;
	v4 =	vand.u32 $0xFFFFFFF0, v55  }
0x50: {  	v3 =	vor.u32 v3, v4  }
0x51: {  	v4 =	vperm.xlane v3, v0;
	_ =	sdelay $0x1  }
0x52: {  	v3 =	vperm.xlane v3, v2;
	v4 =	vadd.s32 v1, v4;
	_ =	sdelay $0x1  }
0x53: {  	v3 =	vadd.s32 v1, v3;
	_ =	sdelay $0x2  }
0x54: {  	[tilespmem:s16], [sflag:$0x2] =	stream.indirect_vreg.gather [hbm4b:s1+s4], $0x80, v4, vm0, $0xb8;
	[tilespmem:$0x14A00] =	vst v63  }
0x55: {  	_ = 	snop  }
0x56: {  	[tilespmem:s2], [sflag:$0x2] =	stream.indirect_vreg.gather [hbm4b:s1+s4], $0x80, v3, vm0, $0xb8;
	[tilespmem:$0x14A00] =	vst v63  }
0x57: {  	v3 =	vld [tilespmem:$0x20];
	_ =	sdelay $0x4  }
0x58: {  	v56 =	vshll.u32 v3, $0x1  }
0x59: {  	v3 =	vand.u32 $0x7, v3;
	v4 =	vand.u32 $0xFFFFFFF0, v56  }
0x5a: {  	v3 =	vor.u32 v3, v4  }
0x5b: {  	v4 =	vperm.xlane v3, v0;
	_ =	sdelay $0x1  }
0x5c: {  	v3 =	vperm.xlane v3, v2;
	v4 =	vadd.s32 v1, v4;
	_ =	sdelay $0x1  }
0x5d: {  	v3 =	vadd.s32 v1, v3;
	_ =	sdelay $0x2  }
0x5e: {  	[tilespmem:s10], [sflag:$0x2] =	stream.indirect_vreg.gather [hbm4b:s1+s4], $0x80, v4, vm0, $0xb8;
	[tilespmem:$0x14A00] =	vst v63  }
0x5f: {  	_ = 	snop  }
0x60: {  	[tilespmem:s14], [sflag:$0x2] =	stream.indirect_vreg.gather [hbm4b:s1+s4], $0x80, v3, vm0, $0xb8;
	[tilespmem:$0x14A00] =	vst v63  }
0x61: {  	v3 =	vld [tilespmem:$0x30];
	_ =	sdelay $0x4  }
0x62: {  	v57 =	vshll.u32 v3, $0x1  }
0x63: {  	v3 =	vand.u32 $0x7, v3;
	v4 =	vand.u32 $0xFFFFFFF0, v57  }
0x64: {  	v3 =	vor.u32 v3, v4  }
0x65: {  	v4 =	vperm.xlane v3, v0;
	_ =	sdelay $0x1  }
0x66: {  	v3 =	vperm.xlane v3, v2;
	v4 =	vadd.s32 v1, v4;
	_ =	sdelay $0x1  }
0x67: {  	v3 =	vadd.s32 v1, v3;
	_ =	sdelay $0x2  }
0x68: {  	[tilespmem:s21], [sflag:$0x2] =	stream.indirect_vreg.gather [hbm4b:s1+s4], $0x80, v4, vm0, $0xb8;
	[tilespmem:$0x14A00] =	vst v63  }
0x69: {  	_ = 	snop  }
0x6a: {  	[tilespmem:s29], [sflag:$0x2] =	stream.indirect_vreg.gather [hbm4b:s1+s4], $0x80, v3, vm0, $0xb8;
	[tilespmem:$0x14A00] =	vst v63  }
0x6b: {  	v3 =	vld [tilespmem:$0x40];
	_ =	sdelay $0x4  }
0x6c: {  	v58 =	vshll.u32 v3, $0x1  }
0x6d: {  	v3 =	vand.u32 $0x7, v3;
	v4 =	vand.u32 $0xFFFFFFF0, v58  }
0x6e: {  	v3 =	vor.u32 v3, v4  }
0x6f: {  	v4 =	vperm.xlane v3, v0;
	_ =	sdelay $0x1  }
0x70: {  	v3 =	vperm.xlane v3, v2;
	v4 =	vadd.s32 v1, v4;
	_ =	sdelay $0x1  }
0x71: {  	v3 =	vadd.s32 v1, v3;
	_ =	sdelay $0x2  }
0x72: {  	[tilespmem:s30], [sflag:$0x2] =	stream.indirect_vreg.gather [hbm4b:s1+s4], $0x80, v4, vm0, $0xb8;
	[tilespmem:$0x14A00] =	vst v63  }
0x73: {  	_ = 	snop  }
0x74: {  	[tilespmem:s31], [sflag:$0x2] =	stream.indirect_vreg.gather [hbm4b:s1+s4], $0x80, v3, vm0, $0xb8;
	[tilespmem:$0x14A00] =	vst v63  }
0x75: {  	v3 =	vld [tilespmem:$0x0];
	_ =	sdelay $0x4  }
0x76: {  	v59 =	vshll.u32 v3, $0x1  }
0x77: {  	v3 =	vand.u32 $0x7, v3;
	v4 =	vand.u32 $0xFFFFFFF0, v59  }
0x78: {  	v3 =	vor.u32 v3, v4  }
0x79: {  	v4 =	vperm.xlane v3, v0;
	_ =	sdelay $0x1  }
0x7a: {  	v3 =	vperm.xlane v3, v2;
	v4 =	vadd.s32 v1, v4;
	_ =	sdelay $0x1  }
0x7b: {  	v3 =	vadd.s32 v1, v3;
	_ =	sdelay $0x2  }
0x7c: {  	[tilespmem:s22], [sflag:$0x2] =	stream.indirect_vreg.gather [hbm4b:s5+s4], $0x80, v4, vm0, $0xb8;
	[tilespmem:$0x14A00] =	vst v63  }
0x7d: {  	_ = 	snop  }
0x7e: {  	[tilespmem:s19], [sflag:$0x2] =	stream.indirect_vreg.gather [hbm4b:s5+s4], $0x80, v3, vm0, $0xb8;
	[tilespmem:$0x14A00] =	vst v63  }
0x7f: {  	v3 =	vld [tilespmem:$0x10];
	_ =	sdelay $0x4  }
0x80: {  	v60 =	vshll.u32 v3, $0x1  }
0x81: {  	v3 =	vand.u32 $0x7, v3;
	v4 =	vand.u32 $0xFFFFFFF0, v60  }
0x82: {  	v3 =	vor.u32 v3, v4  }
0x83: {  	v4 =	vperm.xlane v3, v0;
	_ =	sdelay $0x1  }
0x84: {  	v3 =	vperm.xlane v3, v2;
	v4 =	vadd.s32 v1, v4;
	_ =	sdelay $0x1  }
0x85: {  	v3 =	vadd.s32 v1, v3;
	_ =	sdelay $0x1  }
0x86: {  	s14 =	simm.s32 $0x6100  }
0x87: {  	[tilespmem:s14], [sflag:$0x2] =	stream.indirect_vreg.gather [hbm4b:s5+s4], $0x80, v4, vm0, $0xb8;
	[tilespmem:$0x14A00] =	vst v63  }
0x88: {  	s18 =	simm.s32 $0x6900  }
0x89: {  	[tilespmem:s18], [sflag:$0x2] =	stream.indirect_vreg.gather [hbm4b:s5+s4], $0x80, v3, vm0, $0xb8;
	[tilespmem:$0x14A00] =	vst v63  }
0x8a: {  	v3 =	vld [tilespmem:$0x20];
	_ =	sdelay $0x4  }
0x8b: {  	v61 =	vshll.u32 v3, $0x1  }
0x8c: {  	v3 =	vand.u32 $0x7, v3;
	v4 =	vand.u32 $0xFFFFFFF0, v61  }
0x8d: {  	v3 =	vor.u32 v3, v4  }
0x8e: {  	v4 =	vperm.xlane v3, v0;
	_ =	sdelay $0x1  }
0x8f: {  	v3 =	vperm.xlane v3, v2;
	v4 =	vadd.s32 v1, v4;
	_ =	sdelay $0x1  }
0x90: {  	v3 =	vadd.s32 v1, v3;
	_ =	sdelay $0x1  }
0x91: {  	s19 =	simm.s32 $0x7100  }
0x92: {  	[tilespmem:s19], [sflag:$0x2] =	stream.indirect_vreg.gather [hbm4b:s5+s4], $0x80, v4, vm0, $0xb8;
	[tilespmem:$0x14A00] =	vst v63  }
0x93: {  	s21 =	simm.s32 $0x7900  }
0x94: {  	[tilespmem:s21], [sflag:$0x2] =	stream.indirect_vreg.gather [hbm4b:s5+s4], $0x80, v3, vm0, $0xb8;
	[tilespmem:$0x14A00] =	vst v63  }
0x95: {  	v3 =	vld [tilespmem:$0x30];
	_ =	sdelay $0x4  }
0x96: {  	v62 =	vshll.u32 v3, $0x1  }
0x97: {  	v3 =	vand.u32 $0x7, v3;
	v4 =	vand.u32 $0xFFFFFFF0, v62  }
0x98: {  	v3 =	vor.u32 v3, v4  }
0x99: {  	v4 =	vperm.xlane v3, v0;
	_ =	sdelay $0x1  }
0x9a: {  	v3 =	vperm.xlane v3, v2;
	v4 =	vadd.s32 v1, v4;
	_ =	sdelay $0x1  }
0x9b: {  	v3 =	vadd.s32 v1, v3;
	_ =	sdelay $0x1  }
0x9c: {  	s22 =	simm.s32 $0x8100  }
0x9d: {  	[tilespmem:s22], [sflag:$0x2] =	stream.indirect_vreg.gather [hbm4b:s5+s4], $0x80, v4, vm0, $0xb8;
	[tilespmem:$0x14A00] =	vst v63  }
0x9e: {  	s26 =	simm.s32 $0x8900  }
0x9f: {  	[tilespmem:s26], [sflag:$0x2] =	stream.indirect_vreg.gather [hbm4b:s5+s4], $0x80, v3, vm0, $0xb8;
	[tilespmem:$0x14A00] =	vst v63  }
0xa0: {  	v3 =	vld [tilespmem:$0x40];
	_ =	sdelay $0x4  }
0xa1: {  	v63 =	vshll.u32 v3, $0x1  }
0xa2: {  	v3 =	vand.u32 $0x7, v3;
	v4 =	vand.u32 $0xFFFFFFF0, v63  }
0xa3: {  	v3 =	vor.u32 v3, v4  }
0xa4: {  	v4 =	vperm.xlane v3, v0;
	_ =	sdelay $0x1  }
0xa5: {  	v3 =	vperm.xlane v3, v2;
	v4 =	vadd.s32 v1, v4;
	_ =	sdelay $0x1  }
0xa6: {  	v3 =	vadd.s32 v1, v3;
	_ =	sdelay $0x1  }
0xa7: {  	s2 =	simm.s32 $0x9100  }
0xa8: {  	[tilespmem:s2], [sflag:$0x2] =	stream.indirect_vreg.gather [hbm4b:s5+s4], $0x80, v4, vm0, $0xb8;
	[tilespmem:$0x14A00] =	vst v63  }
0xa9: {  	s10 =	simm.s32 $0x9900  }
0xaa: {  	[tilespmem:s10], [sflag:$0x2] =	stream.indirect_vreg.gather [hbm4b:s5+s4], $0x80, v3, vm0, $0xb8;
	[tilespmem:$0x14A00] =	vst v63  }
0xab: {  	s13 =	simm.s32 $0xA100  }
0xac: {  	[tilespmem:s13], [sflag:$0x2] =	stream.indirect.gather [hbm4b:s7+s3], $0x1, s4, s3, $0xb8;
	[tilespmem:$0x14A00] =	vst v63  }
0xad: {  	s14 =	simm.s32 $0xA180  }
0xae: {  	[tilespmem:s14], [sflag:$0x2] =	stream.indirect.gather [hbm4b:s28+s3], $0x1, s4, s3, $0xb8;
	[tilespmem:$0x14A00] =	vst v63  }
0xaf: {  	s18 =	simm.s32 $0xA200  }
0xb0: {  	[tilespmem:s18], [sflag:$0x2] =	stream.indirect.gather [hbm4b:s9+s3], $0x1, s4, s3, $0xb8;
	[tilespmem:$0x14A00] =	vst v63  }
0xb1: {  	s19 =	simm.s32 $0xA280  }
0xb2: {  	[tilespmem:s19], [sflag:$0x2] =	stream.indirect.gather [hbm4b:s7+s3], $0x1, s24, s3, $0xb8;
	[tilespmem:$0x14A00] =	vst v63  }
0xb3: {  	s29 =	sld [smem:$0x7F3];
	s21 =	simm.s32 $0xA300  }
0xb4: {  	[tilespmem:s21], [sflag:$0x2] =	stream.indirect.gather [hbm4b:s28+s3], $0x1, s24, s3, $0xb8;
	[tilespmem:$0x14A00] =	vst v63  }
0xb5: {  	s30 =	sld [smem:$0x7F1];
	s22 =	simm.s32 $0xA380  }
0xb6: {  	[tilespmem:s22], [sflag:$0x2] =	stream.indirect.gather [hbm4b:s9+s3], $0x1, s24, s3, $0xb8;
	[tilespmem:$0x14A00] =	vst v63  }
0xb7: {  	s24 =	sld [smem:$0x7F5]  }
0xb8: {  	s31 =	sld [smem:$0x7FB]  }
0xb9: {  	s26 =	sld [smem:$0x7F7];
	s2 =	simm.s32 $0x0;
	s13 =	smov.u32 s9  }
0xba: {  	[tilespmem:s11], [sflag:$0x3] =	stream.linear.gather [hbm4b:s24+s4], $0x50, $0x38;
	[tilespmem:$0x14A00] =	vst v63  }
0xbb: {  	s14 =	simm.s32 $0xA500;
	s21 =	simm.s32 $0xF500;
	s9 =	smov.u32 s28  }
0xbc: {  	[tilespmem:s25], [sflag:$0x3] =	stream.linear.gather [hbm4b:s26+s4], $0x50, $0x38;
	[tilespmem:$0x14A00] =	vst v63  }
.LBB2_2:
0xbd: {  	s0 =	simm.s32 $0x3  }
0xbe: {  	_ =	swait.ge [sflag:s0], $0x50  }
0xbf: {  	[sflag:s0] =	ssyncset.done $0x0  }
0xc0: {  	[sflag:s0] =	ssyncadd.s32 $0xFFFFFFB0  }
0xc1: {  	_ =	swait.ge [sflag:s0], $0x50  }
0xc2: {  	[sflag:s0] =	ssyncset.done $0x0  }
0xc3: {  	[sflag:s0] =	ssyncadd.s32 $0xFFFFFFB0  }
0xc4: {  	v3 =	vld [tilespmem:$0xA400];
	_ =	sdelay $0x4  }
0xc5: {  	v4 =	vshll.u32 v3, $0x1  }
0xc6: {  	v3 =	vand.u32 $0x7, v3;
	v4 =	vand.u32 $0xFFFFFFF0, v4  }
0xc7: {  	v3 =	vor.u32 v3, v4  }
0xc8: {  	v4 =	vperm.xlane v3, v0;
	_ =	sdelay $0x1  }
0xc9: {  	v3 =	vperm.xlane v3, v2;
	v4 =	vadd.s32 v1, v4;
	_ =	sdelay $0x1  }
0xca: {  	v3 =	vadd.s32 v1, v3;
	_ =	sdelay $0x2  }
0xcb: {  	[tilespmem:s14], [sflag:$0x4] =	stream.indirect_vreg.gather [hbm4b:s1+s4], $0x80, v4, vm0, $0xb8;
	[tilespmem:$0x14A00] =	vst v63  }
0xcc: {  	s10 =	rddreg [dreg:$0xe]  }
0xcd: {  	[tilespmem:s10], [sflag:$0x4] =	stream.indirect_vreg.gather [hbm4b:s1+s4], $0x80, v3, vm0, $0xb8;
	[tilespmem:$0x14A00] =	vst v63  }
0xce: {  	v3 =	vld [tilespmem:$0xA410];
	_ =	sdelay $0x4  }
0xcf: {  	v32 =	vshll.u32 v3, $0x1  }
0xd0: {  	v3 =	vand.u32 $0x7, v3;
	v4 =	vand.u32 $0xFFFFFFF0, v32  }
0xd1: {  	v3 =	vor.u32 v3, v4  }
0xd2: {  	v4 =	vperm.xlane v3, v0;
	_ =	sdelay $0x1  }
0xd3: {  	v3 =	vperm.xlane v3, v2;
	v4 =	vadd.s32 v1, v4;
	_ =	sdelay $0x1  }
0xd4: {  	v3 =	vadd.s32 v1, v3;
	_ =	sdelay $0x1  }
0xd5: {  	s18 =	rddreg [dreg:$0xf]  }
0xd6: {  	[tilespmem:s18], [sflag:$0x4] =	stream.indirect_vreg.gather [hbm4b:s1+s4], $0x80, v4, vm0, $0xb8;
	[tilespmem:$0x14A00] =	vst v63  }
0xd7: {  	s10 =	rddreg [dreg:$0x10]  }
0xd8: {  	[tilespmem:s10], [sflag:$0x4] =	stream.indirect_vreg.gather [hbm4b:s1+s4], $0x80, v3, vm0, $0xb8;
	[tilespmem:$0x14A00] =	vst v63  }
0xd9: {  	v3 =	vld [tilespmem:$0xA420];
	_ =	sdelay $0x4  }
0xda: {  	v33 =	vshll.u32 v3, $0x1  }
0xdb: {  	v3 =	vand.u32 $0x7, v3;
	v4 =	vand.u32 $0xFFFFFFF0, v33  }
0xdc: {  	v3 =	vor.u32 v3, v4  }
0xdd: {  	v4 =	vperm.xlane v3, v0;
	_ =	sdelay $0x1  }
0xde: {  	v3 =	vperm.xlane v3, v2;
	v4 =	vadd.s32 v1, v4;
	_ =	sdelay $0x1  }
0xdf: {  	v3 =	vadd.s32 v1, v3;
	_ =	sdelay $0x1  }
0xe0: {  	s19 =	rddreg [dreg:$0x11]  }
0xe1: {  	[tilespmem:s19], [sflag:$0x4] =	stream.indirect_vreg.gather [hbm4b:s1+s4], $0x80, v4, vm0, $0xb8;
	[tilespmem:$0x14A00] =	vst v63  }
0xe2: {  	s22 =	rddreg [dreg:$0x12]  }
0xe3: {  	[tilespmem:s22], [sflag:$0x4] =	stream.indirect_vreg.gather [hbm4b:s1+s4], $0x80, v3, vm0, $0xb8;
	[tilespmem:$0x14A00] =	vst v63  }
0xe4: {  	v3 =	vld [tilespmem:$0xA430];
	_ =	sdelay $0x4  }
0xe5: {  	v34 =	vshll.u32 v3, $0x1  }
0xe6: {  	v3 =	vand.u32 $0x7, v3;
	v4 =	vand.u32 $0xFFFFFFF0, v34  }
0xe7: {  	v3 =	vor.u32 v3, v4  }
0xe8: {  	v4 =	vperm.xlane v3, v0;
	_ =	sdelay $0x1  }
0xe9: {  	v3 =	vperm.xlane v3, v2;
	v4 =	vadd.s32 v1, v4;
	_ =	sdelay $0x1  }
0xea: {  	v3 =	vadd.s32 v1, v3;
	_ =	sdelay $0x1  }
0xeb: {  	s24 =	rddreg [dreg:$0x13]  }
0xec: {  	[tilespmem:s24], [sflag:$0x4] =	stream.indirect_vreg.gather [hbm4b:s1+s4], $0x80, v4, vm0, $0xb8;
	[tilespmem:$0x14A00] =	vst v63  }
0xed: {  	s26 =	rddreg [dreg:$0x14]  }
0xee: {  	[tilespmem:s26], [sflag:$0x4] =	stream.indirect_vreg.gather [hbm4b:s1+s4], $0x80, v3, vm0, $0xb8;
	[tilespmem:$0x14A00] =	vst v63  }
0xef: {  	v3 =	vld [tilespmem:$0xA440];
	_ =	sdelay $0x4  }
0xf0: {  	v35 =	vshll.u32 v3, $0x1  }
0xf1: {  	v3 =	vand.u32 $0x7, v3;
	v4 =	vand.u32 $0xFFFFFFF0, v35  }
0xf2: {  	v3 =	vor.u32 v3, v4  }
0xf3: {  	v4 =	vperm.xlane v3, v0;
	_ =	sdelay $0x1  }
0xf4: {  	v3 =	vperm.xlane v3, v2;
	v4 =	vadd.s32 v1, v4;
	_ =	sdelay $0x1  }
0xf5: {  	v3 =	vadd.s32 v1, v3;
	_ =	sdelay $0x1  }
0xf6: {  	s14 =	rddreg [dreg:$0x15]  }
0xf7: {  	[tilespmem:s14], [sflag:$0x4] =	stream.indirect_vreg.gather [hbm4b:s1+s4], $0x80, v4, vm0, $0xb8;
	[tilespmem:$0x14A00] =	vst v63  }
0xf8: {  	s18 =	rddreg [dreg:$0x16]  }
0xf9: {  	[tilespmem:s18], [sflag:$0x4] =	stream.indirect_vreg.gather [hbm4b:s1+s4], $0x80, v3, vm0, $0xb8;
	[tilespmem:$0x14A00] =	vst v63  }
0xfa: {  	v3 =	vld [tilespmem:$0xA400];
	_ =	sdelay $0x4  }
0xfb: {  	v36 =	vshll.u32 v3, $0x1  }
0xfc: {  	v3 =	vand.u32 $0x7, v3;
	v4 =	vand.u32 $0xFFFFFFF0, v36  }
0xfd: {  	v3 =	vor.u32 v3, v4  }
0xfe: {  	v4 =	vperm.xlane v3, v0;
	_ =	sdelay $0x1  }
0xff: {  	v3 =	vperm.xlane v3, v2;
	v4 =	vadd.s32 v1, v4;
	_ =	sdelay $0x1  }
0x100: {  	v3 =	vadd.s32 v1, v3;
	_ =	sdelay $0x2  }
0x101: {  	[tilespmem:s21], [sflag:$0x4] =	stream.indirect_vreg.gather [hbm4b:s5+s4], $0x80, v4, vm0, $0xb8;
	[tilespmem:$0x14A00] =	vst v63  }
0x102: {  	s19 =	rddreg [dreg:$0x17]  }
0x103: {  	[tilespmem:s19], [sflag:$0x4] =	stream.indirect_vreg.gather [hbm4b:s5+s4], $0x80, v3, vm0, $0xb8;
	[tilespmem:$0x14A00] =	vst v63  }
0x104: {  	v3 =	vld [tilespmem:$0xA410];
	_ =	sdelay $0x4  }
0x105: {  	v37 =	vshll.u32 v3, $0x1  }
0x106: {  	v3 =	vand.u32 $0x7, v3;
	v4 =	vand.u32 $0xFFFFFFF0, v37  }
0x107: {  	v3 =	vor.u32 v3, v4  }
0x108: {  	v4 =	vperm.xlane v3, v0;
	_ =	sdelay $0x1  }
0x109: {  	v3 =	vperm.xlane v3, v2;
	v4 =	vadd.s32 v1, v4;
	_ =	sdelay $0x1  }
0x10a: {  	v3 =	vadd.s32 v1, v3;
	_ =	sdelay $0x1  }
0x10b: {  	s21 =	rddreg [dreg:$0x18]  }
0x10c: {  	[tilespmem:s21], [sflag:$0x4] =	stream.indirect_vreg.gather [hbm4b:s5+s4], $0x80, v4, vm0, $0xb8;
	[tilespmem:$0x14A00] =	vst v63  }
0x10d: {  	s22 =	rddreg [dreg:$0x19]  }
0x10e: {  	[tilespmem:s22], [sflag:$0x4] =	stream.indirect_vreg.gather [hbm4b:s5+s4], $0x80, v3, vm0, $0xb8;
	[tilespmem:$0x14A00] =	vst v63  }
0x10f: {  	v3 =	vld [tilespmem:$0xA420];
	_ =	sdelay $0x4  }
0x110: {  	v38 =	vshll.u32 v3, $0x1  }
0x111: {  	v3 =	vand.u32 $0x7, v3;
	v4 =	vand.u32 $0xFFFFFFF0, v38  }
0x112: {  	v3 =	vor.u32 v3, v4  }
0x113: {  	v4 =	vperm.xlane v3, v0;
	_ =	sdelay $0x1  }
0x114: {  	v3 =	vperm.xlane v3, v2;
	v4 =	vadd.s32 v1, v4;
	_ =	sdelay $0x1  }
0x115: {  	v3 =	vadd.s32 v1, v3;
	_ =	sdelay $0x1  }
0x116: {  	s24 =	rddreg [dreg:$0x1a]  }
0x117: {  	[tilespmem:s24], [sflag:$0x4] =	stream.indirect_vreg.gather [hbm4b:s5+s4], $0x80, v4, vm0, $0xb8;
	[tilespmem:$0x14A00] =	vst v63  }
0x118: {  	s26 =	rddreg [dreg:$0x1b]  }
0x119: {  	[tilespmem:s26], [sflag:$0x4] =	stream.indirect_vreg.gather [hbm4b:s5+s4], $0x80, v3, vm0, $0xb8;
	[tilespmem:$0x14A00] =	vst v63  }
0x11a: {  	v3 =	vld [tilespmem:$0xA430];
	_ =	sdelay $0x4  }
0x11b: {  	v39 =	vshll.u32 v3, $0x1  }
0x11c: {  	v3 =	vand.u32 $0x7, v3;
	v4 =	vand.u32 $0xFFFFFFF0, v39  }
0x11d: {  	v3 =	vor.u32 v3, v4  }
0x11e: {  	v4 =	vperm.xlane v3, v0;
	_ =	sdelay $0x1  }
0x11f: {  	v3 =	vperm.xlane v3, v2;
	v4 =	vadd.s32 v1, v4;
	_ =	sdelay $0x1  }
0x120: {  	v3 =	vadd.s32 v1, v3;
	_ =	sdelay $0x1  }
0x121: {  	s14 =	rddreg [dreg:$0x1c]  }
0x122: {  	[tilespmem:s14], [sflag:$0x4] =	stream.indirect_vreg.gather [hbm4b:s5+s4], $0x80, v4, vm0, $0xb8;
	[tilespmem:$0x14A00] =	vst v63  }
0x123: {  	s18 =	rddreg [dreg:$0x1d]  }
0x124: {  	[tilespmem:s18], [sflag:$0x4] =	stream.indirect_vreg.gather [hbm4b:s5+s4], $0x80, v3, vm0, $0xb8;
	[tilespmem:$0x14A00] =	vst v63  }
0x125: {  	v3 =	vld [tilespmem:$0xA440];
	_ =	sdelay $0x4  }
0x126: {  	v40 =	vshll.u32 v3, $0x1  }
0x127: {  	v3 =	vand.u32 $0x7, v3;
	v4 =	vand.u32 $0xFFFFFFF0, v40  }
0x128: {  	v3 =	vor.u32 v3, v4  }
0x129: {  	v4 =	vperm.xlane v3, v0;
	_ =	sdelay $0x1  }
0x12a: {  	v3 =	vperm.xlane v3, v2;
	v4 =	vadd.s32 v1, v4;
	_ =	sdelay $0x1  }
0x12b: {  	v3 =	vadd.s32 v1, v3  }
0x12c: {  	s19 =	rddreg [dreg:$0x1e]  }
0x12d: {  	s21 =	rddreg [dreg:$0x1f]  }
0x12e: {  	[tilespmem:s19], [sflag:$0x4] =	stream.indirect_vreg.gather [hbm4b:s5+s4], $0x80, v4, vm0, $0xb8;
	[tilespmem:$0x14A00] =	vst v63  }
0x12f: {  	s22 =	sld [smem:$0x7F2]  }
0x130: {  	[tilespmem:s21], [sflag:$0x4] =	stream.indirect_vreg.gather [hbm4b:s5+s4], $0x80, v3, vm0, $0xb8;
	[tilespmem:$0x14A00] =	vst v63  }
0x131: {  	s24 =	sld [smem:$0x7F4]  }
0x132: {  	[tilespmem:s22], [sflag:$0x4] =	stream.indirect.gather [hbm4b:s7+s3], $0x1, s11, s3, $0xb8;
	[tilespmem:$0x14A00] =	vst v63  }
0x133: {  	s26 =	sld [smem:$0x7F6]  }
0x134: {  	[tilespmem:s24], [sflag:$0x4] =	stream.indirect.gather [hbm4b:s9+s3], $0x1, s11, s3, $0xb8;
	[tilespmem:$0x14A00] =	vst v63  }
0x135: {  	s14 =	sld [smem:$0x7F8]  }
0x136: {  	[tilespmem:s26], [sflag:$0x4] =	stream.indirect.gather [hbm4b:s13+s3], $0x1, s11, s3, $0xb8;
	[tilespmem:$0x14A00] =	vst v63  }
0x137: {  	s18 =	sld [smem:$0x7FA]  }
0x138: {  	[tilespmem:s14], [sflag:$0x4] =	stream.indirect.gather [hbm4b:s7+s3], $0x1, s25, s3, $0xb8;
	[tilespmem:$0x14A00] =	vst v63  }
0x139: {  	s19 =	sld [smem:$0x7FC]  }
0x13a: {  	[tilespmem:s18], [sflag:$0x4] =	stream.indirect.gather [hbm4b:s9+s3], $0x1, s25, s3, $0xb8;
	[tilespmem:$0x14A00] =	vst v63  }
0x13b: {  	_ = 	snop  }
0x13c: {  	[tilespmem:s19], [sflag:$0x4] =	stream.indirect.gather [hbm4b:s13+s3], $0x1, s25, s3, $0xb8;
	[tilespmem:$0x14A00] =	vst v63  }
0x13d: {  	_ =	swait.ge [sflag:s17], $0x5000  }
0x13e: {  	[sflag:s17] =	ssyncset.done $0x0  }
0x13f: {  	[sflag:s17] =	ssyncadd.s32 $0xFFFFB000  }
0x140: {  	_ =	swait.ge [sflag:s17], $0x5000  }
0x141: {  	[sflag:s17] =	ssyncset.done $0x0  }
0x142: {  	[sflag:s17] =	ssyncadd.s32 $0xFFFFB000  }
0x143: {  	_ =	swait.ge [sflag:s17], $0x50  }
0x144: {  	[sflag:s17] =	ssyncset.done $0x0  }
0x145: {  	[sflag:s17] =	ssyncadd.s32 $0xFFFFFFB0  }
0x146: {  	_ =	swait.ge [sflag:s17], $0x50  }
0x147: {  	[sflag:s17] =	ssyncset.done $0x0  }
0x148: {  	[sflag:s17] =	ssyncadd.s32 $0xFFFFFFB0  }
0x149: {  	_ =	swait.ge [sflag:s17], $0x50  }
0x14a: {  	[sflag:s17] =	ssyncset.done $0x0  }
0x14b: {  	[sflag:s17] =	ssyncadd.s32 $0xFFFFFFB0  }
0x14c: {  	_ =	swait.ge [sflag:s17], $0x50  }
0x14d: {  	[sflag:s17] =	ssyncset.done $0x0  }
0x14e: {  	[sflag:s17] =	ssyncadd.s32 $0xFFFFFFB0  }
0x14f: {  	_ =	swait.ge [sflag:s17], $0x50  }
0x150: {  	[sflag:s17] =	ssyncset.done $0x0  }
0x151: {  	[sflag:s17] =	ssyncadd.s32 $0xFFFFFFB0  }
0x152: {  	_ =	swait.ge [sflag:s17], $0x50  }
0x153: {  	s21 =	sshrl.u32 s31, $0x3;
	[sflag:s17] =	ssyncset.done $0x0  }
0x154: {  	s22 =	sadd.s32 s6, s21;
	[sflag:s17] =	ssyncadd.s32 $0xFFFFFFB0  }
0x155: {  	[tilespmem:s4], [sflag:$0x1] =	stream.linear.gather [hbm4b:s22+s4], $0x50, $0x38;
	[tilespmem:$0x14A00] =	vst v63  }
0x156: {  	s28 =	simm.s32 $0x80;
	s0 =	sadd.s32 s8, s21  }
0x157: {  	[tilespmem:s28], [sflag:$0x1] =	stream.linear.gather [hbm4b:s0+s4], $0x50, $0x38;
	[tilespmem:$0x14A00] =	vst v63  }
0x158: {  	v3 =	vld [tilespmem:$0xA280]  }
0x159: {  	v41 =	vld [tilespmem:$0xA100]  }
0x15a: {  	v5 =	vld [tilespmem:$0xA300]  }
0x15b: {  	v6 =	vld [tilespmem:$0xA180]  }
0x15c: {  	v7 =	vld [tilespmem:$0xA380]  }
0x15d: {  	v8 =	vld [tilespmem:$0xA200]  }
0x15e: {  	v9 =	vld [tilespmem:$0xA290]  }
0x15f: {  	v10 =	vld [tilespmem:$0xA110]  }
0x160: {  	v11 =	vld [tilespmem:$0xA310]  }
0x161: {  	v12 =	vld [tilespmem:$0xA190]  }
0x162: {  	v13 =	vld [tilespmem:$0xA390]  }
0x163: {  	v14 =	vld [tilespmem:$0xA210]  }
0x164: {  	v15 =	vld [tilespmem:$0xA2A0]  }
0x165: {  	v16 =	vld [tilespmem:$0xA120]  }
0x166: {  	v17 =	vld [tilespmem:$0xA320]  }
0x167: {  	v18 =	vld [tilespmem:$0xA1A0]  }
0x168: {  	v43 =	vld [tilespmem:$0xA3A0]  }
0x169: {  	v44 =	vld [tilespmem:$0xA220]  }
0x16a: {  	v20 =	vld [tilespmem:$0xA2B0]  }
0x16b: {  	v47 =	vld [tilespmem:$0xA130]  }
0x16c: {  	v49 =	vld [tilespmem:$0xA330]  }
0x16d: {  	v21 =	vld [tilespmem:$0xA1B0]  }
0x16e: {  	v53 =	vld [tilespmem:$0xA3B0];
	v3 =	vsub.f32 v3, v41  }
0x16f: {  	v56 =	vld [tilespmem:$0xA230];
	v42 =	vsub.f32 v5, v6  }
0x170: {  	v59 =	vld [tilespmem:$0xA2C0];
	v7 =	vsub.f32 v7, v8;
	[tilespmem:$0x14800] =	vst v3  }
0x171: {  	v60 =	vld [tilespmem:$0xA140];
	v9 =	vsub.f32 v9, v10;
	[tilespmem:$0x14880] =	vst v42  }
0x172: {  	v63 =	vld [tilespmem:$0xA340];
	v46 =	vsub.f32 v11, v12;
	[tilespmem:$0x14900] =	vst v7  }
0x173: {  	v23 =	vld [tilespmem:$0xA1C0];
	v57 =	vsub.f32 v15, v16;
	[tilespmem:$0x14810] =	vst v9  }
0x174: {  	v25 =	vld [tilespmem:$0xA3C0];
	v58 =	vsub.f32 v17, v18;
	[tilespmem:$0x14890] =	vst v46  }
0x175: {  	v29 =	vld [tilespmem:$0xA240];
	v45 =	vmul.f32 v3, v3;
	v3 =	vsub.f32 v13, v14;
	[tilespmem:$0x14820] =	vst v57  }
0x176: {  	v5 =	vsub.f32 v43, v44;
	v22 =	vsub.f32 v49, v21;
	[tilespmem:$0x148A0] =	vst v58  }
0x177: {  	v26 =	vsub.f32 v53, v56;
	v55 =	vmul.f32 v3, v3;
	[tilespmem:$0x14910] =	vst v3;
	v3 =	vsub.f32 v20, v47  }
0x178: {  	v32 =	vsub.f32 v59, v60;
	v19 =	vmul.f32 v42, v42;
	v48 =	vmul.f32 v7, v7;
	[tilespmem:$0x14920] =	vst v5  }
0x179: {  	v33 =	vsub.f32 v63, v23;
	v28 =	vmul.f32 v22, v22;
	[tilespmem:$0x148B0] =	vst v22;
	v27 =	vmul.f32 v3, v3  }
0x17a: {  	v34 =	vsub.f32 v25, v29;
	v50 =	vmul.f32 v9, v9;
	v51 =	vmul.f32 v46, v46;
	[tilespmem:$0x14930] =	vst v26  }
0x17b: {  	v61 =	vmul.f32 v57, v57;
	v31 =	vmul.f32 v26, v26;
	[tilespmem:$0x14840] =	vst v32;
	v30 =	vadd.f32 v28, v27  }
0x17c: {  	v62 =	vmul.f32 v58, v58;
	v35 =	vmul.f32 v32, v32;
	[tilespmem:$0x148C0] =	vst v33;
	v8 =	vadd.f32 v19, v45  }
0x17d: {  	v36 =	vmul.f32 v33, v33;
	v54 =	vadd.f32 v51, v50;
	[tilespmem:$0x14830] =	vst v3;
	v3 =	vadd.f32 v31, v30  }
0x17e: {  	v24 =	vmul.f32 v5, v5;
	[tilespmem:$0x14940] =	vst v34;
	v6 =	vadd.f32 v62, v61;
	v52 =	vadd.f32 v48, v8  }
0x17f: {  	v37 =	vmul.f32 v34, v34;
	v7 =	vadd.f32 v55, v54;
	[tilespmem:$0x149B0] =	vst v3;
	v3 =	vadd.f32 v36, v35  }
0x180: {  	v6 =	vadd.f32 v24, v6;
	[tilespmem:$0x14980] =	vst v52  }
0x181: {  	[tilespmem:$0x14990] =	vst v7;
	v3 =	vadd.f32 v37, v3  }
0x182: {  	[tilespmem:$0x149A0] =	vst v6  }
0x183: {  	s14 =	simm.s32 $0x100;
	s0 =	sadd.s32 s30, s12;
	[tilespmem:$0x149C0] =	vst v3  }
0x184: {  	[hbm4b:s0+s4] =	stream.linear.scatter [tilespmem:s14], [sflag:$0x5], $0x5000, $0x38;
	[tilespmem:$0x14A00] =	vst v63  }
0x185: {  	_ =	swait.ge [sflag:s20], $0x5000  }
0x186: {  	[sflag:s20] =	ssyncset.done $0x0  }
0x187: {  	s10 =	sadd.s32 s29, s12;
	s19 =	simm.s32 $0x5100;
	[sflag:s20] =	ssyncadd.s32 $0xFFFFB000  }
0x188: {  	[hbm4b:s10+s4] =	stream.linear.scatter [tilespmem:s19], [sflag:$0x5], $0x5000, $0x38;
	[tilespmem:$0x14A00] =	vst v63  }
0x189: {  	_ =	swait.ge [sflag:s20], $0x5000  }
0x18a: {  	s21 =	smov.u32 s8;
	s24 =	rddreg [dreg:$0xd];
	[sflag:s20] =	ssyncset.done $0x0  }
0x18b: {  	s26 =	simm.s32 $0x14800;
	[sflag:s20] =	ssyncadd.s32 $0xFFFFB000;
	s8 =	sadd.s32 s2, s24  }
0x18c: {  	[hbm4b:s8+s4] =	stream.linear.scatter [tilespmem:s26], [sflag:$0x5], $0x50, $0x38;
	[tilespmem:$0x14A00] =	vst v63  }
0x18d: {  	_ =	swait.ge [sflag:s20], $0x50  }
0x18e: {  	s25 =	rddreg [dreg:$0xc];
	[sflag:s20] =	ssyncset.done $0x0  }
0x18f: {  	s24 =	simm.s32 $0x14880;
	[sflag:s20] =	ssyncadd.s32 $0xFFFFFFB0;
	s8 =	sadd.s32 s2, s25  }
0x190: {  	[hbm4b:s8+s4] =	stream.linear.scatter [tilespmem:s24], [sflag:$0x5], $0x50, $0x38;
	[tilespmem:$0x14A00] =	vst v63  }
0x191: {  	_ =	swait.ge [sflag:s20], $0x50  }
0x192: {  	s11 =	rddreg [dreg:$0xb];
	[sflag:s20] =	ssyncset.done $0x0  }
0x193: {  	s25 =	simm.s32 $0x14900;
	[sflag:s20] =	ssyncadd.s32 $0xFFFFFFB0;
	s8 =	sadd.s32 s2, s11  }
0x194: {  	[hbm4b:s8+s4] =	stream.linear.scatter [tilespmem:s25], [sflag:$0x5], $0x50, $0x38;
	[tilespmem:$0x14A00] =	vst v63  }
0x195: {  	_ =	swait.ge [sflag:s20], $0x50  }
0x196: {  	s18 =	rddreg [dreg:$0xa];
	[sflag:s20] =	ssyncset.done $0x0  }
0x197: {  	s11 =	simm.s32 $0x14980;
	[sflag:s20] =	ssyncadd.s32 $0xFFFFFFB0;
	s8 =	sadd.s32 s2, s18  }
0x198: {  	[hbm4b:s8+s4] =	stream.linear.scatter [tilespmem:s11], [sflag:$0x5], $0x50, $0x38;
	[tilespmem:$0x14A00] =	vst v63  }
0x199: {  	_ =	swait.ge [sflag:s20], $0x50  }
0x19a: {  	[sflag:s20] =	ssyncset.done $0x0  }
0x19b: {  	s22 =	simm.s32 $0x1;
	[sflag:s20] =	ssyncadd.s32 $0xFFFFFFB0  }
0x19c: {  	_ =	swait.ge [sflag:s22], $0x50  }
0x19d: {  	[sflag:s22] =	ssyncset.done $0x0  }
0x19e: {  	[sflag:s22] =	ssyncadd.s32 $0xFFFFFFB0  }
0x19f: {  	_ =	swait.ge [sflag:s22], $0x50  }
0x1a0: {  	[sflag:s22] =	ssyncset.done $0x0  }
0x1a1: {  	[sflag:s22] =	ssyncadd.s32 $0xFFFFFFB0  }
0x1a2: {  	v3 =	vld [tilespmem:$0x0];
	_ =	sdelay $0x4  }
0x1a3: {  	v38 =	vshll.u32 v3, $0x1  }
0x1a4: {  	v3 =	vand.u32 $0x7, v3;
	v4 =	vand.u32 $0xFFFFFFF0, v38  }
0x1a5: {  	v3 =	vor.u32 v3, v4  }
0x1a6: {  	v4 =	vperm.xlane v3, v0;
	_ =	sdelay $0x1  }
0x1a7: {  	v3 =	vperm.xlane v3, v2;
	v4 =	vadd.s32 v1, v4;
	_ =	sdelay $0x1  }
0x1a8: {  	v3 =	vadd.s32 v1, v3;
	_ =	sdelay $0x2  }
0x1a9: {  	[tilespmem:s14], [sflag:$0x2] =	stream.indirect_vreg.gather [hbm4b:s1+s4], $0x80, v4, vm0, $0xb8;
	[tilespmem:$0x14A00] =	vst v63  }
0x1aa: {  	_ = 	snop  }
0x1ab: {  	[tilespmem:s15], [sflag:$0x2] =	stream.indirect_vreg.gather [hbm4b:s1+s4], $0x80, v3, vm0, $0xb8;
	[tilespmem:$0x14A00] =	vst v63  }
0x1ac: {  	v3 =	vld [tilespmem:$0x10];
	_ =	sdelay $0x4  }
0x1ad: {  	v39 =	vshll.u32 v3, $0x1  }
0x1ae: {  	v3 =	vand.u32 $0x7, v3;
	v4 =	vand.u32 $0xFFFFFFF0, v39  }
0x1af: {  	v3 =	vor.u32 v3, v4  }
0x1b0: {  	v4 =	vperm.xlane v3, v0;
	_ =	sdelay $0x1  }
0x1b1: {  	v3 =	vperm.xlane v3, v2;
	v4 =	vadd.s32 v1, v4;
	_ =	sdelay $0x1  }
0x1b2: {  	v3 =	vadd.s32 v1, v3;
	_ =	sdelay $0x2  }
0x1b3: {  	[tilespmem:s16], [sflag:$0x2] =	stream.indirect_vreg.gather [hbm4b:s1+s4], $0x80, v4, vm0, $0xb8;
	[tilespmem:$0x14A00] =	vst v63  }
0x1b4: {  	s16 =	simm.s32 $0x1900  }
0x1b5: {  	[tilespmem:s16], [sflag:$0x2] =	stream.indirect_vreg.gather [hbm4b:s1+s4], $0x80, v3, vm0, $0xb8;
	[tilespmem:$0x14A00] =	vst v63  }
0x1b6: {  	v3 =	vld [tilespmem:$0x20];
	_ =	sdelay $0x4  }
0x1b7: {  	v40 =	vshll.u32 v3, $0x1  }
0x1b8: {  	v3 =	vand.u32 $0x7, v3;
	v4 =	vand.u32 $0xFFFFFFF0, v40  }
0x1b9: {  	v3 =	vor.u32 v3, v4  }
0x1ba: {  	v4 =	vperm.xlane v3, v0;
	_ =	sdelay $0x1  }
0x1bb: {  	v3 =	vperm.xlane v3, v2;
	v4 =	vadd.s32 v1, v4;
	_ =	sdelay $0x1  }
0x1bc: {  	v3 =	vadd.s32 v1, v3;
	_ =	sdelay $0x1  }
0x1bd: {  	s22 =	simm.s32 $0x2100  }
0x1be: {  	[tilespmem:s22], [sflag:$0x2] =	stream.indirect_vreg.gather [hbm4b:s1+s4], $0x80, v4, vm0, $0xb8;
	[tilespmem:$0x14A00] =	vst v63  }
0x1bf: {  	s14 =	simm.s32 $0x2900  }
0x1c0: {  	[tilespmem:s14], [sflag:$0x2] =	stream.indirect_vreg.gather [hbm4b:s1+s4], $0x80, v3, vm0, $0xb8;
	[tilespmem:$0x14A00] =	vst v63  }
0x1c1: {  	v3 =	vld [tilespmem:$0x30];
	_ =	sdelay $0x4  }
0x1c2: {  	v41 =	vshll.u32 v3, $0x1  }
0x1c3: {  	v3 =	vand.u32 $0x7, v3;
	v4 =	vand.u32 $0xFFFFFFF0, v41  }
0x1c4: {  	v3 =	vor.u32 v3, v4  }
0x1c5: {  	v4 =	vperm.xlane v3, v0;
	_ =	sdelay $0x1  }
0x1c6: {  	v3 =	vperm.xlane v3, v2;
	v4 =	vadd.s32 v1, v4;
	_ =	sdelay $0x1  }
0x1c7: {  	v3 =	vadd.s32 v1, v3;
	_ =	sdelay $0x1  }
0x1c8: {  	s15 =	simm.s32 $0x3100  }
0x1c9: {  	[tilespmem:s15], [sflag:$0x2] =	stream.indirect_vreg.gather [hbm4b:s1+s4], $0x80, v4, vm0, $0xb8;
	[tilespmem:$0x14A00] =	vst v63  }
0x1ca: {  	s16 =	simm.s32 $0x3900  }
0x1cb: {  	[tilespmem:s16], [sflag:$0x2] =	stream.indirect_vreg.gather [hbm4b:s1+s4], $0x80, v3, vm0, $0xb8;
	[tilespmem:$0x14A00] =	vst v63  }
0x1cc: {  	v3 =	vld [tilespmem:$0x40];
	_ =	sdelay $0x4  }
0x1cd: {  	v42 =	vshll.u32 v3, $0x1  }
0x1ce: {  	v3 =	vand.u32 $0x7, v3;
	v4 =	vand.u32 $0xFFFFFFF0, v42  }
0x1cf: {  	v3 =	vor.u32 v3, v4  }
0x1d0: {  	v4 =	vperm.xlane v3, v0;
	_ =	sdelay $0x1  }
0x1d1: {  	v3 =	vperm.xlane v3, v2;
	v4 =	vadd.s32 v1, v4;
	_ =	sdelay $0x1  }
0x1d2: {  	v3 =	vadd.s32 v1, v3;
	_ =	sdelay $0x1  }
0x1d3: {  	s22 =	simm.s32 $0x4100  }
0x1d4: {  	[tilespmem:s22], [sflag:$0x2] =	stream.indirect_vreg.gather [hbm4b:s1+s4], $0x80, v4, vm0, $0xb8;
	[tilespmem:$0x14A00] =	vst v63  }
0x1d5: {  	s14 =	simm.s32 $0x4900  }
0x1d6: {  	[tilespmem:s14], [sflag:$0x2] =	stream.indirect_vreg.gather [hbm4b:s1+s4], $0x80, v3, vm0, $0xb8;
	[tilespmem:$0x14A00] =	vst v63  }
0x1d7: {  	v3 =	vld [tilespmem:$0x0];
	_ =	sdelay $0x4  }
0x1d8: {  	v43 =	vshll.u32 v3, $0x1  }
0x1d9: {  	v3 =	vand.u32 $0x7, v3;
	v4 =	vand.u32 $0xFFFFFFF0, v43  }
0x1da: {  	v3 =	vor.u32 v3, v4  }
0x1db: {  	v4 =	vperm.xlane v3, v0;
	_ =	sdelay $0x1  }
0x1dc: {  	v3 =	vperm.xlane v3, v2;
	v4 =	vadd.s32 v1, v4;
	_ =	sdelay $0x1  }
0x1dd: {  	v3 =	vadd.s32 v1, v3;
	_ =	sdelay $0x2  }
0x1de: {  	[tilespmem:s19], [sflag:$0x2] =	stream.indirect_vreg.gather [hbm4b:s5+s4], $0x80, v4, vm0, $0xb8;
	[tilespmem:$0x14A00] =	vst v63  }
0x1df: {  	s19 =	simm.s32 $0x5900  }
0x1e0: {  	[tilespmem:s19], [sflag:$0x2] =	stream.indirect_vreg.gather [hbm4b:s5+s4], $0x80, v3, vm0, $0xb8;
	[tilespmem:$0x14A00] =	vst v63  }
0x1e1: {  	v3 =	vld [tilespmem:$0x10];
	_ =	sdelay $0x4  }
0x1e2: {  	v44 =	vshll.u32 v3, $0x1  }
0x1e3: {  	v3 =	vand.u32 $0x7, v3;
	v4 =	vand.u32 $0xFFFFFFF0, v44  }
0x1e4: {  	v3 =	vor.u32 v3, v4  }
0x1e5: {  	v4 =	vperm.xlane v3, v0;
	_ =	sdelay $0x1  }
0x1e6: {  	v3 =	vperm.xlane v3, v2;
	v4 =	vadd.s32 v1, v4;
	_ =	sdelay $0x1  }
0x1e7: {  	v3 =	vadd.s32 v1, v3;
	_ =	sdelay $0x1  }
0x1e8: {  	s15 =	simm.s32 $0x6100  }
0x1e9: {  	[tilespmem:s15], [sflag:$0x2] =	stream.indirect_vreg.gather [hbm4b:s5+s4], $0x80, v4, vm0, $0xb8;
	[tilespmem:$0x14A00] =	vst v63  }
0x1ea: {  	s16 =	simm.s32 $0x6900  }
0x1eb: {  	[tilespmem:s16], [sflag:$0x2] =	stream.indirect_vreg.gather [hbm4b:s5+s4], $0x80, v3, vm0, $0xb8;
	[tilespmem:$0x14A00] =	vst v63  }
0x1ec: {  	v3 =	vld [tilespmem:$0x20];
	_ =	sdelay $0x4  }
0x1ed: {  	v45 =	vshll.u32 v3, $0x1  }
0x1ee: {  	v3 =	vand.u32 $0x7, v3;
	v4 =	vand.u32 $0xFFFFFFF0, v45  }
0x1ef: {  	v3 =	vor.u32 v3, v4  }
0x1f0: {  	v4 =	vperm.xlane v3, v0;
	_ =	sdelay $0x1  }
0x1f1: {  	v3 =	vperm.xlane v3, v2;
	v4 =	vadd.s32 v1, v4;
	_ =	sdelay $0x1  }
0x1f2: {  	v3 =	vadd.s32 v1, v3;
	_ =	sdelay $0x1  }
0x1f3: {  	s14 =	simm.s32 $0x7100  }
0x1f4: {  	[tilespmem:s14], [sflag:$0x2] =	stream.indirect_vreg.gather [hbm4b:s5+s4], $0x80, v4, vm0, $0xb8;
	[tilespmem:$0x14A00] =	vst v63  }
0x1f5: {  	s15 =	simm.s32 $0x7900  }
0x1f6: {  	[tilespmem:s15], [sflag:$0x2] =	stream.indirect_vreg.gather [hbm4b:s5+s4], $0x80, v3, vm0, $0xb8;
	[tilespmem:$0x14A00] =	vst v63  }
0x1f7: {  	v3 =	vld [tilespmem:$0x30];
	_ =	sdelay $0x4  }
0x1f8: {  	v46 =	vshll.u32 v3, $0x1  }
0x1f9: {  	v3 =	vand.u32 $0x7, v3;
	v4 =	vand.u32 $0xFFFFFFF0, v46  }
0x1fa: {  	v3 =	vor.u32 v3, v4  }
0x1fb: {  	v4 =	vperm.xlane v3, v0;
	_ =	sdelay $0x1  }
0x1fc: {  	v3 =	vperm.xlane v3, v2;
	v4 =	vadd.s32 v1, v4;
	_ =	sdelay $0x1  }
0x1fd: {  	v3 =	vadd.s32 v1, v3;
	_ =	sdelay $0x1  }
0x1fe: {  	s16 =	simm.s32 $0x8100  }
0x1ff: {  	[tilespmem:s16], [sflag:$0x2] =	stream.indirect_vreg.gather [hbm4b:s5+s4], $0x80, v4, vm0, $0xb8;
	[tilespmem:$0x14A00] =	vst v63  }
0x200: {  	s14 =	simm.s32 $0x8900  }
0x201: {  	[tilespmem:s14], [sflag:$0x2] =	stream.indirect_vreg.gather [hbm4b:s5+s4], $0x80, v3, vm0, $0xb8;
	[tilespmem:$0x14A00] =	vst v63  }
0x202: {  	v3 =	vld [tilespmem:$0x40];
	_ =	sdelay $0x4  }
0x203: {  	v47 =	vshll.u32 v3, $0x1  }
0x204: {  	v3 =	vand.u32 $0x7, v3;
	v4 =	vand.u32 $0xFFFFFFF0, v47  }
0x205: {  	v3 =	vor.u32 v3, v4  }
0x206: {  	v4 =	vperm.xlane v3, v0;
	_ =	sdelay $0x1  }
0x207: {  	v3 =	vperm.xlane v3, v2;
	v4 =	vadd.s32 v1, v4;
	_ =	sdelay $0x1  }
0x208: {  	v3 =	vadd.s32 v1, v3;
	_ =	sdelay $0x1  }
0x209: {  	s15 =	simm.s32 $0x9100  }
0x20a: {  	[tilespmem:s15], [sflag:$0x2] =	stream.indirect_vreg.gather [hbm4b:s5+s4], $0x80, v4, vm0, $0xb8;
	[tilespmem:$0x14A00] =	vst v63  }
0x20b: {  	s16 =	simm.s32 $0x9900  }
0x20c: {  	[tilespmem:s16], [sflag:$0x2] =	stream.indirect_vreg.gather [hbm4b:s5+s4], $0x80, v3, vm0, $0xb8;
	[tilespmem:$0x14A00] =	vst v63  }
0x20d: {  	s14 =	simm.s32 $0xA100  }
0x20e: {  	[tilespmem:s14], [sflag:$0x2] =	stream.indirect.gather [hbm4b:s7+s3], $0x1, s4, s3, $0xb8;
	[tilespmem:$0x14A00] =	vst v63  }
0x20f: {  	s15 =	simm.s32 $0xA180  }
0x210: {  	[tilespmem:s15], [sflag:$0x2] =	stream.indirect.gather [hbm4b:s9+s3], $0x1, s4, s3, $0xb8;
	[tilespmem:$0x14A00] =	vst v63  }
0x211: {  	s16 =	simm.s32 $0xA200  }
0x212: {  	[tilespmem:s16], [sflag:$0x2] =	stream.indirect.gather [hbm4b:s13+s3], $0x1, s4, s3, $0xb8;
	[tilespmem:$0x14A00] =	vst v63  }
0x213: {  	s14 =	simm.s32 $0xA280  }
0x214: {  	[tilespmem:s14], [sflag:$0x2] =	stream.indirect.gather [hbm4b:s7+s3], $0x1, s28, s3, $0xb8;
	[tilespmem:$0x14A00] =	vst v63  }
0x215: {  	s15 =	simm.s32 $0xA300  }
0x216: {  	[tilespmem:s15], [sflag:$0x2] =	stream.indirect.gather [hbm4b:s9+s3], $0x1, s28, s3, $0xb8;
	[tilespmem:$0x14A00] =	vst v63  }
0x217: {  	s16 =	simm.s32 $0xA380  }
0x218: {  	[tilespmem:s16], [sflag:$0x2] =	stream.indirect.gather [hbm4b:s13+s3], $0x1, s28, s3, $0xb8;
	[tilespmem:$0x14A00] =	vst v63  }
0x219: {  	_ =	swait.ge [sflag:s23], $0x5000  }
0x21a: {  	[sflag:s23] =	ssyncset.done $0x0  }
0x21b: {  	[sflag:s23] =	ssyncadd.s32 $0xFFFFB000  }
0x21c: {  	_ =	swait.ge [sflag:s23], $0x5000  }
0x21d: {  	[sflag:s23] =	ssyncset.done $0x0  }
0x21e: {  	[sflag:s23] =	ssyncadd.s32 $0xFFFFB000  }
0x21f: {  	_ =	swait.ge [sflag:s23], $0x50  }
0x220: {  	[sflag:s23] =	ssyncset.done $0x0  }
0x221: {  	[sflag:s23] =	ssyncadd.s32 $0xFFFFFFB0  }
0x222: {  	_ =	swait.ge [sflag:s23], $0x50  }
0x223: {  	[sflag:s23] =	ssyncset.done $0x0  }
0x224: {  	[sflag:s23] =	ssyncadd.s32 $0xFFFFFFB0  }
0x225: {  	_ =	swait.ge [sflag:s23], $0x50  }
0x226: {  	[sflag:s23] =	ssyncset.done $0x0  }
0x227: {  	[sflag:s23] =	ssyncadd.s32 $0xFFFFFFB0  }
0x228: {  	_ =	swait.ge [sflag:s23], $0x50  }
0x229: {  	[sflag:s23] =	ssyncset.done $0x0  }
0x22a: {  	[sflag:s23] =	ssyncadd.s32 $0xFFFFFFB0  }
0x22b: {  	_ =	swait.ge [sflag:s23], $0x50  }
0x22c: {  	[sflag:s23] =	ssyncset.done $0x0  }
0x22d: {  	p0 =	seq.s32 s2, $0x4C4;
	[sflag:s23] =	ssyncadd.s32 $0xFFFFFFB0  }
0x22e: {  	s15 =	simm.s32 @!p0 $0x0;
	_ =	swait.ge [sflag:s23], $0x50  }
0x22f: {  	s16 =	simm.s32 @!p0 $0xA400;
	s8 =	rddreg [dreg:$0x5];
	[sflag:s23] =	ssyncset.done $0x0  }
0x230: {  	s28 =	rddreg [dreg:$0x4];
	[sflag:s23] =	ssyncadd.s32 $0xFFFFFFB0;
	s8 =	sadd.s32 @!p0 s2, s8  }
0x231: {  	[tilespmem:s16], [sflag:$0x3] =	stream.linear.gather @!p0 [hbm4b:s8+s15], $0x50, $0x38;
	[tilespmem:$0x14A00] =	vst v63  }
0x232: {  	s8 =	sadd.s32 @!p0 s2, s28;
	s16 =	simm.s32 @!p0 $0xA480  }
0x233: {  	[tilespmem:s16], [sflag:$0x3] =	stream.linear.gather @!p0 [hbm4b:s8+s15], $0x50, $0x38;
	[tilespmem:$0x14A00] =	vst v63  }
0x234: {  	v3 =	vld [tilespmem:$0x14680]  }
0x235: {  	v48 =	vld [tilespmem:$0x14500]  }
0x236: {  	v49 =	vld [tilespmem:$0x14700]  }
0x237: {  	v50 =	vld [tilespmem:$0x14580]  }
0x238: {  	v51 =	vld [tilespmem:$0x14780]  }
0x239: {  	v52 =	vld [tilespmem:$0x14600]  }
0x23a: {  	v53 =	vld [tilespmem:$0x14690]  }
0x23b: {  	v54 =	vld [tilespmem:$0x14510]  }
0x23c: {  	v55 =	vld [tilespmem:$0x14710]  }
0x23d: {  	v56 =	vld [tilespmem:$0x14590]  }
0x23e: {  	v57 =	vld [tilespmem:$0x14790]  }
0x23f: {  	v58 =	vld [tilespmem:$0x14610]  }
0x240: {  	v59 =	vld [tilespmem:$0x146A0]  }
0x241: {  	v60 =	vld [tilespmem:$0x14520]  }
0x242: {  	v61 =	vld [tilespmem:$0x14720]  }
0x243: {  	v62 =	vld [tilespmem:$0x145A0]  }
0x244: {  	v24 =	vld [tilespmem:$0x147A0]  }
0x245: {  	v25 =	vld [tilespmem:$0x14620]  }
0x246: {  	v28 =	vld [tilespmem:$0x146B0]  }
0x247: {  	v30 =	vld [tilespmem:$0x14530]  }
0x248: {  	v32 =	vld [tilespmem:$0x14730];
	v3 =	vsub.f32 v3, v48  }
0x249: {  	v35 =	vld [tilespmem:$0x145B0];
	v63 =	vsub.f32 v49, v50  }
0x24a: {  	v37 =	vld [tilespmem:$0x147B0];
	v7 =	vsub.f32 v51, v52;
	[tilespmem:$0x14800] =	vst v3  }
0x24b: {  	v40 =	vld [tilespmem:$0x14630];
	v9 =	vsub.f32 v53, v54;
	[tilespmem:$0x14880] =	vst v63  }
0x24c: {  	v43 =	vld [tilespmem:$0x146C0];
	v29 =	vsub.f32 v55, v56;
	[tilespmem:$0x14900] =	vst v7  }
0x24d: {  	v44 =	vld [tilespmem:$0x14540];
	v41 =	vsub.f32 v59, v60;
	[tilespmem:$0x14810] =	vst v9  }
0x24e: {  	v47 =	vld [tilespmem:$0x14740];
	v42 =	vsub.f32 v61, v62;
	[tilespmem:$0x14890] =	vst v29  }
0x24f: {  	v49 =	vld [tilespmem:$0x145C0];
	v26 =	vmul.f32 v3, v3;
	v3 =	vsub.f32 v57, v58;
	[tilespmem:$0x14820] =	vst v41  }
0x250: {  	v5 =	vsub.f32 v24, v25;
	v48 =	vsub.f32 v32, v35;
	v51 =	vld [tilespmem:$0x147C0];
	[tilespmem:$0x148A0] =	vst v42  }
0x251: {  	v55 =	vld [tilespmem:$0x14640];
	v27 =	vmul.f32 v63, v63;
	v39 =	vmul.f32 v3, v3;
	[tilespmem:$0x14910] =	vst v3;
	v3 =	vsub.f32 v28, v30  }
0x252: {  	v52 =	vsub.f32 v37, v40;
	v31 =	vmul.f32 v7, v7;
	v33 =	vmul.f32 v9, v9;
	[tilespmem:$0x14920] =	vst v5  }
0x253: {  	v54 =	vmul.f32 v48, v48;
	v58 =	vsub.f32 v43, v44;
	[tilespmem:$0x148B0] =	vst v48;
	v53 =	vmul.f32 v3, v3  }
0x254: {  	v34 =	vmul.f32 v29, v29;
	v45 =	vmul.f32 v41, v41;
	[tilespmem:$0x14930] =	vst v52;
	v8 =	vadd.f32 v27, v26  }
0x255: {  	v57 =	vmul.f32 v52, v52;
	[tilespmem:$0x14840] =	vst v58;
	v59 =	vsub.f32 v47, v49;
	v56 =	vadd.f32 v54, v53  }
0x256: {  	v46 =	vmul.f32 v42, v42;
	v38 =	vadd.f32 v34, v33;
	v60 =	vsub.f32 v51, v55;
	[tilespmem:$0x14830] =	vst v3  }
0x257: {  	v61 =	vmul.f32 v58, v58;
	v62 =	vmul.f32 v59, v59;
	[tilespmem:$0x148C0] =	vst v59;
	v3 =	vadd.f32 v57, v56  }
0x258: {  	v50 =	vmul.f32 v5, v5;
	v6 =	vadd.f32 v46, v45;
	v36 =	vadd.f32 v31, v8;
	[tilespmem:$0x14940] =	vst v60  }
0x259: {  	v7 =	vadd.f32 v39, v38;
	v63 =	vmul.f32 v60, v60;
	[tilespmem:$0x149B0] =	vst v3;
	v3 =	vadd.f32 v62, v61  }
0x25a: {  	v6 =	vadd.f32 v50, v6;
	[tilespmem:$0x14980] =	vst v36  }
0x25b: {  	[tilespmem:$0x14990] =	vst v7;
	v3 =	vadd.f32 v63, v3  }
0x25c: {  	[tilespmem:$0x149A0] =	vst v6  }
0x25d: {  	s0 =	sadd.s32 $0xA00, s0;
	s14 =	simm.s32 $0xA500;
	[tilespmem:$0x149C0] =	vst v3  }
0x25e: {  	[hbm4b:s0+s4] =	stream.linear.scatter [tilespmem:s14], [sflag:$0x5], $0x5000, $0x38;
	[tilespmem:$0x14A00] =	vst v63  }
0x25f: {  	_ =	swait.ge [sflag:s20], $0x5000  }
0x260: {  	s10 =	sadd.s32 $0xA00, s10;
	[sflag:s20] =	ssyncset.done $0x0  }
0x261: {  	s8 =	smov.u32 s21;
	s21 =	simm.s32 $0xF500;
	[sflag:s20] =	ssyncadd.s32 $0xFFFFB000  }
0x262: {  	[hbm4b:s10+s4] =	stream.linear.scatter [tilespmem:s21], [sflag:$0x5], $0x5000, $0x38;
	[tilespmem:$0x14A00] =	vst v63  }
0x263: {  	_ =	swait.ge [sflag:s20], $0x5000  }
0x264: {  	s10 =	rddreg [dreg:$0x9];
	[sflag:s20] =	ssyncset.done $0x0  }
0x265: {  	[sflag:s20] =	ssyncadd.s32 $0xFFFFB000;
	s0 =	sadd.s32 s2, s10  }
0x266: {  	[hbm4b:s0+s4] =	stream.linear.scatter [tilespmem:s26], [sflag:$0x5], $0x50, $0x38;
	[tilespmem:$0x14A00] =	vst v63  }
0x267: {  	_ =	swait.ge [sflag:s20], $0x50  }
0x268: {  	s10 =	rddreg [dreg:$0x8];
	[sflag:s20] =	ssyncset.done $0x0  }
0x269: {  	[sflag:s20] =	ssyncadd.s32 $0xFFFFFFB0;
	s0 =	sadd.s32 s2, s10  }
0x26a: {  	[hbm4b:s0+s4] =	stream.linear.scatter [tilespmem:s24], [sflag:$0x5], $0x50, $0x38;
	[tilespmem:$0x14A00] =	vst v63  }
0x26b: {  	_ =	swait.ge [sflag:s20], $0x50  }
0x26c: {  	s24 =	rddreg [dreg:$0x7];
	[sflag:s20] =	ssyncset.done $0x0  }
0x26d: {  	[sflag:s20] =	ssyncadd.s32 $0xFFFFFFB0;
	s0 =	sadd.s32 s2, s24  }
0x26e: {  	[hbm4b:s0+s4] =	stream.linear.scatter [tilespmem:s25], [sflag:$0x5], $0x50, $0x38;
	[tilespmem:$0x14A00] =	vst v63  }
0x26f: {  	s29 =	sadd.s32 $0x1400, s29;
	s31 =	sadd.s32 $0xA0, s31;
	_ =	swait.ge [sflag:s20], $0x50  }
0x270: {  	s30 =	sadd.s32 $0x1400, s30;
	s18 =	simm.s32 $0x100;
	s10 =	rddreg [dreg:$0x6]  }
0x271: {  	s22 =	simm.s32 $0x5100;
	s0 =	sadd.s32 s2, s10;
	s2 =	sadd.s32 $0x14, s2  }
0x272: {  	s28 =	simm.s32 $0x14800;
	[sflag:s20] =	ssyncset.done $0x0;
	p0 =	sne.s32 s2, $0x4D8  }
.Ltmp0:
0x273: {  	s16 =	simm.s32 $0x1100;
	[sflag:s20] =	ssyncadd.s32 $0xFFFFFFB0;
	(pc) =	sbr.rel @p0 .LBB2_2-.Ltmp0, $4  }
0x274: {  	[hbm4b:s0+s4] =	stream.linear.scatter [tilespmem:s11], [sflag:$0x5], $0x50, $0x38;
	[tilespmem:$0x14A00] =	vst v63  }
0x275: {  	s15 =	simm.s32 $0x900;
	s26 =	simm.s32 $0x14880;
	_ =	swait.ge [sflag:s20], $0x50  }
0x276: {  	s24 =	simm.s32 $0x14900;
	s25 =	simm.s32 $0xA480;
	[sflag:s20] =	ssyncset.done $0x0  }
0x277: {  	s10 =	simm.s32 $0x14980;
	s11 =	simm.s32 $0xA400;
	[sflag:s20] =	ssyncadd.s32 $0xFFFFFFB0  }
0x278: {  	_ =	swait.ge [sflag:s17], $0x5000  }
0x279: {  	[sflag:s17] =	ssyncset.done $0x0  }
0x27a: {  	[sflag:s17] =	ssyncadd.s32 $0xFFFFB000  }
0x27b: {  	_ =	swait.ge [sflag:s17], $0x5000  }
0x27c: {  	[sflag:s17] =	ssyncset.done $0x0  }
0x27d: {  	[sflag:s17] =	ssyncadd.s32 $0xFFFFB000  }
0x27e: {  	_ =	swait.ge [sflag:s17], $0x50  }
0x27f: {  	[sflag:s17] =	ssyncset.done $0x0  }
0x280: {  	[sflag:s17] =	ssyncadd.s32 $0xFFFFFFB0  }
0x281: {  	_ =	swait.ge [sflag:s17], $0x50  }
0x282: {  	[sflag:s17] =	ssyncset.done $0x0  }
0x283: {  	[sflag:s17] =	ssyncadd.s32 $0xFFFFFFB0  }
0x284: {  	_ =	swait.ge [sflag:s17], $0x50  }
0x285: {  	[sflag:s17] =	ssyncset.done $0x0  }
0x286: {  	[sflag:s17] =	ssyncadd.s32 $0xFFFFFFB0  }
0x287: {  	_ =	swait.ge [sflag:s17], $0x50  }
0x288: {  	[sflag:s17] =	ssyncset.done $0x0  }
0x289: {  	[sflag:s17] =	ssyncadd.s32 $0xFFFFFFB0  }
0x28a: {  	_ =	swait.ge [sflag:s17], $0x50  }
0x28b: {  	[sflag:s17] =	ssyncset.done $0x0  }
0x28c: {  	[sflag:s17] =	ssyncadd.s32 $0xFFFFFFB0  }
0x28d: {  	_ =	swait.ge [sflag:s17], $0x50  }
0x28e: {  	[sflag:s17] =	ssyncset.done $0x0  }
0x28f: {  	[sflag:s17] =	ssyncadd.s32 $0xFFFFFFB0  }
0x290: {  	v3 =	vld [tilespmem:$0xA280]  }
0x291: {  	v4 =	vld [tilespmem:$0xA100]  }
0x292: {  	v5 =	vld [tilespmem:$0xA300]  }
0x293: {  	v6 =	vld [tilespmem:$0xA180]  }
0x294: {  	v7 =	vld [tilespmem:$0xA380]  }
0x295: {  	v8 =	vld [tilespmem:$0xA200]  }
0x296: {  	v9 =	vld [tilespmem:$0xA290]  }
0x297: {  	v10 =	vld [tilespmem:$0xA110]  }
0x298: {  	v11 =	vld [tilespmem:$0xA310]  }
0x299: {  	v12 =	vld [tilespmem:$0xA190]  }
0x29a: {  	v13 =	vld [tilespmem:$0xA390]  }
0x29b: {  	v14 =	vld [tilespmem:$0xA210]  }
0x29c: {  	v15 =	vld [tilespmem:$0xA2A0]  }
0x29d: {  	v16 =	vld [tilespmem:$0xA120]  }
0x29e: {  	v17 =	vld [tilespmem:$0xA320]  }
0x29f: {  	v18 =	vld [tilespmem:$0xA1A0]  }
0x2a0: {  	v27 =	vld [tilespmem:$0xA3A0]  }
0x2a1: {  	v28 =	vld [tilespmem:$0xA220]  }
0x2a2: {  	v20 =	vld [tilespmem:$0xA2B0]  }
0x2a3: {  	v31 =	vld [tilespmem:$0xA130]  }
0x2a4: {  	v33 =	vld [tilespmem:$0xA330]  }
0x2a5: {  	v21 =	vld [tilespmem:$0xA1B0]  }
0x2a6: {  	v37 =	vld [tilespmem:$0xA3B0];
	v3 =	vsub.f32 v3, v4  }
0x2a7: {  	v40 =	vld [tilespmem:$0xA230];
	v26 =	vsub.f32 v5, v6  }
0x2a8: {  	v43 =	vld [tilespmem:$0xA2C0];
	v7 =	vsub.f32 v7, v8;
	[tilespmem:$0x14800] =	vst v3  }
0x2a9: {  	v44 =	vld [tilespmem:$0xA140];
	v9 =	vsub.f32 v9, v10;
	[tilespmem:$0x14880] =	vst v26  }
0x2aa: {  	v47 =	vld [tilespmem:$0xA340];
	v30 =	vsub.f32 v11, v12;
	[tilespmem:$0x14900] =	vst v7  }
0x2ab: {  	v49 =	vld [tilespmem:$0xA1C0];
	v41 =	vsub.f32 v15, v16;
	[tilespmem:$0x14810] =	vst v9  }
0x2ac: {  	v51 =	vld [tilespmem:$0xA3C0];
	v42 =	vsub.f32 v17, v18;
	[tilespmem:$0x14890] =	vst v30  }
0x2ad: {  	v55 =	vld [tilespmem:$0xA240];
	v29 =	vmul.f32 v3, v3;
	v3 =	vsub.f32 v13, v14;
	[tilespmem:$0x14820] =	vst v41  }
0x2ae: {  	v5 =	vsub.f32 v27, v28;
	v48 =	vsub.f32 v33, v21;
	[tilespmem:$0x148A0] =	vst v42  }
0x2af: {  	v52 =	vsub.f32 v37, v40;
	v39 =	vmul.f32 v3, v3;
	[tilespmem:$0x14910] =	vst v3;
	v3 =	vsub.f32 v20, v31  }
0x2b0: {  	v58 =	vsub.f32 v43, v44;
	v19 =	vmul.f32 v26, v26;
	v32 =	vmul.f32 v7, v7;
	[tilespmem:$0x14920] =	vst v5  }
0x2b1: {  	v59 =	vsub.f32 v47, v49;
	v54 =	vmul.f32 v48, v48;
	[tilespmem:$0x148B0] =	vst v48;
	v53 =	vmul.f32 v3, v3  }
0x2b2: {  	v60 =	vsub.f32 v51, v55;
	v34 =	vmul.f32 v9, v9;
	v35 =	vmul.f32 v30, v30;
	[tilespmem:$0x14930] =	vst v52  }
0x2b3: {  	v45 =	vmul.f32 v41, v41;
	v57 =	vmul.f32 v52, v52;
	[tilespmem:$0x14840] =	vst v58;
	v56 =	vadd.f32 v54, v53  }
0x2b4: {  	v46 =	vmul.f32 v42, v42;
	v61 =	vmul.f32 v58, v58;
	[tilespmem:$0x148C0] =	vst v59;
	v8 =	vadd.f32 v19, v29  }
0x2b5: {  	v62 =	vmul.f32 v59, v59;
	v38 =	vadd.f32 v35, v34;
	[tilespmem:$0x14830] =	vst v3;
	v3 =	vadd.f32 v57, v56  }
0x2b6: {  	v50 =	vmul.f32 v5, v5;
	[tilespmem:$0x14940] =	vst v60;
	v6 =	vadd.f32 v46, v45;
	v36 =	vadd.f32 v32, v8  }
0x2b7: {  	v63 =	vmul.f32 v60, v60;
	v7 =	vadd.f32 v39, v38;
	[tilespmem:$0x149B0] =	vst v3;
	v3 =	vadd.f32 v62, v61  }
0x2b8: {  	v6 =	vadd.f32 v50, v6;
	[tilespmem:$0x14980] =	vst v36  }
0x2b9: {  	s0 =	sld [smem:$0x7EB];
	[tilespmem:$0x14990] =	vst v7;
	v3 =	vadd.f32 v63, v3  }
0x2ba: {  	[tilespmem:$0x149A0] =	vst v6  }
0x2bb: {  	[tilespmem:$0x149C0] =	vst v3  }
0x2bc: {  	[hbm4b:s0+s4] =	stream.linear.scatter [tilespmem:s18], [sflag:$0x5], $0x5000, $0x38;
	[tilespmem:$0x14A00] =	vst v63  }
0x2bd: {  	_ =	swait.ge [sflag:s20], $0x5000  }
0x2be: {  	s21 =	sld [smem:$0x7F0]  }
0x2bf: {  	[sflag:s20] =	ssyncset.done $0x0  }
0x2c0: {  	[sflag:s20] =	ssyncadd.s32 $0xFFFFB000  }
0x2c1: {  	[hbm4b:s21+s4] =	stream.linear.scatter [tilespmem:s22], [sflag:$0x5], $0x5000, $0x38;
	[tilespmem:$0x14A00] =	vst v63  }
0x2c2: {  	_ =	swait.ge [sflag:s20], $0x5000  }
0x2c3: {  	s2 =	sld [smem:$0x7EC]  }
0x2c4: {  	[sflag:s20] =	ssyncset.done $0x0  }
0x2c5: {  	[sflag:s20] =	ssyncadd.s32 $0xFFFFB000  }
0x2c6: {  	[hbm4b:s2+s4] =	stream.linear.scatter [tilespmem:s28], [sflag:$0x5], $0x50, $0x38;
	[tilespmem:$0x14A00] =	vst v63  }
0x2c7: {  	_ =	swait.ge [sflag:s20], $0x50  }
0x2c8: {  	s14 =	sld [smem:$0x7ED]  }
0x2c9: {  	[sflag:s20] =	ssyncset.done $0x0  }
0x2ca: {  	[sflag:s20] =	ssyncadd.s32 $0xFFFFFFB0  }
0x2cb: {  	[hbm4b:s14+s4] =	stream.linear.scatter [tilespmem:s26], [sflag:$0x5], $0x50, $0x38;
	[tilespmem:$0x14A00] =	vst v63  }
0x2cc: {  	_ =	swait.ge [sflag:s20], $0x50  }
0x2cd: {  	s21 =	sld [smem:$0x7EE]  }
0x2ce: {  	[sflag:s20] =	ssyncset.done $0x0  }
0x2cf: {  	[sflag:s20] =	ssyncadd.s32 $0xFFFFFFB0  }
0x2d0: {  	[hbm4b:s21+s4] =	stream.linear.scatter [tilespmem:s24], [sflag:$0x5], $0x50, $0x38;
	[tilespmem:$0x14A00] =	vst v63  }
0x2d1: {  	_ =	swait.ge [sflag:s20], $0x50  }
0x2d2: {  	s24 =	sld [smem:$0x7EF]  }
0x2d3: {  	[sflag:s20] =	ssyncset.done $0x0  }
0x2d4: {  	[sflag:s20] =	ssyncadd.s32 $0xFFFFFFB0  }
0x2d5: {  	[hbm4b:s24+s4] =	stream.linear.scatter [tilespmem:s10], [sflag:$0x5], $0x50, $0x38;
	[tilespmem:$0x14A00] =	vst v63  }
0x2d6: {  	_ =	swait.ge [sflag:s20], $0x50  }
0x2d7: {  	s2 =	sld [smem:$0x7FD]  }
0x2d8: {  	s26 =	sld [smem:$0x7F9];
	_ =	sdelay $0x1  }
0x2d9: {  	s2 =	sadd.s32 $0x1, s2  }
0x2da: {  	p0 =	sne.s32 s2, s26  }
.Ltmp1:
0x2db: {  	s29 =	simm.s32 $0x3900;
	s30 =	simm.s32 $0x4100;
	(pc) =	sbr.rel @p0 .LBB2_1-.Ltmp1, $4  }
0x2dc: {  	s31 =	simm.s32 $0x4900;
	s28 =	smov.u32 s9;
	s9 =	smov.u32 s13  }
0x2dd: {  	s14 =	simm.s32 $0x2900;
	s21 =	simm.s32 $0x3100;
	[sflag:s20] =	ssyncset.done $0x0  }
0x2de: {  	s10 =	simm.s32 $0x2100;
	s24 =	simm.s32 $0x80;
	[sflag:s20] =	ssyncadd.s32 $0xFFFFFFB0  }
0x2df: {  	[smem:$0x7FD] =	sst s2;
	s2 =	simm.s32 $0x1900;
	s26 =	simm.s32 $0x1  }
0x2e0: {  	_ =	sfence.sel $0x180000  }
0x2e1: {  	[bflag:$0x0] =	sbarrier.arrive $0xFFFF  }
0x2e2: {  	_ =	strace $0x90000047  }
0x2e3: {  	s0 =	stileid.u32;
	[bflag:$0x2] =	sbarrier.arrive $0xFFFF  }
0x2e4: {  	p0 =	sne.s32 s0, $0x0;
	s0 =	rddreg [dreg:$0x3]  }
0x2e5: {  	s0 =	sadd.s32 @!p0 $0x100000, s0  }
0x2e6: {  	[sflag:s0] =	ssyncadd.tile.s32 @!p0 $0x1;
	_ =	shalt  }
.Lfunc_end2:
_tile_overlayer_lowered:
.L_overlay_start_2:
0x2e7: {  	(tag) =	ssettag $0x2  }
0x2e8: {  	s0 =	rddreg [dreg:$0x0];
	s2 =	stileid.u32  }
0x2e9: {  	s1 =	rddreg [dreg:$0x1];
	p0 =	sne.s32 s2, $0x0  }
0x2ea: {  	s3 =	rddreg [dreg:$0x2];
	[bflag:$0x3] =	sbarrier.arrive $0xFFFF;
	s2 =	simm.s32 @!p0 $0x1C05  }
0x2eb: {  	[timem:s3], [sflag:s2] =	dma.local @!p0 [hbm:s0], s1  }
0x2ec: {  	s0 =	simm.s32 @!p0 $0x5  }
0x2ed: {  	_ =	swait.ge @!p0 [sflag:s0], s1  }
0x2ee: {  	s1 =	ssub.s32 @!p0 $0x0, s1;
	[sflag:s0] =	ssyncset.done @!p0 $0x0  }
0x2ef: {  	[sflag:s0] =	ssyncadd.s32 @!p0 s1  }
0x2f0: {  	[bflag:$0x3] =	sbarrier.arrive $0xFFFF  }
0x2f1: {  	_ =	shalt  }

// kernel: kernel.9.cloned.1.call-start
scs
__scs_entry_jumppad:
0x0: {  	(pc) =	sbr.rel $0x88, $3  }
0x1: {  	(tag) =	ssettag $0x0;
	lr =	simm.s32 $0x1  }
0x2: {  	[smem:$0x3F96] =	sst lr;
	_ =	strace $0xD0000000  }
0x3: {  	_ = 	snop  }
0x4: {  	_ = 	snop  }
0x5: {  	_ = 	snop  }
0x6: {  	_ = 	snop  }
0x7: {  	_ = 	snop  }
__scs_overlays_trampoline_lowered:
0x8: {  	[smem:$0x3FA5] =	sst s0  }
0x9: {  	[smem:$0x3FA6] =	sst s1  }
0xa: {  	[smem:$0x3FA7] =	sst s2  }
0xb: {  	[smem:$0x3FA8] =	sst s3  }
0xc: {  	[smem:$0x3FA9] =	sst s4  }
0xd: {  	[smem:$0x3FAA] =	sst s5  }
0xe: {  	[smem:$0x3FAB] =	sst s6  }
0xf: {  	[smem:$0x3FAC] =	sst s7  }
0x10: {  	[smem:$0x3FAD] =	sst s8  }
0x11: {  	[smem:$0x3FAE] =	sst s9;
	s0 =	simm.s32 @!p0 $0x0  }
0x12: {  	s1 =	sld [smem:$0x3F94];
	s0 =	simm.s32 @p0 $0x1  }
0x13: {  	[smem:$0x3FAF] =	sst s0;
	s0 =	simm.s32 @!p1 $0x0  }
0x14: {  	s2 =	sld [smem:$0x3F93];
	s0 =	simm.s32 @p1 $0x1  }
0x15: {  	[smem:$0x3FB0] =	sst s0;
	s0 =	simm.s32 @!p2 $0x0  }
0x16: {  	s3 =	sld [smem:$0x3FDB];
	s0 =	simm.s32 @p2 $0x1  }
0x17: {  	s4 =	simm.s32 $0x1BF5;
	[smem:$0x3FB2] =	sst s0  }
0x18: {  	s0 =	sld [smem:$0x3F95];
	_ =	swait.ge [sflag:s4], $0x0  }
0x19: {  	s7 =	sld [smem:$0x3F96]  }
0x1a: {  	s8 =	sadd.s32 $0xFFFFE003, lr  }
0x1b: {  	s9 =	sadd.s32 $0xFFFFFEF7, lr;
	s5 =	simm.s32 $0xFFFFFFFF;
	p2 =	slt.u32 s8, $0xFFFFF086  }
0x1c: {  	p1 =	slt.u32 s9, $0xF7A;
	s5 =	simm.s32 @!p2 $0x0  }
0x1d: {  	s5 =	simm.s32 @p1 $0x1;
	p0 =	seq.s32 s7, s2  }
0x1e: {  	s7 =	smul.u32 @!p0 $0xF7A, s2;
	p2 =	seq.s32 @!p0 s5, $0x0  }
0x1f: {  	s9 =	smul.u32 $0xF7A, s1;
	s8 =	simm.s32 @!p0 $0x1BF5;
	p2 =	por !p2, p0  }
0x20: {  	[sflag:s8] =	ssyncset.s32 @!p0 $0xFFFFF086;
	s6 =	sadd.s32 @!p0 s3, s7;
	s7 =	simm.s32 @!p0 $0x108  }
0x21: {  	s3 =	sadd.s32 s3, s9;
	s6 =	sadd.s32 @!p0 $0x88, s6;
	s7 =	simm.s32 @p2 $0x1082  }
0x22: {  	[simem:s7], [sflag:s8] =	dma.local @!p0 [hbm:s6], $0xF7A  }
0x23: {  	s9 =	sor.u32 $0xD0000000, s2;
	s6 =	simm.s32 $0x108;
	_ =	swait.ge @!p0 [sflag:s8], $0x0  }
0x24: {  	s3 =	sadd.s32 $0x88, s3;
	s6 =	simm.s32 @!p1 $0x1082;
	[sflag:s4] =	ssyncset.s32 $0xFFFFF086  }
0x25: {  	[simem:s6], [sflag:s4] =	dma.local [hbm:s3], $0xF7A  }
0x26: {  	[smem:$0x3F96] =	sst s1;
	(tag) =	ssettag s2;
	_ =	strace s9  }
0x27: {  	s1 =	sld [smem:$0x3FA6]  }
0x28: {  	s2 =	sld [smem:$0x3FA7]  }
0x29: {  	s4 =	sld [smem:$0x3FA9]  }
0x2a: {  	p0 =	seq.s32 s5, $0x0;
	s5 =	sld [smem:$0x3FAA]  }
0x2b: {  	s6 =	sld [smem:$0x3FAB]  }
0x2c: {  	s7 =	sld [smem:$0x3FAC]  }
0x2d: {  	s3 =	simm.s32 $0x108;
	s8 =	sld [smem:$0x3FAD]  }
0x2e: {  	s3 =	simm.s32 @!p0 $0x1082;
	s9 =	sld [smem:$0x3FAE]  }
0x2f: {  	lr =	sadd.s32 s0, s3;
	s0 =	sld [smem:$0x3FA5]  }
0x30: {  	s3 =	sld [smem:$0x3FA8]  }
0x31: {  	[smem:$0x3FB1] =	sst s10  }
0x32: {  	s10 =	sld [smem:$0x3FAF];
	_ =	sdelay $0x3  }
0x33: {  	p0 =	seq.s32 s10, $0x1;
	s10 =	sld [smem:$0x3FB1];
	_ =	sdelay $0x3  }
0x34: {  	[smem:$0x3FB1] =	sst s10  }
0x35: {  	s10 =	sld [smem:$0x3FB0];
	_ =	sdelay $0x3  }
0x36: {  	p1 =	seq.s32 s10, $0x1;
	s10 =	sld [smem:$0x3FB1];
	_ =	sdelay $0x3  }
0x37: {  	[smem:$0x3FB1] =	sst s10  }
0x38: {  	s10 =	sld [smem:$0x3FB2]  }
0x39: {  	_ = 	snop;
	(pc) =	sbr.ind lr, $3  }
0x3a: {  	_ = 	snop  }
0x3b: {  	_ = 	snop  }
0x3c: {  	p2 =	seq.s32 s10, $0x1;
	s10 =	sld [smem:$0x3FB1]  }
0x3d: {  	_ =	shalt  }
0x3e: {  	_ =	shalt  }
0x3f: {  	_ =	shalt  }
0x40: {  	_ =	shalt  }
0x41: {  	_ =	shalt  }
0x42: {  	_ =	shalt  }
0x43: {  	_ =	shalt  }
0x44: {  	_ =	shalt  }
0x45: {  	_ =	shalt  }
0x46: {  	_ =	shalt  }
0x47: {  	_ =	shalt  }
0x48: {  	_ =	shalt  }
0x49: {  	_ =	shalt  }
0x4a: {  	_ =	shalt  }
0x4b: {  	_ =	shalt  }
0x4c: {  	_ =	shalt  }
0x4d: {  	_ =	shalt  }
0x4e: {  	_ =	shalt  }
0x4f: {  	_ =	shalt  }
0x50: {  	_ =	shalt  }
0x51: {  	_ =	shalt  }
0x52: {  	_ =	shalt  }
0x53: {  	_ =	shalt  }
0x54: {  	_ =	shalt  }
0x55: {  	_ =	shalt  }
0x56: {  	_ =	shalt  }
0x57: {  	_ =	shalt  }
0x58: {  	_ =	shalt  }
0x59: {  	_ =	shalt  }
0x5a: {  	_ =	shalt  }
0x5b: {  	_ =	shalt  }
0x5c: {  	_ =	shalt  }
0x5d: {  	_ =	shalt  }
0x5e: {  	_ =	shalt  }
0x5f: {  	_ =	shalt  }
0x60: {  	_ =	shalt  }
0x61: {  	_ =	shalt  }
0x62: {  	_ =	shalt  }
0x63: {  	_ =	shalt  }
0x64: {  	_ =	shalt  }
0x65: {  	_ =	shalt  }
0x66: {  	_ =	shalt  }
0x67: {  	_ =	shalt  }
0x68: {  	_ =	shalt  }
0x69: {  	_ =	shalt  }
0x6a: {  	_ =	shalt  }
0x6b: {  	_ =	shalt  }
0x6c: {  	_ =	shalt  }
0x6d: {  	_ =	shalt  }
0x6e: {  	_ =	shalt  }
0x6f: {  	_ =	shalt  }
0x70: {  	_ =	shalt  }
0x71: {  	_ =	shalt  }
0x72: {  	_ =	shalt  }
0x73: {  	_ =	shalt  }
0x74: {  	_ =	shalt  }
0x75: {  	_ =	shalt  }
0x76: {  	_ =	shalt  }
0x77: {  	_ =	shalt  }
0x78: {  	_ =	shalt  }
0x79: {  	_ =	shalt  }
0x7a: {  	_ =	shalt  }
0x7b: {  	_ =	shalt  }
0x7c: {  	_ =	shalt  }
0x7d: {  	_ =	shalt  }
0x7e: {  	_ =	shalt  }
0x7f: {  	_ =	shalt  }
0x80: {  	_ =	shalt  }
0x81: {  	_ =	shalt  }
0x82: {  	_ =	shalt  }
0x83: {  	_ =	shalt  }
0x84: {  	_ =	shalt  }
0x85: {  	_ =	shalt  }
0x86: {  	_ =	shalt  }
0x87: {  	_ =	shalt  }
.Lfunc_end0:
.L_simem_size_0:
called_computation.1_lowered:
.L_overlay_start_0:
0x88: {  	s2 =	sld [smem:$0x3FD9]  }
0x89: {  	s3 =	sld [smem:$0x3FFE];
	_ =	sdelay $0x1  }
0x8a: {  	s1 =	srdreg.scid  }
0x8b: {  	s0 =	sand.u32 $0x1, s1  }
0x8c: {  	s14 =	sshll.u32 s0, $0xA;
	s2 =	sadd.s32 s3, s2  }
0x8d: {  	s2 =	sadd.s32 s2, s14  }
0x8e: {  	[smem:$0x3FBD] =	sst s2  }
0x8f: {  	_ = 	snop  }
0x90: {  	s2 =	sld [smem:$0x3FD0];
	_ =	sdelay $0x2  }
0x91: {  	s15 =	simm.s32 $0xA;
	s4 =	simm.s32 $0x10  }
0x92: {  	[smem:s4], [sflag:s15] =	dma.local [hbm:s2], $0x1  }
0x93: {  	_ =	swait.eq [sflag:s15], $0x1  }
0x94: {  	[sflag:s15] =	ssyncset.done $0x0  }
0x95: {  	[sflag:s15] =	ssyncadd.s32 $0xFFFFFFFF  }
0x96: {  	s16 =	sld [smem:$0x11];
	(tm) =	ssettm $0x1  }
0x97: {  	s17 =	sld [smem:$0x3FFB];
	_ =	sdelay $0x3  }
0x98: {  	_ =	strace s17  }
0x99: {  	s3 =	sld [smem:$0x3FFC];
	_ =	sdelay $0x3  }
0x9a: {  	_ =	strace s3  }
0x9b: {  	s3 =	sld [smem:$0x3FFD];
	_ =	sdelay $0x3  }
0x9c: {  	_ =	strace s3  }
0x9d: {  	_ =	strace $0x8FFFFFFF  }
0x9e: {  	s18 =	sld [smem:$0x3FDB];
	_ =	sdelay $0x1  }
0x9f: {  	s19 =	simm.s32 $_scs_section_size  }
0xa0: {  	s5 =	simm.s32 $_size__tile_overlayer_lowered;
	s6 =	simm.s32 $_tile_overlayer_lowered  }
0xa1: {  	s22 =	simm.s32 $0x1BFF;
	s21 =	sshll.u32 s6, $0x1;
	s3 =	sadd.s32 s19, s18  }
0xa2: {  	s7 =	simm.s32 $0x0;
	s20 =	sshll.u32 s5, $0x1;
	s5 =	sadd.s32 s21, s3  }
0xa3: {  	[timem:s7], [sflag:s22] =	dma.local [hbm:s5], s20  }
0xa4: {  	_ =	swait.ge [sflag:s22], s20  }
0xa5: {  	s4 =	ssub.s32 $0x0, s20;
	[sflag:s22] =	ssyncset.done $0x0  }
0xa6: {  	[sflag:s22] =	ssyncadd.s32 s4;
	_ =	sdelay $0x1  }
0xa7: {  	s23 =	simm.s32 $0x1B8B  }
0xa8: {  	_ =	swait.ge [sflag:s23], $0x1  }
0xa9: {  	[sflag:s23] =	ssyncset.done $0x0  }
0xaa: {  	s25 =	simm.s32 $0x1B8E;
	s24 =	sld [smem:$0x3FFE];
	[sflag:s23] =	ssyncadd.s32 $0xFFFFFFFF  }
0xab: {  	s26 =	simm.s32 $execute0_lowered;
	[smem:$0x3FD2] =	sst s25  }
0xac: {  	s5 =	sshll.u32 s26, $0x1;
	_ =	strace $0x80000049;
	[dreg:$0x1] =	wrdreg $0xFFFFFFFF  }
0xad: {  	s28 =	simm.s32 $_size_execute0_lowered;
	s3 =	sadd.s32 s3, s5;
	[dreg:$0x0] =	wrdreg $0x0  }
0xae: {  	s5 =	sshll.u32 s28, $0x1;
	[dreg:$0x2] =	wrdreg s3  }
0xaf: {  	[dreg:$0x3] =	wrdreg s5  }
0xb0: {  	[dreg:$0x4] =	wrdreg $0xC0  }
0xb1: {  	_ =	task [dreg:s7], $0x5FFFF  }
0xb2: {  	[dreg:$0x1] =	wrdreg $0xFFFFFFFF  }
0xb3: {  	[dreg:$0x0] =	wrdreg $0x60  }
0xb4: {  	[dreg:$0x2] =	wrdreg s24  }
0xb5: {  	[dreg:$0x3] =	wrdreg s16  }
0xb6: {  	[dreg:$0x4] =	wrdreg $0x0  }
0xb7: {  	[dreg:$0x5] =	wrdreg $0x9  }
0xb8: {  	_ =	task.clear_ibuf [dreg:s7], $0x6FFFF;
	_ =	strace $0x90000049  }
0xb9: {  	s29 =	simm.s32 $0x9;
	_ =	strace $0x8000004B  }
0xba: {  	_ =	swait.ge [sflag:s29], $0x1  }
0xbb: {  	[sflag:s29] =	ssyncadd.s32 $0xFFFFFFFF  }
0xbc: {  	_ =	strace $0x9000004B  }
0xbd: {  	_ =	sfence  }
0xbe: {  	s30 =	sld [smem:$0x0];
	_ =	sdelay $0x2  }
0xbf: {  	s31 =	sshll.u32 s1, $0xD;
	s1 =	sshrl.u32 s1, $0x2  }
0xc0: {  	s3 =	sand.u32 $0x4000, s31;
	s1 =	sadd.s32 s1, s30  }
0xc1: {  	s0 =	sor.u32 s3, s0;
	s1 =	sshll.u32 s1, $0x11  }
0xc2: {  	s0 =	sor.u32 s1, s0  }
0xc3: {  	s0 =	sadd.s32 $0x8F2B, s0  }
0xc4: {  	[sflag:s0] =	ssyncadd.remote.s32 $0x1  }
0xc5: {  	_ =	sfence.sel $0xFFFF  }
0xc6: {  	[dreg:$0x0] =	wrdreg $0xFFFFFFFF;
	(pc) =	sbr.abs _section_cstart, $3  }
0xc7: {  	[dreg:$0x1] =	wrdreg $0xFFFFFFFF  }
0xc8: {  	_ =	task.clear_ibuf [dreg:s7], $0x2FFFF;
	_ =	strace $0x9FFFFFFF  }
0xc9: {  	(tm) =	ssettm $0x7FFFFFFF  }
tec
execute0_lowered:
.L_overlay_start_1:
0x0: {  	(tag) =	ssettag $0x1  }
0x1: {  	s0 =	rddreg [dreg:$0x0]  }
0x2: {  	s2 =	rddreg [dreg:$0x1]  }
0x3: {  	s1 =	rddreg [dreg:$0x2];
	s3 =	simm.s32 $0x0  }
0x4: {  	s5 =	srdreg.scid;
	s9 =	stileid.u32;
	s28 =	simm.s32 $0x13880  }
0x5: {  	s29 =	simm.s32 $0x13900;
	s30 =	simm.s32 $0x16100;
	s31 =	simm.s32 $0x16180  }
0x6: {  	[smem:$0x7FF] =	sst s3;
	s4 =	sadd.s32 $0x18EBC00, s0;
	s11 =	smul.u32 $0x4E20, s9  }
0x7: {  	s8 =	sand.u32 $0x1, s5;
	s12 =	sadd.s32 $0x1200, s0;
	s6 =	smul.u32 $0x4E000, s9  }
0x8: {  	s0 =	sadd.s32 $0xB000, s0;
	s13 =	smul.u32 $0x13800, s9;
	s20 =	sshll.u32 s9, $0x6  }
0x9: {  	s16 =	smul.u32 $0x271000, s9;
	s10 =	sadd.s32 $0x138000, s1;
	p0 =	sne.s32 s9, $0xF  }
0xa: {  	_ =	strace $0x8000004A;
	s5 =	ssub.s32 $0x2, s8;
	s15 =	smul.u32 $0x4E20000, s8  }
0xb: {  	[dreg:$0x4] =	wrdreg s10;
	s7 =	sshrl.u32 s5, $0x1;
	s18 =	sshrl.u32 s6, $0x2  }
0xc: {  	s19 =	sshrl.u32 s13, $0x3;
	s14 =	ssub.s32 s5, s7;
	s5 =	sadd.s32 s18, s1  }
0xd: {  	s6 =	sadd.s32 s2, s19;
	s7 =	sor.u32 $0x1C03, s20;
	s20 =	sadd.s32 $0x27000, s2  }
0xe: {  	s2 =	sadd.s32 s16, s15;
	s18 =	smul.u32 $0x271000, s8;
	s8 =	sshllo.u32 s8, $0x1  }
0xf: {  	s21 =	sshrl.u32 s11, $0x3;
	s17 =	sshrl.u32 s2, $0x3;
	s19 =	smul.u32 $0x2710000, s8  }
0x10: {  	s21 =	sadd.s32 s12, s21;
	s8 =	smul.u32 $0x138800, s8;
	s22 =	sadd.s32 s4, s17  }
0x11: {  	s23 =	sadd.s32 s13, s18;
	s18 =	sshrl.u32 s18, $0x3;
	[dreg:$0x5] =	wrdreg s22  }
0x12: {  	s17 =	sshrl.u32 s23, $0x3;
	s18 =	sadd.s32 s0, s18;
	s16 =	sadd.s32 s16, s19  }
0x13: {  	s13 =	sadd.s32 s13, s8;
	s8 =	sshrl.u32 s8, $0x3;
	s24 =	sadd.s32 s0, s17  }
0x14: {  	s25 =	sadd.s32 $0x27000, s18;
	s16 =	sshrl.u32 s16, $0x3;
	[dreg:$0x6] =	wrdreg s24  }
0x15: {  	s13 =	sshrl.u32 s13, $0x3;
	[dreg:$0x7] =	wrdreg s25;
	s26 =	sadd.s32 s4, s16  }
0x16: {  	s8 =	sadd.s32 s0, s8;
	s0 =	sadd.s32 s0, s13;
	[dreg:$0x8] =	wrdreg s26  }
0x17: {  	s10 =	sadd.s32 $0x27000, s8;
	s13 =	sadd.s32 $0x4DD0, s11;
	[dreg:$0x9] =	wrdreg s0  }
0x18: {  	s16 =	smax.u32 s14, $0x1;
	s24 =	sadd.s32 $0x2800, s2;
	[dreg:$0xa] =	wrdreg s10  }
0x19: {  	s25 =	sadd.s32 $0x2715000, s2;
	s11 =	simm.s32 $0x0;
	[dreg:$0xb] =	wrdreg s16  }
0x1a: {  	s17 =	sshrl.u32 s13, $0x3;
	s0 =	sshll.u32 s13, $0x7;
	s16 =	sadd.s32 $0x5000, s2  }
0x1b: {  	s2 =	sadd.s32 $0x2712800, s2;
	s26 =	sshrl.u32 s25, $0x3;
	s18 =	sadd.s32 s15, s0  }
0x1c: {  	s0 =	sadd.s32 s19, s0;
	s19 =	smul.u32 $0x9C4, s9;
	s8 =	sadd.s32 s12, s17  }
0x1d: {  	s2 =	sshrl.u32 s2, $0x3;
	[dreg:$0xc] =	wrdreg s8;
	s22 =	sshrl.u32 s18, $0x3  }
0x1e: {  	s0 =	sshrl.u32 s0, $0x3;
	s25 =	sadd.s32 s2, s4;
	s8 =	sadd.s32 s4, s22  }
0x1f: {  	s0 =	sadd.s32 s4, s0;
	s23 =	sadd.s32 s19, s12;
	[dreg:$0xd] =	wrdreg s8  }
0x20: {  	s2 =	simm.s32 $0x50;
	[dreg:$0xe] =	wrdreg s0;
	s22 =	sadd.s32 $0x14, s23  }
0x21: {  	s0 =	sshrl.u32 s24, $0x3;
	s24 =	sadd.s32 s26, s4;
	s26 =	simm.s32 $0x3  }
0x22: {  	s8 =	simm.s32 $0x2;
	s23 =	sadd.s32 s0, s4;
	s0 =	simm.s32 $0x1  }
.LBB2_1:
0x23: {  	s12 =	sshrl.u32 s5, $0x3  }
0x24: {  	[spmem:s12], [sflag:s7] =	dma.local [hbm:s6], $0x2700  }
0x25: {  	_ =	swait.ge [sflag:s26], $0x2700  }
0x26: {  	[sflag:s26] =	ssyncset.done $0x0;
	s9 =	rddreg [dreg:$0x4]  }
0x27: {  	s14 =	simm.s32 @!p0 $0x3;
	[sflag:s26] =	ssyncadd.s32 $0xFFFFD900;
	s13 =	sshrl.u32 @!p0 s9, $0x3  }
0x28: {  	[spmem:s13], [sflag:s7] =	dma.local @!p0 [hbm:s20], $0x100  }
0x29: {  	_ =	swait.ge @!p0 [sflag:s14], $0x100  }
0x2a: {  	[sflag:s14] =	ssyncset.done @!p0 $0x0  }
0x2b: {  	[sflag:s14] =	ssyncadd.s32 @!p0 $0xFFFFFF00  }
0x2c: {  	[bflag:$0x0] =	sbarrier.arrive $0xFFFF  }
0x2d: {  	[tilespmem:s28], [sflag:$0x1] =	stream.linear.gather [hbm4b:s21+s3], $0x50, $0x38;
	[tilespmem:$0x18980] =	vst v63  }
0x2e: {  	s10 =	smov.u32 s20;
	s20 =	rddreg [dreg:$0x5]  }
0x2f: {  	[tilespmem:s29], [sflag:$0x1] =	stream.linear.gather [hbm4b:s20+s3], $0x2800, $0x38;
	[tilespmem:$0x18980] =	vst v63  }
0x30: {  	s14 =	sadd.s32 $0xFFFFFFF6, s22  }
0x31: {  	[tilespmem:s30], [sflag:$0x2] =	stream.linear.gather [hbm4b:s14+s3], $0x50, $0x38;
	[tilespmem:$0x18980] =	vst v63  }
0x32: {  	s15 =	sadd.s32 $0x0, s23  }
0x33: {  	[tilespmem:s31], [sflag:$0x2] =	stream.linear.gather [hbm4b:s15+s3], $0x2800, $0x38;
	[tilespmem:$0x18980] =	vst v63  }
0x34: {  	_ =	swait.ge [sflag:s0], $0x50  }
0x35: {  	[sflag:s0] =	ssyncset.done $0x0  }
0x36: {  	[sflag:s0] =	ssyncadd.s32 $0xFFFFFFB0  }
0x37: {  	_ =	swait.ge [sflag:s0], $0x2800  }
0x38: {  	[sflag:s0] =	ssyncset.done $0x0  }
0x39: {  	[sflag:s0] =	ssyncadd.s32 $0xFFFFD800  }
0x3a: {  	[spmem:s1] =	stream.indirect.scatter.add.f32 [tilespmem:s29], [sflag:$0x3], $0x80, s28, s2, $0xb8;
	[tilespmem:$0x18980] =	vst v63  }
0x3b: {  	_ =	swait.ge [sflag:s26], $0x2800  }
0x3c: {  	[sflag:s26] =	ssyncset.done $0x0  }
0x3d: {  	s18 =	smov.u32 s21;
	s21 =	sshrl.u32 s16, $0x3;
	[sflag:s26] =	ssyncadd.s32 $0xFFFFD800  }
0x3e: {  	[tilespmem:s28], [sflag:$0x1] =	stream.linear.gather [hbm4b:s22+s3], $0x50, $0x38;
	[tilespmem:$0x18980] =	vst v63  }
0x3f: {  	s15 =	sadd.s32 s4, s21  }
0x40: {  	[tilespmem:s29], [sflag:$0x1] =	stream.linear.gather [hbm4b:s15+s3], $0x2800, $0x38;
	[tilespmem:$0x18980] =	vst v63  }
0x41: {  	_ =	swait.ge [sflag:s8], $0x50  }
0x42: {  	[sflag:s8] =	ssyncset.done $0x0  }
0x43: {  	[sflag:s8] =	ssyncadd.s32 $0xFFFFFFB0  }
0x44: {  	_ =	swait.ge [sflag:s8], $0x2800  }
0x45: {  	[sflag:s8] =	ssyncset.done $0x0  }
0x46: {  	[sflag:s8] =	ssyncadd.s32 $0xFFFFD800  }
0x47: {  	[spmem:s1] =	stream.indirect.scatter.add.f32 [tilespmem:s31], [sflag:$0x3], $0x80, s30, s2, $0xb8;
	[tilespmem:$0x18980] =	vst v63  }
0x48: {  	s17 =	simm.s32 $0xA00;
	s19 =	simm.s32 $0x1400;
	_ =	swait.ge [sflag:s26], $0x2800  }
0x49: {  	s21 =	smov.u32 s16;
	s15 =	sadd.s32 $0x14, s22;
	[sflag:s26] =	ssyncset.done $0x0  }
.LBB2_2:
0x4a: {  	s20 =	sadd.s32 $0xFFFFFFF6, s15  }
0x4b: {  	[sflag:s26] =	ssyncadd.s32 $0xFFFFD800;
	s21 =	sadd.s32 $0x5000, s21;
	s9 =	smov.u32 s19  }
0x4c: {  	[tilespmem:s30], [sflag:$0x2] =	stream.linear.gather [hbm4b:s20+s3], $0x50, $0x38;
	[tilespmem:$0x18980] =	vst v63  }
0x4d: {  	p1 =	sne.s32 s19, $0x4CE00;
	s19 =	sadd.s32 $0xA00, s19;
	s17 =	sadd.s32 s17, s23  }
0x4e: {  	[tilespmem:s31], [sflag:$0x2] =	stream.linear.gather [hbm4b:s17+s3], $0x2800, $0x38;
	[tilespmem:$0x18980] =	vst v63  }
0x4f: {  	s17 =	smov.u32 s9;
	_ =	swait.ge [sflag:s0], $0x50  }
0x50: {  	[sflag:s0] =	ssyncset.done $0x0  }
0x51: {  	[sflag:s0] =	ssyncadd.s32 $0xFFFFFFB0  }
0x52: {  	_ =	swait.ge [sflag:s0], $0x2800  }
0x53: {  	[sflag:s0] =	ssyncset.done $0x0  }
0x54: {  	[sflag:s0] =	ssyncadd.s32 $0xFFFFD800  }
0x55: {  	[spmem:s1] =	stream.indirect.scatter.add.f32 [tilespmem:s29], [sflag:$0x3], $0x80, s28, s2, $0xb8;
	[tilespmem:$0x18980] =	vst v63  }
0x56: {  	_ =	swait.ge [sflag:s26], $0x2800  }
0x57: {  	[sflag:s26] =	ssyncset.done $0x0  }
0x58: {  	s9 =	sshrl.u32 s21, $0x3;
	[sflag:s26] =	ssyncadd.s32 $0xFFFFD800  }
0x59: {  	[tilespmem:s28], [sflag:$0x1] =	stream.linear.gather [hbm4b:s15+s3], $0x50, $0x38;
	[tilespmem:$0x18980] =	vst v63  }
0x5a: {  	s9 =	sadd.s32 s4, s9  }
0x5b: {  	[tilespmem:s29], [sflag:$0x1] =	stream.linear.gather [hbm4b:s9+s3], $0x2800, $0x38;
	[tilespmem:$0x18980] =	vst v63  }
0x5c: {  	_ =	swait.ge [sflag:s8], $0x50  }
0x5d: {  	[sflag:s8] =	ssyncset.done $0x0  }
0x5e: {  	[sflag:s8] =	ssyncadd.s32 $0xFFFFFFB0  }
0x5f: {  	_ =	swait.ge [sflag:s8], $0x2800  }
.Ltmp0:
0x60: {  	[sflag:s8] =	ssyncset.done $0x0;
	(pc) =	sbr.rel @p1 .LBB2_2-.Ltmp0, $4  }
0x61: {  	[sflag:s8] =	ssyncadd.s32 $0xFFFFD800  }
0x62: {  	[spmem:s1] =	stream.indirect.scatter.add.f32 [tilespmem:s31], [sflag:$0x3], $0x80, s30, s2, $0xb8;
	[tilespmem:$0x18980] =	vst v63  }
0x63: {  	_ =	swait.ge [sflag:s26], $0x2800  }
0x64: {  	s15 =	sadd.s32 $0x14, s15;
	[sflag:s26] =	ssyncset.done $0x0  }
0x65: {  	s9 =	sadd.s32 $0xFFFFFFF6, s15;
	[sflag:s26] =	ssyncadd.s32 $0xFFFFD800  }
0x66: {  	[tilespmem:s30], [sflag:$0x2] =	stream.linear.gather [hbm4b:s9+s3], $0x50, $0x38;
	[tilespmem:$0x18980] =	vst v63  }
0x67: {  	s20 =	sadd.s32 s17, s23  }
0x68: {  	[tilespmem:s31], [sflag:$0x2] =	stream.linear.gather [hbm4b:s20+s3], $0x2800, $0x38;
	[tilespmem:$0x18980] =	vst v63  }
0x69: {  	_ =	swait.ge [sflag:s0], $0x50  }
0x6a: {  	[sflag:s0] =	ssyncset.done $0x0  }
0x6b: {  	[sflag:s0] =	ssyncadd.s32 $0xFFFFFFB0  }
0x6c: {  	_ =	swait.ge [sflag:s0], $0x2800  }
0x6d: {  	[sflag:s0] =	ssyncset.done $0x0  }
0x6e: {  	[sflag:s0] =	ssyncadd.s32 $0xFFFFD800  }
0x6f: {  	[spmem:s1] =	stream.indirect.scatter.add.f32 [tilespmem:s29], [sflag:$0x3], $0x80, s28, s2, $0xb8;
	[tilespmem:$0x18980] =	vst v63  }
0x70: {  	_ =	swait.ge [sflag:s26], $0x2800  }
0x71: {  	s17 =	sadd.s32 $0x5000, s21;
	[sflag:s26] =	ssyncset.done $0x0  }
0x72: {  	s9 =	sshrl.u32 s17, $0x3;
	[sflag:s26] =	ssyncadd.s32 $0xFFFFD800  }
0x73: {  	[tilespmem:s28], [sflag:$0x1] =	stream.linear.gather [hbm4b:s15+s3], $0x50, $0x38;
	[tilespmem:$0x18980] =	vst v63  }
0x74: {  	s9 =	sadd.s32 s4, s9  }
0x75: {  	[tilespmem:s29], [sflag:$0x1] =	stream.linear.gather [hbm4b:s9+s3], $0x2800, $0x38;
	[tilespmem:$0x18980] =	vst v63  }
0x76: {  	_ =	swait.ge [sflag:s8], $0x50  }
0x77: {  	[sflag:s8] =	ssyncset.done $0x0  }
0x78: {  	[sflag:s8] =	ssyncadd.s32 $0xFFFFFFB0  }
0x79: {  	_ =	swait.ge [sflag:s8], $0x2800  }
0x7a: {  	[sflag:s8] =	ssyncset.done $0x0  }
0x7b: {  	[sflag:s8] =	ssyncadd.s32 $0xFFFFD800  }
0x7c: {  	[spmem:s1] =	stream.indirect.scatter.add.f32 [tilespmem:s31], [sflag:$0x3], $0x80, s30, s2, $0xb8;
	[tilespmem:$0x18980] =	vst v63  }
0x7d: {  	_ =	swait.ge [sflag:s26], $0x2800  }
0x7e: {  	[sflag:s26] =	ssyncset.done $0x0  }
0x7f: {  	s19 =	rddreg [dreg:$0xc];
	[sflag:s26] =	ssyncadd.s32 $0xFFFFD800  }
0x80: {  	[tilespmem:s30], [sflag:$0x2] =	stream.linear.gather [hbm4b:s19+s3], $0x50, $0x38;
	[tilespmem:$0x18980] =	vst v63  }
0x81: {  	s20 =	rddreg [dreg:$0xd]  }
0x82: {  	[tilespmem:s31], [sflag:$0x2] =	stream.linear.gather [hbm4b:s20+s3], $0x2800, $0x38;
	[tilespmem:$0x18980] =	vst v63  }
0x83: {  	_ =	swait.ge [sflag:s0], $0x50  }
0x84: {  	[sflag:s0] =	ssyncset.done $0x0  }
0x85: {  	[sflag:s0] =	ssyncadd.s32 $0xFFFFFFB0  }
0x86: {  	_ =	swait.ge [sflag:s0], $0x2800  }
0x87: {  	[sflag:s0] =	ssyncset.done $0x0  }
0x88: {  	[sflag:s0] =	ssyncadd.s32 $0xFFFFD800  }
0x89: {  	[spmem:s1] =	stream.indirect.scatter.add.f32 [tilespmem:s29], [sflag:$0x3], $0x80, s28, s2, $0xb8;
	[tilespmem:$0x18980] =	vst v63  }
0x8a: {  	_ =	swait.ge [sflag:s26], $0x2800  }
0x8b: {  	[sflag:s26] =	ssyncset.done $0x0  }
0x8c: {  	[sflag:s26] =	ssyncadd.s32 $0xFFFFD800  }
0x8d: {  	_ =	swait.ge [sflag:s8], $0x50  }
0x8e: {  	[sflag:s8] =	ssyncset.done $0x0  }
0x8f: {  	[sflag:s8] =	ssyncadd.s32 $0xFFFFFFB0  }
0x90: {  	_ =	swait.ge [sflag:s8], $0x2800  }
0x91: {  	[sflag:s8] =	ssyncset.done $0x0  }
0x92: {  	[sflag:s8] =	ssyncadd.s32 $0xFFFFD800  }
0x93: {  	[spmem:s1] =	stream.indirect.scatter.add.f32 [tilespmem:s31], [sflag:$0x3], $0x80, s30, s2, $0xb8;
	[tilespmem:$0x18980] =	vst v63  }
0x94: {  	_ =	swait.ge [sflag:s26], $0x2800  }
0x95: {  	[sflag:s26] =	ssyncset.done $0x0  }
0x96: {  	[sflag:s26] =	ssyncadd.s32 $0xFFFFD800  }
0x97: {  	[bflag:$0x0] =	sbarrier.arrive $0xFFFF  }
0x98: {  	s21 =	rddreg [dreg:$0x6]  }
0x99: {  	[hbm:s21], [sflag:s7] =	dma.local [spmem:s12], $0x2700  }
0x9a: {  	_ =	swait.ge [sflag:s26], $0x2700  }
0x9b: {  	[sflag:s26] =	ssyncset.done $0x0  }
0x9c: {  	s9 =	sshrl.u32 @p0 s5, $0x3;
	[sflag:s26] =	ssyncadd.s32 $0xFFFFD900  }
0x9d: {  	[spmem:s9], [sflag:s7] =	dma.local @p0 [hbm:s6], $0x2700  }
0x9e: {  	s9 =	simm.s32 @p0 $0x3  }
0x9f: {  	_ =	swait.ge @p0 [sflag:s9], $0x2700  }
0xa0: {  	[sflag:s9] =	ssyncset.done @p0 $0x0  }
0xa1: {  	[sflag:s9] =	ssyncadd.s32 @p0 $0xFFFFD900;
	s9 =	rddreg [dreg:$0x7]  }
0xa2: {  	[hbm:s9], [sflag:s7] =	dma.local @!p0 [spmem:s13], $0x100  }
0xa3: {  	s9 =	simm.s32 @!p0 $0x3  }
0xa4: {  	_ =	swait.ge @!p0 [sflag:s9], $0x100  }
0xa5: {  	[sflag:s9] =	ssyncset.done @!p0 $0x0  }
0xa6: {  	s15 =	sshrl.u32 @!p0 s5, $0x3;
	[sflag:s9] =	ssyncadd.s32 @!p0 $0xFFFFFF00  }
0xa7: {  	[spmem:s15], [sflag:s7] =	dma.local @!p0 [hbm:s6], $0x2700  }
0xa8: {  	_ =	swait.ge @!p0 [sflag:s9], $0x2700  }
0xa9: {  	[sflag:s9] =	ssyncset.done @!p0 $0x0  }
0xaa: {  	[sflag:s9] =	ssyncadd.s32 @!p0 $0xFFFFD900  }
0xab: {  	[spmem:s13], [sflag:s7] =	dma.local @!p0 [hbm:s10], $0x100  }
0xac: {  	_ =	swait.ge @!p0 [sflag:s9], $0x100  }
0xad: {  	[sflag:s9] =	ssyncset.done @!p0 $0x0  }
0xae: {  	[sflag:s9] =	ssyncadd.s32 @!p0 $0xFFFFFF00  }
0xaf: {  	s15 =	simm.s32 $0x0;
	[bflag:$0x0] =	sbarrier.arrive $0xFFFF  }
0xb0: {  	[tilespmem:s28], [sflag:$0x1] =	stream.linear.gather [hbm4b:s18+s15], $0x50, $0x38;
	[tilespmem:$0x18980] =	vst v63  }
0xb1: {  	s17 =	rddreg [dreg:$0x8]  }
0xb2: {  	[tilespmem:s29], [sflag:$0x1] =	stream.linear.gather [hbm4b:s17+s15], $0x2800, $0x38;
	[tilespmem:$0x18980] =	vst v63  }
0xb3: {  	_ = 	snop  }
0xb4: {  	[tilespmem:s30], [sflag:$0x2] =	stream.linear.gather [hbm4b:s14+s3], $0x50, $0x38;
	[tilespmem:$0x18980] =	vst v63  }
0xb5: {  	s21 =	smov.u32 s18;
	s18 =	sadd.s32 $0x0, s25  }
0xb6: {  	[tilespmem:s31], [sflag:$0x2] =	stream.linear.gather [hbm4b:s18+s3], $0x2800, $0x38;
	[tilespmem:$0x18980] =	vst v63  }
0xb7: {  	_ =	swait.ge [sflag:s0], $0x50  }
0xb8: {  	[sflag:s0] =	ssyncset.done $0x0  }
0xb9: {  	[sflag:s0] =	ssyncadd.s32 $0xFFFFFFB0  }
0xba: {  	_ =	swait.ge [sflag:s0], $0x2800  }
0xbb: {  	[sflag:s0] =	ssyncset.done $0x0  }
0xbc: {  	[sflag:s0] =	ssyncadd.s32 $0xFFFFD800  }
0xbd: {  	[spmem:s1] =	stream.indirect.scatter.add.f32 [tilespmem:s29], [sflag:$0x3], $0x80, s28, s2, $0xb8;
	[tilespmem:$0x18980] =	vst v63  }
0xbe: {  	_ =	swait.ge [sflag:s26], $0x2800  }
0xbf: {  	[sflag:s26] =	ssyncset.done $0x0  }
0xc0: {  	[sflag:s26] =	ssyncadd.s32 $0xFFFFD800  }
0xc1: {  	[tilespmem:s28], [sflag:$0x1] =	stream.linear.gather [hbm4b:s22+s3], $0x50, $0x38;
	[tilespmem:$0x18980] =	vst v63  }
0xc2: {  	s19 =	sadd.s32 $0x0, s24  }
0xc3: {  	[tilespmem:s29], [sflag:$0x1] =	stream.linear.gather [hbm4b:s19+s3], $0x2800, $0x38;
	[tilespmem:$0x18980] =	vst v63  }
0xc4: {  	_ =	swait.ge [sflag:s8], $0x50  }
0xc5: {  	[sflag:s8] =	ssyncset.done $0x0  }
0xc6: {  	[sflag:s8] =	ssyncadd.s32 $0xFFFFFFB0  }
0xc7: {  	_ =	swait.ge [sflag:s8], $0x2800  }
0xc8: {  	[sflag:s8] =	ssyncset.done $0x0  }
0xc9: {  	[sflag:s8] =	ssyncadd.s32 $0xFFFFD800  }
0xca: {  	[spmem:s1] =	stream.indirect.scatter.add.f32 [tilespmem:s31], [sflag:$0x3], $0x80, s30, s2, $0xb8;
	[tilespmem:$0x18980] =	vst v63  }
0xcb: {  	s20 =	smov.u32 s10;
	s17 =	simm.s32 $0x1400;
	_ =	swait.ge [sflag:s26], $0x2800  }
0xcc: {  	s15 =	sadd.s32 $0x14, s22;
	s14 =	simm.s32 $0xA00;
	[sflag:s26] =	ssyncset.done $0x0  }
.LBB2_4:
0xcd: {  	p1 =	sne.s32 s17, $0x4CE00;
	s9 =	sadd.s32 $0xFFFFFFF6, s15;
	[sflag:s26] =	ssyncadd.s32 $0xFFFFD800  }
0xce: {  	[tilespmem:s30], [sflag:$0x2] =	stream.linear.gather [hbm4b:s9+s3], $0x50, $0x38;
	[tilespmem:$0x18980] =	vst v63  }
0xcf: {  	s19 =	smov.u32 s17;
	s17 =	sadd.s32 $0xA00, s17;
	s9 =	sadd.s32 s14, s25  }
0xd0: {  	[tilespmem:s31], [sflag:$0x2] =	stream.linear.gather [hbm4b:s9+s3], $0x2800, $0x38;
	[tilespmem:$0x18980] =	vst v63  }
0xd1: {  	_ =	swait.ge [sflag:s0], $0x50  }
0xd2: {  	[sflag:s0] =	ssyncset.done $0x0  }
0xd3: {  	[sflag:s0] =	ssyncadd.s32 $0xFFFFFFB0  }
0xd4: {  	_ =	swait.ge [sflag:s0], $0x2800  }
0xd5: {  	[sflag:s0] =	ssyncset.done $0x0  }
0xd6: {  	[sflag:s0] =	ssyncadd.s32 $0xFFFFD800  }
0xd7: {  	[spmem:s1] =	stream.indirect.scatter.add.f32 [tilespmem:s29], [sflag:$0x3], $0x80, s28, s2, $0xb8;
	[tilespmem:$0x18980] =	vst v63  }
0xd8: {  	_ =	swait.ge [sflag:s26], $0x2800  }
0xd9: {  	[sflag:s26] =	ssyncset.done $0x0  }
0xda: {  	[sflag:s26] =	ssyncadd.s32 $0xFFFFD800  }
0xdb: {  	[tilespmem:s28], [sflag:$0x1] =	stream.linear.gather [hbm4b:s15+s3], $0x50, $0x38;
	[tilespmem:$0x18980] =	vst v63  }
0xdc: {  	s9 =	sadd.s32 s14, s24;
	s14 =	smov.u32 s19  }
0xdd: {  	[tilespmem:s29], [sflag:$0x1] =	stream.linear.gather [hbm4b:s9+s3], $0x2800, $0x38;
	[tilespmem:$0x18980] =	vst v63  }
0xde: {  	_ =	swait.ge [sflag:s8], $0x50  }
0xdf: {  	[sflag:s8] =	ssyncset.done $0x0  }
0xe0: {  	[sflag:s8] =	ssyncadd.s32 $0xFFFFFFB0  }
0xe1: {  	_ =	swait.ge [sflag:s8], $0x2800  }
.Ltmp1:
0xe2: {  	[sflag:s8] =	ssyncset.done $0x0;
	(pc) =	sbr.rel @p1 .LBB2_4-.Ltmp1, $4  }
0xe3: {  	[sflag:s8] =	ssyncadd.s32 $0xFFFFD800  }
0xe4: {  	[spmem:s1] =	stream.indirect.scatter.add.f32 [tilespmem:s31], [sflag:$0x3], $0x80, s30, s2, $0xb8;
	[tilespmem:$0x18980] =	vst v63  }
0xe5: {  	_ =	swait.ge [sflag:s26], $0x2800  }
0xe6: {  	s15 =	sadd.s32 $0x14, s15;
	[sflag:s26] =	ssyncset.done $0x0  }
0xe7: {  	s9 =	sadd.s32 $0xFFFFFFF6, s15;
	[sflag:s26] =	ssyncadd.s32 $0xFFFFD800  }
0xe8: {  	[tilespmem:s30], [sflag:$0x2] =	stream.linear.gather [hbm4b:s9+s3], $0x50, $0x38;
	[tilespmem:$0x18980] =	vst v63  }
0xe9: {  	s10 =	sadd.s32 s14, s25  }
0xea: {  	[tilespmem:s31], [sflag:$0x2] =	stream.linear.gather [hbm4b:s10+s3], $0x2800, $0x38;
	[tilespmem:$0x18980] =	vst v63  }
0xeb: {  	_ =	swait.ge [sflag:s0], $0x50  }
0xec: {  	[sflag:s0] =	ssyncset.done $0x0  }
0xed: {  	[sflag:s0] =	ssyncadd.s32 $0xFFFFFFB0  }
0xee: {  	_ =	swait.ge [sflag:s0], $0x2800  }
0xef: {  	[sflag:s0] =	ssyncset.done $0x0  }
0xf0: {  	[sflag:s0] =	ssyncadd.s32 $0xFFFFD800  }
0xf1: {  	[spmem:s1] =	stream.indirect.scatter.add.f32 [tilespmem:s29], [sflag:$0x3], $0x80, s28, s2, $0xb8;
	[tilespmem:$0x18980] =	vst v63  }
0xf2: {  	_ =	swait.ge [sflag:s26], $0x2800  }
0xf3: {  	[sflag:s26] =	ssyncset.done $0x0  }
0xf4: {  	[sflag:s26] =	ssyncadd.s32 $0xFFFFD800  }
0xf5: {  	[tilespmem:s28], [sflag:$0x1] =	stream.linear.gather [hbm4b:s15+s3], $0x50, $0x38;
	[tilespmem:$0x18980] =	vst v63  }
0xf6: {  	s15 =	sadd.s32 s14, s24  }
0xf7: {  	[tilespmem:s29], [sflag:$0x1] =	stream.linear.gather [hbm4b:s15+s3], $0x2800, $0x38;
	[tilespmem:$0x18980] =	vst v63  }
0xf8: {  	_ =	swait.ge [sflag:s8], $0x50  }
0xf9: {  	[sflag:s8] =	ssyncset.done $0x0  }
0xfa: {  	[sflag:s8] =	ssyncadd.s32 $0xFFFFFFB0  }
0xfb: {  	_ =	swait.ge [sflag:s8], $0x2800  }
0xfc: {  	[sflag:s8] =	ssyncset.done $0x0  }
0xfd: {  	[sflag:s8] =	ssyncadd.s32 $0xFFFFD800  }
0xfe: {  	[spmem:s1] =	stream.indirect.scatter.add.f32 [tilespmem:s31], [sflag:$0x3], $0x80, s30, s2, $0xb8;
	[tilespmem:$0x18980] =	vst v63  }
0xff: {  	_ =	swait.ge [sflag:s26], $0x2800  }
0x100: {  	[sflag:s26] =	ssyncset.done $0x0  }
0x101: {  	s17 =	rddreg [dreg:$0xc];
	[sflag:s26] =	ssyncadd.s32 $0xFFFFD800  }
0x102: {  	[tilespmem:s30], [sflag:$0x2] =	stream.linear.gather [hbm4b:s17+s3], $0x50, $0x38;
	[tilespmem:$0x18980] =	vst v63  }
0x103: {  	s18 =	rddreg [dreg:$0xe]  }
0x104: {  	[tilespmem:s31], [sflag:$0x2] =	stream.linear.gather [hbm4b:s18+s3], $0x2800, $0x38;
	[tilespmem:$0x18980] =	vst v63  }
0x105: {  	_ =	swait.ge [sflag:s0], $0x50  }
0x106: {  	[sflag:s0] =	ssyncset.done $0x0  }
0x107: {  	[sflag:s0] =	ssyncadd.s32 $0xFFFFFFB0  }
0x108: {  	_ =	swait.ge [sflag:s0], $0x2800  }
0x109: {  	[sflag:s0] =	ssyncset.done $0x0  }
0x10a: {  	[sflag:s0] =	ssyncadd.s32 $0xFFFFD800  }
0x10b: {  	[spmem:s1] =	stream.indirect.scatter.add.f32 [tilespmem:s29], [sflag:$0x3], $0x80, s28, s2, $0xb8;
	[tilespmem:$0x18980] =	vst v63  }
0x10c: {  	_ =	swait.ge [sflag:s26], $0x2800  }
0x10d: {  	[sflag:s26] =	ssyncset.done $0x0  }
0x10e: {  	[sflag:s26] =	ssyncadd.s32 $0xFFFFD800  }
0x10f: {  	_ =	swait.ge [sflag:s8], $0x50  }
0x110: {  	[sflag:s8] =	ssyncset.done $0x0  }
0x111: {  	[sflag:s8] =	ssyncadd.s32 $0xFFFFFFB0  }
0x112: {  	_ =	swait.ge [sflag:s8], $0x2800  }
0x113: {  	[sflag:s8] =	ssyncset.done $0x0  }
0x114: {  	[sflag:s8] =	ssyncadd.s32 $0xFFFFD800  }
0x115: {  	[spmem:s1] =	stream.indirect.scatter.add.f32 [tilespmem:s31], [sflag:$0x3], $0x80, s30, s2, $0xb8;
	[tilespmem:$0x18980] =	vst v63  }
0x116: {  	_ =	swait.ge [sflag:s26], $0x2800  }
0x117: {  	[sflag:s26] =	ssyncset.done $0x0  }
0x118: {  	[sflag:s26] =	ssyncadd.s32 $0xFFFFD800  }
0x119: {  	[bflag:$0x0] =	sbarrier.arrive $0xFFFF  }
0x11a: {  	s19 =	rddreg [dreg:$0x9]  }
0x11b: {  	[hbm:s19], [sflag:s7] =	dma.local [spmem:s12], $0x2700  }
0x11c: {  	_ =	swait.ge [sflag:s26], $0x2700  }
0x11d: {  	[sflag:s26] =	ssyncset.done $0x0  }
0x11e: {  	s9 =	rddreg [dreg:$0xa];
	[sflag:s26] =	ssyncadd.s32 $0xFFFFD900  }
0x11f: {  	[hbm:s9], [sflag:s7] =	dma.local @!p0 [spmem:s13], $0x100  }
0x120: {  	s9 =	simm.s32 @!p0 $0x3  }
0x121: {  	_ =	swait.ge @!p0 [sflag:s9], $0x100  }
0x122: {  	s11 =	sadd.s32 $0x1, s11;
	s10 =	rddreg [dreg:$0xb]  }
0x123: {  	p1 =	sne.s32 s11, s10  }
.Ltmp2:
0x124: {  	_ = 	snop;
	(pc) =	sbr.rel @p1 .LBB2_1-.Ltmp2, $3  }
0x125: {  	_ =	sdelay $0x1  }
0x126: {  	[sflag:s9] =	ssyncset.done @!p0 $0x0  }
0x127: {  	[sflag:s9] =	ssyncadd.s32 @!p0 $0xFFFFFF00  }
0x128: {  	_ =	sfence.sel $0x180000  }
0x129: {  	[bflag:$0x0] =	sbarrier.arrive $0xFFFF  }
0x12a: {  	_ =	strace $0x9000004A  }
0x12b: {  	s0 =	stileid.u32;
	[bflag:$0x2] =	sbarrier.arrive $0xFFFF  }
0x12c: {  	p0 =	sne.s32 s0, $0x0;
	s0 =	rddreg [dreg:$0x3]  }
0x12d: {  	s0 =	sadd.s32 @!p0 $0x100000, s0  }
0x12e: {  	[sflag:s0] =	ssyncadd.tile.s32 @!p0 $0x1;
	_ =	shalt  }
.Lfunc_end2:
_tile_overlayer_lowered:
.L_overlay_start_2:
0x12f: {  	(tag) =	ssettag $0x2  }
0x130: {  	s0 =	rddreg [dreg:$0x0];
	s2 =	stileid.u32  }
0x131: {  	s1 =	rddreg [dreg:$0x1];
	p0 =	sne.s32 s2, $0x0  }
0x132: {  	s3 =	rddreg [dreg:$0x2];
	[bflag:$0x3] =	sbarrier.arrive $0xFFFF;
	s2 =	simm.s32 @!p0 $0x1C03  }
0x133: {  	[timem:s3], [sflag:s2] =	dma.local @!p0 [hbm:s0], s1  }
0x134: {  	s0 =	simm.s32 @!p0 $0x3  }
0x135: {  	_ =	swait.ge @!p0 [sflag:s0], s1  }
0x136: {  	s1 =	ssub.s32 @!p0 $0x0, s1;
	[sflag:s0] =	ssyncset.done @!p0 $0x0  }
0x137: {  	[sflag:s0] =	ssyncadd.s32 @!p0 s1  }
0x138: {  	[bflag:$0x3] =	sbarrier.arrive $0xFFFF  }
0x139: {  	_ =	shalt  }

</sc_bundles>
